<compile_context>
chip_gen: v7x
topology: tpu7x:2x2x1
jax: 0.10.2.dev20260603
libtpu: 0.0.44.dev20260713+nightly
codegen_flags: <defaults>
</compile_context>

<pallas_src>
import functools
import jax
import jax.numpy as jnp
from jax import lax
from jax.experimental import pallas as pl
from jax.experimental.pallas import tpu as pltpu
from jax.experimental.pallas import tpu_sc as plsc

N = 10000
E = 160000
D = 256
H = 4

NB_N = 1000
NB_E = 2048
EP = 163840
NW = 32
SUB = 64
NSUB = 80
NP = 10112
NPT = NP // 16
SUB3 = 128
NSUB3 = EP // (NW * SUB3)



def _k1a_body(h_ref, w_ref, o_ref):
    o_ref[0, 0] = jnp.dot(h_ref[...], w_ref[0],
                          preferred_element_type=jnp.float32)


def _k1b_body(h_ref, v_ref, o_ref):
    o_ref[...] = jnp.dot(h_ref[...], v_ref[...],
                         preferred_element_type=jnp.float32)


def _k2_body(ea_ref, v_ref, o_ref):
    r = jnp.dot(ea_ref[...], v_ref[...], preferred_element_type=jnp.float32)
    col = lax.broadcasted_iota(jnp.int32, r.shape, 1)
    o_ref[...] = jnp.where(col == 4, 1.0, r)


def _k4_body(agg_ref, x4r_ref, tc_ref, parts_ref, wlin_ref,
             bgat_ref, blin_ref, lng_ref, lnb_ref, o_ref):
    asrc = tc_ref[:, 0:4]
    adst = tc_ref[:, 16:20]
    acc = parts_ref[0] + parts_ref[1]
    cnt = acc[:, 20:21]
    loop_ae = acc[:, 16:20] / jnp.maximum(cnt, 1.0)
    al = asrc + adst + loop_ae
    al = jnp.where(al > 0, al, 0.2 * al)
    wl = jnp.exp(al)
    denom = acc[:, 0:4] + wl + 1e-16
    aggs = agg_ref[0] + agg_ref[1]
    cols = []
    for hh in range(H):
        wsum_h = jnp.concatenate([aggs[2 * hh], aggs[2 * hh + 1]], axis=1)
        x4_h = jnp.concatenate([x4r_ref[2 * hh], x4r_ref[2 * hh + 1]],
                               axis=1)
        numer_h = wsum_h + wl[:, hh:hh + 1] * x4_h
        cols.append(numer_h / denom[:, hh:hh + 1])
    z = jnp.concatenate(cols, axis=1) + bgat_ref[...]
    y = jnp.dot(z, wlin_ref[...], preferred_element_type=jnp.float32)
    y = y + blin_ref[...]
    mu = jnp.mean(y, axis=-1, keepdims=True)
    var = jnp.mean((y - mu) ** 2, axis=-1, keepdims=True)
    o_ref[...] = (y - mu) * lax.rsqrt(var + 1e-5) * lng_ref[...] + lnb_ref[...]



def _s1_body(src1d, dst1d, tc_hbm, ae16f, zrows128, w16_out, acc_out,
             src_i, dst_i, ts_v, td_v, ae_v, w_v, wa_v, acc_sh):
    cid = lax.axis_index("c")
    sid = lax.axis_index("s")
    wid = sid * 2 + cid
    @pl.when(sid == 0)
    def _init():
        pltpu.sync_copy(zrows128, acc_sh)
    pltpu.sync_copy(zrows128.at[pl.ds(0, SUB)], wa_v)
    plsc.subcore_barrier()

    def sub_body(s, carry):
        e0 = (wid * NSUB + s) * SUB
        pltpu.sync_copy(src1d.at[pl.ds(e0, SUB)], src_i)
        pltpu.sync_copy(dst1d.at[pl.ds(e0, SUB)], dst_i)
        pltpu.sync_copy(ae16f.at[pl.ds(e0 * 16, SUB * 16)], ae_v)
        pltpu.sync_copy(tc_hbm.at[src_i], ts_v)
        pltpu.sync_copy(tc_hbm.at[dst_i], td_v)

        def cmp(e, c2):
            ar = ae_v[pl.ds(e * 16, 16)]
            al = ts_v[e, 0:16] + td_v[e, 16:32] + ar
            al = jnp.where(al > 0, al, 0.2 * al)
            w = jnp.exp(al)
            w_v[pl.ds(e * 16, 16)] = w
            wa_v[e, 0:16] = w
            wa_v[e, 16:32] = ar
            return c2
        lax.fori_loop(0, SUB, cmp, 0)

        pltpu.sync_copy(wa_v, acc_sh.at[dst_i], add=True)
        pltpu.sync_copy(w_v, w16_out.at[pl.ds(e0 * 16, SUB * 16)])
        return carry

    lax.fori_loop(0, NSUB, sub_body, 0)
    plsc.subcore_barrier()
    @pl.when(sid == 0)
    def _writeout():
        pltpu.sync_copy(acc_sh, acc_out.at[cid])



def _s3_body(src1d, dst1d, x4r8, w16f, zrows128, agg_out,
             src_i, dst_i, w_v, xg_v, ov_v, acc_sh):
    cid = lax.axis_index("c")
    sid = lax.axis_index("s")
    wid = cid * 16 + sid

    for combo in range(8):
        hh = combo // 2

        @pl.when(sid == 0)
        def _init():
            pltpu.sync_copy(zrows128, acc_sh)
        plsc.subcore_barrier()

        def sub_body(s, carry):
            e0 = (wid * NSUB3 + s) * SUB3
            pltpu.sync_copy(src1d.at[pl.ds(e0, SUB3)], src_i)
            pltpu.sync_copy(dst1d.at[pl.ds(e0, SUB3)], dst_i)
            pltpu.sync_copy(w16f.at[pl.ds(e0 * 16, SUB3 * 16)], w_v)
            pltpu.sync_copy(x4r8.at[combo].at[src_i], xg_v)

            def cmp(e, c2):
                wreg = w_v[pl.ds(e * 16, 16)]
                ws = wreg[hh]
                for r in range(8):
                    sl = pl.ds(r * 16, 16)
                    ov_v[e, sl] = xg_v[e, sl] * ws
                return c2
            lax.fori_loop(0, SUB3, cmp, 0)

            pltpu.sync_copy(ov_v, acc_sh.at[dst_i], add=True)
            return carry

        lax.fori_loop(0, NSUB3, sub_body, 0)
        plsc.subcore_barrier()

        @pl.when(sid == 0)
        def _writeout():
            pltpu.sync_copy(acc_sh, agg_out.at[cid].at[combo])
        plsc.subcore_barrier()


def _run_s3(src_p, dst_p, x4r8, w16f, zrows128):
    f32 = jnp.float32
    mesh = plsc.VectorSubcoreMesh(core_axis_name="c", subcore_axis_name="s")
    fn = pl.kernel(
        _s3_body,
        mesh=mesh,
        out_type=[jax.ShapeDtypeStruct((2, 8, NP, 128), f32)],
        scratch_types=[
            pltpu.VMEM((SUB3,), jnp.int32),
            pltpu.VMEM((SUB3,), jnp.int32),
            pltpu.VMEM((SUB3 * 16,), f32),
            pltpu.VMEM((SUB3, 128), f32),
            pltpu.VMEM((SUB3, 128), f32),
            pltpu.VMEM_SHARED((NP, 128), f32),
        ],
    )
    return fn(src_p, dst_p, x4r8, w16f, zrows128)


def _run_s1(src_p, dst_p, tc_pad, ae16f, zrows128):
    f32 = jnp.float32
    mesh = plsc.VectorSubcoreMesh(core_axis_name="c", subcore_axis_name="s")
    fn = pl.kernel(
        _s1_body,
        mesh=mesh,
        out_type=[
            jax.ShapeDtypeStruct((EP * 16,), f32),
            jax.ShapeDtypeStruct((2, NP, 128), f32),
        ],
        scratch_types=[
            pltpu.VMEM((SUB,), jnp.int32),
            pltpu.VMEM((SUB,), jnp.int32),
            pltpu.VMEM((SUB, 128), f32),
            pltpu.VMEM((SUB, 128), f32),
            pltpu.VMEM((SUB * 16,), f32),
            pltpu.VMEM((SUB * 16,), f32),
            pltpu.VMEM((SUB, 128), f32),
            pltpu.VMEM_SHARED((NP, 128), f32),
        ],
    )
    return fn(src_p, dst_p, tc_pad, ae16f, zrows128)



def kernel(h, edge_attr, edge_index, W_src, att_src, att_dst, W_edge,
           att_edge, bias_gat, W_lin, b_lin, ln_gamma, ln_beta):
    f32 = jnp.float32
    Ws3 = W_src.reshape(D, H, D)
    Vs = (Ws3 * att_src).sum(-1)
    Vd = (Ws3 * att_dst).sum(-1)
    Ve = (W_edge.reshape(D, H, D) * att_edge).sum(-1)
    V128 = jnp.zeros((D, 128), f32)
    V128 = V128.at[:, 0:4].set(Vs).at[:, 16:20].set(Vd)
    Ve16 = jnp.pad(Ve, ((0, 0), (0, 12)))

    src, dst = edge_index[0], edge_index[1]

    x4r = pl.pallas_call(
        _k1a_body,
        grid=(H, 2, N // NB_N),
        in_specs=[
            pl.BlockSpec((NB_N, D), lambda hi, ci, ni: (ni, 0)),
            pl.BlockSpec((1, D, 128), lambda hi, ci, ni: (hi, 0, ci)),
        ],
        out_specs=pl.BlockSpec((1, 1, NB_N, 128),
                               lambda hi, ci, ni: (hi, ci, ni, 0)),
        out_shape=jax.ShapeDtypeStruct((H, 2, NP, 128), f32),
    )(h, Ws3.transpose(1, 0, 2))
    x4r8 = x4r.reshape(H * 2, NP, 128)

    Tc = pl.pallas_call(
        _k1b_body,
        grid=(N // NB_N,),
        in_specs=[
            pl.BlockSpec((NB_N, D), lambda ni: (ni, 0)),
            pl.BlockSpec((D, 128), lambda ni: (0, 0)),
        ],
        out_specs=pl.BlockSpec((NB_N, 128), lambda ni: (ni, 0)),
        out_shape=jax.ShapeDtypeStruct((N, 128), f32),
    )(h, V128)

    ea_p = jnp.pad(edge_attr, ((0, EP - E), (0, 0)))
    ae16p = pl.pallas_call(
        _k2_body,
        grid=(EP // NB_E,),
        in_specs=[
            pl.BlockSpec((NB_E, D), lambda ei: (ei, 0)),
            pl.BlockSpec((D, 16), lambda ei: (0, 0)),
        ],
        out_specs=pl.BlockSpec((NB_E, 16), lambda ei: (ei, 0)),
        out_shape=jax.ShapeDtypeStruct((EP, 16), f32),
    )(ea_p, Ve16)

    src_p = jnp.pad(src, (0, EP - E))
    dst_p = jnp.pad(dst, (0, EP - E), constant_values=N)
    tc_pad = jnp.pad(Tc, ((0, NP - N), (0, 0)))
    zrows128 = jnp.zeros((NP, 128), f32)
    w16f, parts = _run_s1(src_p, dst_p, tc_pad,
                          ae16p.reshape(EP * 16), zrows128)

    agg, = _run_s3(src_p, dst_p, x4r8, w16f, zrows128)

    out = pl.pallas_call(
        _k4_body,
        grid=(N // NB_N,),
        in_specs=[
            pl.BlockSpec((2, 8, NB_N, 128), lambda ni: (0, 0, ni, 0)),
            pl.BlockSpec((8, NB_N, 128), lambda ni: (0, ni, 0)),
            pl.BlockSpec((NB_N, 128), lambda ni: (ni, 0)),
            pl.BlockSpec((2, NB_N, 128), lambda ni: (0, ni, 0)),
            pl.BlockSpec((H * D, D), lambda ni: (0, 0)),
            pl.BlockSpec((1, H * D), lambda ni: (0, 0)),
            pl.BlockSpec((1, D), lambda ni: (0, 0)),
            pl.BlockSpec((1, D), lambda ni: (0, 0)),
            pl.BlockSpec((1, D), lambda ni: (0, 0)),
        ],
        out_specs=pl.BlockSpec((NB_N, D), lambda ni: (ni, 0)),
        out_shape=jax.ShapeDtypeStruct((N, D), f32),
    )(agg, x4r8, Tc, parts, W_lin,
      bias_gat.reshape(1, H * D), b_lin.reshape(1, D),
      ln_gamma.reshape(1, D), ln_beta.reshape(1, D))
    return out

# --- scband reference (transcript-rebuilt; emitter-appended) ---
"""Pipeline reference for scband-gatmulti-head-block-unidirect-13134009991787 (READ-ONLY COPY).

The authoritative reference and input builder live on the scoring server;
editing this copy changes nothing except your own understanding.
"""

import jax, jax.numpy as jnp
import numpy as np

N = 10000
E = 160000
D = 256
H = 4


def setup_inputs(seed: int = 0) -> dict:
    key = jax.random.key(seed)
    ks = jax.random.split(key, 12)
    h = jax.random.normal(ks[0], (N, D), dtype=jnp.float32)
    edge_attr = jax.random.normal(ks[1], (E, D), dtype=jnp.float32)
    edge_index = jax.random.randint(ks[2], (2, E), 0, N, dtype=jnp.int32)
    s = 0.05
    W_src = jax.random.normal(ks[3], (D, H * D), dtype=jnp.float32) * s
    att_src = jax.random.normal(ks[4], (1, H, D), dtype=jnp.float32) * s
    att_dst = jax.random.normal(ks[5], (1, H, D), dtype=jnp.float32) * s
    W_edge = jax.random.normal(ks[6], (D, H * D), dtype=jnp.float32) * s
    att_edge = jax.random.normal(ks[7], (1, H, D), dtype=jnp.float32) * s
    bias_gat = jnp.zeros((H * D,), dtype=jnp.float32)
    W_lin = jax.random.normal(ks[8], (H * D, D), dtype=jnp.float32) * s
    b_lin = jnp.zeros((D,), dtype=jnp.float32)
    ln_gamma = jnp.ones((D,), dtype=jnp.float32)
    ln_beta = jnp.zeros((D,), dtype=jnp.float32)
    return {"h": h, "edge_attr": edge_attr, "edge_index": edge_index,
            "W_src": W_src, "att_src": att_src, "att_dst": att_dst,
            "W_edge": W_edge, "att_edge": att_edge, "bias_gat": bias_gat,
            "W_lin": W_lin, "b_lin": b_lin, "ln_gamma": ln_gamma, "ln_beta": ln_beta}


def _gat_block(h, edge_attr, edge_index, W_src, att_src, att_dst, W_edge, att_edge,
               bias_gat, W_lin, b_lin, ln_gamma, ln_beta):
    n = h.shape[0]
    x = (h @ W_src).reshape(n, H, D)              # shared lin for src/dst (PyG: x_src = x_dst)
    a_src_n = (x * att_src).sum(-1)               # [N, H]
    a_dst_n = (x * att_dst).sum(-1)               # [N, H]
    src, dst = edge_index[0], edge_index[1]
    # add_self_loops with fill_value='mean': loop edge_attr = mean of incoming edge attrs per dst
    seg = jax.ops.segment_sum(edge_attr, dst, num_segments=n)
    cnt = jax.ops.segment_sum(jnp.ones((edge_attr.shape[0], 1), edge_attr.dtype), dst, num_segments=n)
    loop_attr = seg / jnp.maximum(cnt, 1.0)
    loop = jnp.arange(n, dtype=src.dtype)
    src_f = jnp.concatenate([src, loop])
    dst_f = jnp.concatenate([dst, loop])
    ea_f = jnp.concatenate([edge_attr, loop_attr], axis=0)
    e = (ea_f @ W_edge).reshape(-1, H, D)
    a_edge = (e * att_edge).sum(-1)               # [E+N, H]
    alpha = a_src_n[src_f] + a_dst_n[dst_f] + a_edge
    alpha = jnp.where(alpha > 0, alpha, 0.2 * alpha)  # leaky_relu(0.2)
    m = jax.lax.stop_gradient(jax.ops.segment_max(alpha, dst_f, num_segments=n))
    alpha = jnp.exp(alpha - m[dst_f])
    denom = jax.ops.segment_sum(alpha, dst_f, num_segments=n)
    alpha = alpha / (denom[dst_f] + 1e-16)
    msg = alpha[:, :, None] * x[src_f]            # [E+N, H, D]
    out = jax.ops.segment_sum(msg, dst_f, num_segments=n)  # [N, H, D]
    out = out.reshape(n, H * D) + bias_gat        # concat=True
    out = out @ W_lin + b_lin                     # self.lin
    mu = out.mean(axis=-1, keepdims=True)
    var = ((out - mu) ** 2).mean(axis=-1, keepdims=True)
    out = (out - mu) / jnp.sqrt(var + 1e-5) * ln_gamma + ln_beta
    return out


def reference(h, edge_attr, edge_index, W_src, att_src, att_dst, W_edge, att_edge,
              bias_gat, W_lin, b_lin, ln_gamma, ln_beta):
    return _gat_block(h, edge_attr, edge_index, W_src, att_src, att_dst, W_edge,
                      att_edge, bias_gat, W_lin, b_lin, ln_gamma, ln_beta)

if __name__ == "__main__":
    import jax
    _d = setup_inputs()
    print(jax.jit(kernel)(*tuple(_d.values())))

</pallas_src>

<mosaic_0001>
#map = affine_map<(d0, d1) -> (0)>
#map1 = affine_map<(d0, d1) -> (0, 0, 0)>
#map2 = affine_map<(d0, d1) -> (0, 0)>
#map3 = affine_map<(d0, d1) -> (0, 0, 0, 0)>
module attributes {stable_mosaic.version = 14 : i64} {
  func.func @_s3_body(%arg0: i32, %arg1: i32, %arg2: memref<163840xi32, #tpu.memory_space<hbm>>, %arg3: memref<163840xi32, #tpu.memory_space<hbm>>, %arg4: memref<8x10112x128xf32, #tpu.memory_space<hbm>>, %arg5: memref<2621440xf32, #tpu.memory_space<hbm>>, %arg6: memref<10112x128xf32, #tpu.memory_space<hbm>>, %arg7: memref<2x8x10112x128xf32, #tpu.memory_space<hbm>>, %arg8: memref<128xi32, #tpu.memory_space<vmem>>, %arg9: memref<128xi32, #tpu.memory_space<vmem>>, %arg10: memref<2048xf32, #tpu.memory_space<vmem>>, %arg11: memref<128x128xf32, #tpu.memory_space<vmem>>, %arg12: memref<128x128xf32, #tpu.memory_space<vmem>>, %arg13: memref<10112x128xf32, #tpu.memory_space<vmem_shared>>) attributes {dimension_semantics = [#tpu.dimension_semantics<core_parallel>, #tpu.dimension_semantics<subcore_parallel>], iteration_bounds = array<i64: 2, 16>, scalar_prefetch = 0 : i64, scratch_operands = 6 : i64, tpu.core_type = #tpu.core_type<sc_vector_subcore>, window_params = [{transform_indices = #map}, {transform_indices = #map}, {transform_indices = #map1}, {transform_indices = #map}, {transform_indices = #map2}, {transform_indices = #map3}]} {
    %mul3A = arith.constant 16 : i32
    %mul3A_0 = arith.muli %arg0, %mul3A : i32
    %add3A = arith.addi %mul3A_0, %arg1 : i32
    %eq3A = arith.constant 0 : i32
    %eq3A_1 = arith.cmpi eq, %arg1, %eq3A : i32
    %convert_element_type3A = arith.extui %eq3A_1 : i1 to i32
    %cond3A = arith.constant 0 : i32
    %cond3A_2 = arith.cmpi ne, %convert_element_type3A, %cond3A : i32
    scf.if %cond3A_2 {
      "tpu.region"() ({
        %run_scoped3A = tpu.sem_alloc : memref<!tpu.dma_semaphore, #tpu.memory_space<semaphore_mem>>
        tpu.enqueue_dma source(%arg6 : memref<10112x128xf32, #tpu.memory_space<hbm>>) target(%arg13 : memref<10112x128xf32, #tpu.memory_space<vmem_shared>>) target_semaphore(%run_scoped3A : memref<!tpu.dma_semaphore, #tpu.memory_space<semaphore_mem>>)
        tpu.wait_dma2 semaphore(%run_scoped3A : memref<!tpu.dma_semaphore, #tpu.memory_space<semaphore_mem>>) src(%arg6 : memref<10112x128xf32, #tpu.memory_space<hbm>>) dst(%arg13 : memref<10112x128xf32, #tpu.memory_space<vmem_shared>>)
        tpu.yield
      }) : () -> ()
    } else {
    }
    %barrier3A = arith.constant 0 : index
    tpu.barrier barrier_id(%barrier3A)
    %scan3A = arith.constant 0 : i32
    %scan3A_3 = arith.constant 0 : i32
    %scan3A_4 = arith.constant 40 : i32
    %scan3A_5 = arith.addi %scan3A_3, %scan3A_4 : i32
    %scan3A_6 = arith.constant 1 : i32
    scf.for %scan3A_148 = %scan3A_3 to %scan3A_5 step %scan3A_6  : i32 {
      %mul3A_149 = arith.constant 40 : i32
      %mul3A_150 = arith.muli %add3A, %mul3A_149 : i32
      %add3A_151 = arith.addi %mul3A_150, %scan3A_148 : i32
      %mul3A_152 = arith.constant 128 : i32
      %mul3A_153 = arith.muli %add3A_151, %mul3A_152 : i32
      "tpu.region"() ({
        %run_scoped3A_162 = tpu.sem_alloc : memref<!tpu.dma_semaphore, #tpu.memory_space<semaphore_mem>>
        %dma_start3A = tpu.memref_slice %arg2[%mul3A_153] : memref<163840xi32, #tpu.memory_space<hbm>> -> memref<128xi32, #tpu.memory_space<hbm>>
        %dma_start3A_163 = tpu.memref_slice %arg2[%mul3A_153] : memref<163840xi32, #tpu.memory_space<hbm>> -> memref<128xi32, #tpu.memory_space<hbm>>
        tpu.enqueue_dma source(%dma_start3A_163 : memref<128xi32, #tpu.memory_space<hbm>>) target(%arg8 : memref<128xi32, #tpu.memory_space<vmem>>) target_semaphore(%run_scoped3A_162 : memref<!tpu.dma_semaphore, #tpu.memory_space<semaphore_mem>>)
        %dma_wait3A = tpu.memref_slice %arg2[%mul3A_153] : memref<163840xi32, #tpu.memory_space<hbm>> -> memref<128xi32, #tpu.memory_space<hbm>>
        %dma_wait3A_164 = tpu.memref_slice %arg2[%mul3A_153] : memref<163840xi32, #tpu.memory_space<hbm>> -> memref<128xi32, #tpu.memory_space<hbm>>
        tpu.wait_dma2 semaphore(%run_scoped3A_162 : memref<!tpu.dma_semaphore, #tpu.memory_space<semaphore_mem>>) src(%dma_wait3A_164 : memref<128xi32, #tpu.memory_space<hbm>>) dst(%arg8 : memref<128xi32, #tpu.memory_space<vmem>>)
        tpu.yield
      }) : () -> ()
      "tpu.region"() ({
        %run_scoped3A_162 = tpu.sem_alloc : memref<!tpu.dma_semaphore, #tpu.memory_space<semaphore_mem>>
        %dma_start3A = tpu.memref_slice %arg3[%mul3A_153] : memref<163840xi32, #tpu.memory_space<hbm>> -> memref<128xi32, #tpu.memory_space<hbm>>
        %dma_start3A_163 = tpu.memref_slice %arg3[%mul3A_153] : memref<163840xi32, #tpu.memory_space<hbm>> -> memref<128xi32, #tpu.memory_space<hbm>>
        tpu.enqueue_dma source(%dma_start3A_163 : memref<128xi32, #tpu.memory_space<hbm>>) target(%arg9 : memref<128xi32, #tpu.memory_space<vmem>>) target_semaphore(%run_scoped3A_162 : memref<!tpu.dma_semaphore, #tpu.memory_space<semaphore_mem>>)
        %dma_wait3A = tpu.memref_slice %arg3[%mul3A_153] : memref<163840xi32, #tpu.memory_space<hbm>> -> memref<128xi32, #tpu.memory_space<hbm>>
        %dma_wait3A_164 = tpu.memref_slice %arg3[%mul3A_153] : memref<163840xi32, #tpu.memory_space<hbm>> -> memref<128xi32, #tpu.memory_space<hbm>>
        tpu.wait_dma2 semaphore(%run_scoped3A_162 : memref<!tpu.dma_semaphore, #tpu.memory_space<semaphore_mem>>) src(%dma_wait3A_164 : memref<128xi32, #tpu.memory_space<hbm>>) dst(%arg9 : memref<128xi32, #tpu.memory_space<vmem>>)
        tpu.yield
      }) : () -> ()
      %mul3A_154 = arith.constant 16 : i32
      %mul3A_155 = arith.muli %mul3A_153, %mul3A_154 : i32
      "tpu.region"() ({
        %run_scoped3A_162 = tpu.sem_alloc : memref<!tpu.dma_semaphore, #tpu.memory_space<semaphore_mem>>
        %dma_start3A = tpu.memref_slice %arg5[%mul3A_155] : memref<2621440xf32, #tpu.memory_space<hbm>> -> memref<2048xf32, #tpu.memory_space<hbm>>
        %dma_start3A_163 = tpu.memref_slice %arg5[%mul3A_155] : memref<2621440xf32, #tpu.memory_space<hbm>> -> memref<2048xf32, #tpu.memory_space<hbm>>
        tpu.enqueue_dma source(%dma_start3A_163 : memref<2048xf32, #tpu.memory_space<hbm>>) target(%arg10 : memref<2048xf32, #tpu.memory_space<vmem>>) target_semaphore(%run_scoped3A_162 : memref<!tpu.dma_semaphore, #tpu.memory_space<semaphore_mem>>)
        %dma_wait3A = tpu.memref_slice %arg5[%mul3A_155] : memref<2621440xf32, #tpu.memory_space<hbm>> -> memref<2048xf32, #tpu.memory_space<hbm>>
        %dma_wait3A_164 = tpu.memref_slice %arg5[%mul3A_155] : memref<2621440xf32, #tpu.memory_space<hbm>> -> memref<2048xf32, #tpu.memory_space<hbm>>
        tpu.wait_dma2 semaphore(%run_scoped3A_162 : memref<!tpu.dma_semaphore, #tpu.memory_space<semaphore_mem>>) src(%dma_wait3A_164 : memref<2048xf32, #tpu.memory_space<hbm>>) dst(%arg10 : memref<2048xf32, #tpu.memory_space<vmem>>)
        tpu.yield
      }) : () -> ()
      %run_scoped3A = arith.constant 0 : i32
      "tpu.region"() ({
        %run_scoped3A_162 = tpu.sem_alloc : memref<!tpu.dma_semaphore, #tpu.memory_space<semaphore_mem>>
        %dma_start3A = arith.constant 0 : i32
        %dma_start3A_163 = arith.constant 0 : i32
        %dma_start3A_164 = tpu.memref_slice %arg4[%run_scoped3A, %dma_start3A, %dma_start3A_163] : memref<8x10112x128xf32, #tpu.memory_space<hbm>> -> memref<1x10112x128xf32, #tpu.memory_space<hbm>>
        %dma_start3A_165 = tpu.memref_squeeze %dma_start3A_164 : memref<1x10112x128xf32, #tpu.memory_space<hbm>> -> memref<10112x128xf32, #tpu.memory_space<hbm>>
        %dma_start3A_166 = arith.constant 0 : i32
        %dma_start3A_167 = arith.constant 0 : i32
        %dma_start3A_168 = tpu.memref_slice %dma_start3A_165[%dma_start3A_166, %dma_start3A_167] : memref<10112x128xf32, #tpu.memory_space<hbm>> -> memref<10112x128xf32, #tpu.memory_space<hbm>>
        tpu.enqueue_indirect_dma source(%dma_start3A_168 : memref<10112x128xf32, #tpu.memory_space<hbm>>) target(%arg11 : memref<128x128xf32, #tpu.memory_space<vmem>>) offsets(%arg8 : memref<128xi32, #tpu.memory_space<vmem>>) semaphore(%run_scoped3A_162 : memref<!tpu.dma_semaphore, #tpu.memory_space<semaphore_mem>>)
        %dma_wait3A = arith.constant 0 : i32
        %dma_wait3A_169 = arith.constant 0 : i32
        %dma_wait3A_170 = tpu.memref_slice %arg4[%run_scoped3A, %dma_wait3A, %dma_wait3A_169] : memref<8x10112x128xf32, #tpu.memory_space<hbm>> -> memref<1x10112x128xf32, #tpu.memory_space<hbm>>
        %dma_wait3A_171 = tpu.memref_squeeze %dma_wait3A_170 : memref<1x10112x128xf32, #tpu.memory_space<hbm>> -> memref<10112x128xf32, #tpu.memory_space<hbm>>
        %dma_wait3A_172 = arith.constant 0 : i32
        %dma_wait3A_173 = arith.constant 0 : i32
        %dma_wait3A_174 = tpu.memref_slice %dma_wait3A_171[%dma_wait3A_172, %dma_wait3A_173] : memref<10112x128xf32, #tpu.memory_space<hbm>> -> memref<10112x128xf32, #tpu.memory_space<hbm>>
        tpu.wait_indirect_dma semaphore(%run_scoped3A_162 : memref<!tpu.dma_semaphore, #tpu.memory_space<semaphore_mem>>) src(%dma_wait3A_174 : memref<10112x128xf32, #tpu.memory_space<hbm>>) dst(%arg11 : memref<128x128xf32, #tpu.memory_space<vmem>>)
        tpu.yield
      }) : () -> ()
      %scan3A_156 = arith.constant 0 : i32
      %scan3A_157 = arith.constant 0 : i32
      %scan3A_158 = arith.constant 128 : i32
      %scan3A_159 = arith.addi %scan3A_157, %scan3A_158 : i32
      %scan3A_160 = arith.constant 1 : i32
      scf.for %scan3A_162 = %scan3A_157 to %scan3A_159 step %scan3A_160  : i32 {
        %mul3A_163 = arith.constant 16 : i32
        %mul3A_164 = arith.muli %scan3A_162, %mul3A_163 : i32
        %get3A = arith.index_cast %mul3A_164 : i32 to index
        %get3A_165 = tpu.vector_load %arg10[%get3A] {strides = array<i32>} : memref<2048xf32, #tpu.memory_space<vmem>>, vector<16xf32>,
        %get3A_166 = vector.shape_cast %get3A_165 : vector<16xf32> to vector<16xf32>
        %slice3A = vector.extract_strided_slice %get3A_166 {offsets = [0], sizes = [1], strides = [1]} : vector<16xf32> to vector<1xf32>
        %squeeze3A = vector.extract %slice3A[0] : f32 from vector<1xf32>
        %get3A_167 = arith.index_cast %scan3A_162 : i32 to index
        %get3A_168 = arith.constant 0 : index
        %get3A_169 = tpu.vector_load %arg11[%get3A_167, %get3A_168] {strides = array<i32>} : memref<128x128xf32, #tpu.memory_space<vmem>>, vector<1x16xf32>,
        %get3A_170 = vector.shape_cast %get3A_169 : vector<1x16xf32> to vector<16xf32>
        %mul3A_171 = vector.broadcast %squeeze3A : f32 to vector<16xf32>
        %mul3A_172 = arith.mulf %get3A_170, %mul3A_171 : vector<16xf32>
        %swap3A = arith.index_cast %scan3A_162 : i32 to index
        %swap3A_173 = arith.constant 0 : index
        %swap3A_174 = tpu.vector_load %arg12[%swap3A, %swap3A_173] {strides = array<i32>} : memref<128x128xf32, #tpu.memory_space<vmem>>, vector<1x16xf32>,
        %swap3A_175 = vector.shape_cast %swap3A_174 : vector<1x16xf32> to vector<16xf32>
        %swap3A_176 = vector.shape_cast %mul3A_172 : vector<16xf32> to vector<1x16xf32>
        tpu.vector_store %arg12[%swap3A, %swap3A_173], %swap3A_176 {strides = array<i32>} : memref<128x128xf32, #tpu.memory_space<vmem>>, vector<1x16xf32>,
        %get3A_177 = arith.index_cast %scan3A_162 : i32 to index
        %get3A_178 = arith.constant 16 : index
        %get3A_179 = tpu.vector_load %arg11[%get3A_177, %get3A_178] {strides = array<i32>} : memref<128x128xf32, #tpu.memory_space<vmem>>, vector<1x16xf32>,
        %get3A_180 = vector.shape_cast %get3A_179 : vector<1x16xf32> to vector<16xf32>
        %mul3A_181 = vector.broadcast %squeeze3A : f32 to vector<16xf32>
        %mul3A_182 = arith.mulf %get3A_180, %mul3A_181 : vector<16xf32>
        %swap3A_183 = arith.index_cast %scan3A_162 : i32 to index
        %swap3A_184 = arith.constant 16 : index
        %swap3A_185 = tpu.vector_load %arg12[%swap3A_183, %swap3A_184] {strides = array<i32>} : memref<128x128xf32, #tpu.memory_space<vmem>>, vector<1x16xf32>,
        %swap3A_186 = vector.shape_cast %swap3A_185 : vector<1x16xf32> to vector<16xf32>
        %swap3A_187 = vector.shape_cast %mul3A_182 : vector<16xf32> to vector<1x16xf32>
        tpu.vector_store %arg12[%swap3A_183, %swap3A_184], %swap3A_187 {strides = array<i32>} : memref<128x128xf32, #tpu.memory_space<vmem>>, vector<1x16xf32>,
        %get3A_188 = arith.index_cast %scan3A_162 : i32 to index
        %get3A_189 = arith.constant 32 : index
        %get3A_190 = tpu.vector_load %arg11[%get3A_188, %get3A_189] {strides = array<i32>} : memref<128x128xf32, #tpu.memory_space<vmem>>, vector<1x16xf32>,
        %get3A_191 = vector.shape_cast %get3A_190 : vector<1x16xf32> to vector<16xf32>
        %mul3A_192 = vector.broadcast %squeeze3A : f32 to vector<16xf32>
        %mul3A_193 = arith.mulf %get3A_191, %mul3A_192 : vector<16xf32>
        %swap3A_194 = arith.index_cast %scan3A_162 : i32 to index
        %swap3A_195 = arith.constant 32 : index
        %swap3A_196 = tpu.vector_load %arg12[%swap3A_194, %swap3A_195] {strides = array<i32>} : memref<128x128xf32, #tpu.memory_space<vmem>>, vector<1x16xf32>,
        %swap3A_197 = vector.shape_cast %swap3A_196 : vector<1x16xf32> to vector<16xf32>
        %swap3A_198 = vector.shape_cast %mul3A_193 : vector<16xf32> to vector<1x16xf32>
        tpu.vector_store %arg12[%swap3A_194, %swap3A_195], %swap3A_198 {strides = array<i32>} : memref<128x128xf32, #tpu.memory_space<vmem>>, vector<1x16xf32>,
        %get3A_199 = arith.index_cast %scan3A_162 : i32 to index
        %get3A_200 = arith.constant 48 : index
        %get3A_201 = tpu.vector_load %arg11[%get3A_199, %get3A_200] {strides = array<i32>} : memref<128x128xf32, #tpu.memory_space<vmem>>, vector<1x16xf32>,
        %get3A_202 = vector.shape_cast %get3A_201 : vector<1x16xf32> to vector<16xf32>
        %mul3A_203 = vector.broadcast %squeeze3A : f32 to vector<16xf32>
        %mul3A_204 = arith.mulf %get3A_202, %mul3A_203 : vector<16xf32>
        %swap3A_205 = arith.index_cast %scan3A_162 : i32 to index
        %swap3A_206 = arith.constant 48 : index
        %swap3A_207 = tpu.vector_load %arg12[%swap3A_205, %swap3A_206] {strides = array<i32>} : memref<128x128xf32, #tpu.memory_space<vmem>>, vector<1x16xf32>,
        %swap3A_208 = vector.shape_cast %swap3A_207 : vector<1x16xf32> to vector<16xf32>
        %swap3A_209 = vector.shape_cast %mul3A_204 : vector<16xf32> to vector<1x16xf32>
        tpu.vector_store %arg12[%swap3A_205, %swap3A_206], %swap3A_209 {strides = array<i32>} : memref<128x128xf32, #tpu.memory_space<vmem>>, vector<1x16xf32>,
        %get3A_210 = arith.index_cast %scan3A_162 : i32 to index
        %get3A_211 = arith.constant 64 : index
        %get3A_212 = tpu.vector_load %arg11[%get3A_210, %get3A_211] {strides = array<i32>} : memref<128x128xf32, #tpu.memory_space<vmem>>, vector<1x16xf32>,
        %get3A_213 = vector.shape_cast %get3A_212 : vector<1x16xf32> to vector<16xf32>
        %mul3A_214 = vector.broadcast %squeeze3A : f32 to vector<16xf32>
        %mul3A_215 = arith.mulf %get3A_213, %mul3A_214 : vector<16xf32>
        %swap3A_216 = arith.index_cast %scan3A_162 : i32 to index
        %swap3A_217 = arith.constant 64 : index
        %swap3A_218 = tpu.vector_load %arg12[%swap3A_216, %swap3A_217] {strides = array<i32>} : memref<128x128xf32, #tpu.memory_space<vmem>>, vector<1x16xf32>,
        %swap3A_219 = vector.shape_cast %swap3A_218 : vector<1x16xf32> to vector<16xf32>
        %swap3A_220 = vector.shape_cast %mul3A_215 : vector<16xf32> to vector<1x16xf32>
        tpu.vector_store %arg12[%swap3A_216, %swap3A_217], %swap3A_220 {strides = array<i32>} : memref<128x128xf32, #tpu.memory_space<vmem>>, vector<1x16xf32>,
        %get3A_221 = arith.index_cast %scan3A_162 : i32 to index
        %get3A_222 = arith.constant 80 : index
        %get3A_223 = tpu.vector_load %arg11[%get3A_221, %get3A_222] {strides = array<i32>} : memref<128x128xf32, #tpu.memory_space<vmem>>, vector<1x16xf32>,
        %get3A_224 = vector.shape_cast %get3A_223 : vector<1x16xf32> to vector<16xf32>
        %mul3A_225 = vector.broadcast %squeeze3A : f32 to vector<16xf32>
        %mul3A_226 = arith.mulf %get3A_224, %mul3A_225 : vector<16xf32>
        %swap3A_227 = arith.index_cast %scan3A_162 : i32 to index
        %swap3A_228 = arith.constant 80 : index
        %swap3A_229 = tpu.vector_load %arg12[%swap3A_227, %swap3A_228] {strides = array<i32>} : memref<128x128xf32, #tpu.memory_space<vmem>>, vector<1x16xf32>,
        %swap3A_230 = vector.shape_cast %swap3A_229 : vector<1x16xf32> to vector<16xf32>
        %swap3A_231 = vector.shape_cast %mul3A_226 : vector<16xf32> to vector<1x16xf32>
        tpu.vector_store %arg12[%swap3A_227, %swap3A_228], %swap3A_231 {strides = array<i32>} : memref<128x128xf32, #tpu.memory_space<vmem>>, vector<1x16xf32>,
        %get3A_232 = arith.index_cast %scan3A_162 : i32 to index
        %get3A_233 = arith.constant 96 : index
        %get3A_234 = tpu.vector_load %arg11[%get3A_232, %get3A_233] {strides = array<i32>} : memref<128x128xf32, #tpu.memory_space<vmem>>, vector<1x16xf32>,
        %get3A_235 = vector.shape_cast %get3A_234 : vector<1x16xf32> to vector<16xf32>
        %mul3A_236 = vector.broadcast %squeeze3A : f32 to vector<16xf32>
        %mul3A_237 = arith.mulf %get3A_235, %mul3A_236 : vector<16xf32>
        %swap3A_238 = arith.index_cast %scan3A_162 : i32 to index
        %swap3A_239 = arith.constant 96 : index
        %swap3A_240 = tpu.vector_load %arg12[%swap3A_238, %swap3A_239] {strides = array<i32>} : memref<128x128xf32, #tpu.memory_space<vmem>>, vector<1x16xf32>,
        %swap3A_241 = vector.shape_cast %swap3A_240 : vector<1x16xf32> to vector<16xf32>
        %swap3A_242 = vector.shape_cast %mul3A_237 : vector<16xf32> to vector<1x16xf32>
        tpu.vector_store %arg12[%swap3A_238, %swap3A_239], %swap3A_242 {strides = array<i32>} : memref<128x128xf32, #tpu.memory_space<vmem>>, vector<1x16xf32>,
        %get3A_243 = arith.index_cast %scan3A_162 : i32 to index
        %get3A_244 = arith.constant 112 : index
        %get3A_245 = tpu.vector_load %arg11[%get3A_243, %get3A_244] {strides = array<i32>} : memref<128x128xf32, #tpu.memory_space<vmem>>, vector<1x16xf32>,
        %get3A_246 = vector.shape_cast %get3A_245 : vector<1x16xf32> to vector<16xf32>
        %mul3A_247 = vector.broadcast %squeeze3A : f32 to vector<16xf32>
        %mul3A_248 = arith.mulf %get3A_246, %mul3A_247 : vector<16xf32>
        %swap3A_249 = arith.index_cast %scan3A_162 : i32 to index
        %swap3A_250 = arith.constant 112 : index
        %swap3A_251 = tpu.vector_load %arg12[%swap3A_249, %swap3A_250] {strides = array<i32>} : memref<128x128xf32, #tpu.memory_space<vmem>>, vector<1x16xf32>,
        %swap3A_252 = vector.shape_cast %swap3A_251 : vector<1x16xf32> to vector<16xf32>
        %swap3A_253 = vector.shape_cast %mul3A_248 : vector<16xf32> to vector<1x16xf32>
        tpu.vector_store %arg12[%swap3A_249, %swap3A_250], %swap3A_253 {strides = array<i32>} : memref<128x128xf32, #tpu.memory_space<vmem>>, vector<1x16xf32>,
      }
      %scan3A_161 = arith.constant 128 : i32
      "tpu.region"() ({
        %run_scoped3A_162 = tpu.sem_alloc : memref<!tpu.dma_semaphore, #tpu.memory_space<semaphore_mem>>
        %dma_start3A = arith.constant 0 : i32
        %dma_start3A_163 = arith.constant 0 : i32
        %dma_start3A_164 = tpu.memref_slice %arg13[%dma_start3A, %dma_start3A_163] : memref<10112x128xf32, #tpu.memory_space<vmem_shared>> -> memref<10112x128xf32, #tpu.memory_space<vmem_shared>>
        tpu.enqueue_indirect_dma source(%arg12 : memref<128x128xf32, #tpu.memory_space<vmem>>) target(%dma_start3A_164 : memref<10112x128xf32, #tpu.memory_space<vmem_shared>>) offsets(%arg9 : memref<128xi32, #tpu.memory_space<vmem>>) semaphore(%run_scoped3A_162 : memref<!tpu.dma_semaphore, #tpu.memory_space<semaphore_mem>>) {add = true}
        %dma_wait3A = arith.constant 0 : i32
        %dma_wait3A_165 = arith.constant 0 : i32
        %dma_wait3A_166 = tpu.memref_slice %arg13[%dma_wait3A, %dma_wait3A_165] : memref<10112x128xf32, #tpu.memory_space<vmem_shared>> -> memref<10112x128xf32, #tpu.memory_space<vmem_shared>>
        tpu.wait_indirect_dma semaphore(%run_scoped3A_162 : memref<!tpu.dma_semaphore, #tpu.memory_space<semaphore_mem>>) src(%arg12 : memref<128x128xf32, #tpu.memory_space<vmem>>) dst(%dma_wait3A_166 : memref<10112x128xf32, #tpu.memory_space<vmem_shared>>)
        tpu.yield
      }) : () -> ()
    }
    %scan3A_7 = arith.constant 40 : i32
    %barrier3A_8 = arith.constant 0 : index
    tpu.barrier barrier_id(%barrier3A_8)
    %eq3A_9 = arith.constant 0 : i32
    %eq3A_10 = arith.cmpi eq, %arg1, %eq3A_9 : i32
    %convert_element_type3A_11 = arith.extui %eq3A_10 : i1 to i32
    %cond3A_12 = arith.constant 0 : i32
    %cond3A_13 = arith.cmpi ne, %convert_element_type3A_11, %cond3A_12 : i32
    scf.if %cond3A_13 {
      %run_scoped3A = arith.constant 0 : i32
      "tpu.region"() ({
        %run_scoped3A_148 = tpu.sem_alloc : memref<!tpu.dma_semaphore, #tpu.memory_space<semaphore_mem>>
        %dma_start3A = arith.constant 0 : i32
        %dma_start3A_149 = arith.constant 0 : i32
        %dma_start3A_150 = arith.constant 0 : i32
        %dma_start3A_151 = tpu.memref_slice %arg7[%arg0, %dma_start3A, %dma_start3A_149, %dma_start3A_150] : memref<2x8x10112x128xf32, #tpu.memory_space<hbm>> -> memref<1x8x10112x128xf32, #tpu.memory_space<hbm>>
        %dma_start3A_152 = tpu.memref_squeeze %dma_start3A_151 : memref<1x8x10112x128xf32, #tpu.memory_space<hbm>> -> memref<8x10112x128xf32, #tpu.memory_space<hbm>>
        %dma_start3A_153 = arith.constant 0 : i32
        %dma_start3A_154 = arith.constant 0 : i32
        %dma_start3A_155 = tpu.memref_slice %dma_start3A_152[%run_scoped3A, %dma_start3A_153, %dma_start3A_154] : memref<8x10112x128xf32, #tpu.memory_space<hbm>> -> memref<1x10112x128xf32, #tpu.memory_space<hbm>>
        %dma_start3A_156 = tpu.memref_squeeze %dma_start3A_155 : memref<1x10112x128xf32, #tpu.memory_space<hbm>> -> memref<10112x128xf32, #tpu.memory_space<hbm>>
        tpu.enqueue_dma source(%arg13 : memref<10112x128xf32, #tpu.memory_space<vmem_shared>>) target(%dma_start3A_156 : memref<10112x128xf32, #tpu.memory_space<hbm>>) target_semaphore(%run_scoped3A_148 : memref<!tpu.dma_semaphore, #tpu.memory_space<semaphore_mem>>)
        %dma_wait3A = arith.constant 0 : i32
        %dma_wait3A_157 = arith.constant 0 : i32
        %dma_wait3A_158 = arith.constant 0 : i32
        %dma_wait3A_159 = tpu.memref_slice %arg7[%arg0, %dma_wait3A, %dma_wait3A_157, %dma_wait3A_158] : memref<2x8x10112x128xf32, #tpu.memory_space<hbm>> -> memref<1x8x10112x128xf32, #tpu.memory_space<hbm>>
        %dma_wait3A_160 = tpu.memref_squeeze %dma_wait3A_159 : memref<1x8x10112x128xf32, #tpu.memory_space<hbm>> -> memref<8x10112x128xf32, #tpu.memory_space<hbm>>
        %dma_wait3A_161 = arith.constant 0 : i32
        %dma_wait3A_162 = arith.constant 0 : i32
        %dma_wait3A_163 = tpu.memref_slice %dma_wait3A_160[%run_scoped3A, %dma_wait3A_161, %dma_wait3A_162] : memref<8x10112x128xf32, #tpu.memory_space<hbm>> -> memref<1x10112x128xf32, #tpu.memory_space<hbm>>
        %dma_wait3A_164 = tpu.memref_squeeze %dma_wait3A_163 : memref<1x10112x128xf32, #tpu.memory_space<hbm>> -> memref<10112x128xf32, #tpu.memory_space<hbm>>
        tpu.wait_dma2 semaphore(%run_scoped3A_148 : memref<!tpu.dma_semaphore, #tpu.memory_space<semaphore_mem>>) src(%arg13 : memref<10112x128xf32, #tpu.memory_space<vmem_shared>>) dst(%dma_wait3A_164 : memref<10112x128xf32, #tpu.memory_space<hbm>>)
        tpu.yield
      }) : () -> ()
    } else {
    }
    %barrier3A_14 = arith.constant 0 : index
    tpu.barrier barrier_id(%barrier3A_14)
    %eq3A_15 = arith.constant 0 : i32
    %eq3A_16 = arith.cmpi eq, %arg1, %eq3A_15 : i32
    %convert_element_type3A_17 = arith.extui %eq3A_16 : i1 to i32
    %cond3A_18 = arith.constant 0 : i32
    %cond3A_19 = arith.cmpi ne, %convert_element_type3A_17, %cond3A_18 : i32
    scf.if %cond3A_19 {
      "tpu.region"() ({
        %run_scoped3A = tpu.sem_alloc : memref<!tpu.dma_semaphore, #tpu.memory_space<semaphore_mem>>
        tpu.enqueue_dma source(%arg6 : memref<10112x128xf32, #tpu.memory_space<hbm>>) target(%arg13 : memref<10112x128xf32, #tpu.memory_space<vmem_shared>>) target_semaphore(%run_scoped3A : memref<!tpu.dma_semaphore, #tpu.memory_space<semaphore_mem>>)
        tpu.wait_dma2 semaphore(%run_scoped3A : memref<!tpu.dma_semaphore, #tpu.memory_space<semaphore_mem>>) src(%arg6 : memref<10112x128xf32, #tpu.memory_space<hbm>>) dst(%arg13 : memref<10112x128xf32, #tpu.memory_space<vmem_shared>>)
        tpu.yield
      }) : () -> ()
    } else {
    }
    %barrier3A_20 = arith.constant 0 : index
    tpu.barrier barrier_id(%barrier3A_20)
    %scan3A_21 = arith.constant 0 : i32
    %scan3A_22 = arith.constant 0 : i32
    %scan3A_23 = arith.constant 40 : i32
    %scan3A_24 = arith.addi %scan3A_22, %scan3A_23 : i32
    %scan3A_25 = arith.constant 1 : i32
    scf.for %scan3A_148 = %scan3A_22 to %scan3A_24 step %scan3A_25  : i32 {
      %mul3A_149 = arith.constant 40 : i32
      %mul3A_150 = arith.muli %add3A, %mul3A_149 : i32
      %add3A_151 = arith.addi %mul3A_150, %scan3A_148 : i32
      %mul3A_152 = arith.constant 128 : i32
      %mul3A_153 = arith.muli %add3A_151, %mul3A_152 : i32
      "tpu.region"() ({
        %run_scoped3A_162 = tpu.sem_alloc : memref<!tpu.dma_semaphore, #tpu.memory_space<semaphore_mem>>
        %dma_start3A = tpu.memref_slice %arg2[%mul3A_153] : memref<163840xi32, #tpu.memory_space<hbm>> -> memref<128xi32, #tpu.memory_space<hbm>>
        %dma_start3A_163 = tpu.memref_slice %arg2[%mul3A_153] : memref<163840xi32, #tpu.memory_space<hbm>> -> memref<128xi32, #tpu.memory_space<hbm>>
        tpu.enqueue_dma source(%dma_start3A_163 : memref<128xi32, #tpu.memory_space<hbm>>) target(%arg8 : memref<128xi32, #tpu.memory_space<vmem>>) target_semaphore(%run_scoped3A_162 : memref<!tpu.dma_semaphore, #tpu.memory_space<semaphore_mem>>)
        %dma_wait3A = tpu.memref_slice %arg2[%mul3A_153] : memref<163840xi32, #tpu.memory_space<hbm>> -> memref<128xi32, #tpu.memory_space<hbm>>
        %dma_wait3A_164 = tpu.memref_slice %arg2[%mul3A_153] : memref<163840xi32, #tpu.memory_space<hbm>> -> memref<128xi32, #tpu.memory_space<hbm>>
        tpu.wait_dma2 semaphore(%run_scoped3A_162 : memref<!tpu.dma_semaphore, #tpu.memory_space<semaphore_mem>>) src(%dma_wait3A_164 : memref<128xi32, #tpu.memory_space<hbm>>) dst(%arg8 : memref<128xi32, #tpu.memory_space<vmem>>)
        tpu.yield
      }) : () -> ()
      "tpu.region"() ({
        %run_scoped3A_162 = tpu.sem_alloc : memref<!tpu.dma_semaphore, #tpu.memory_space<semaphore_mem>>
        %dma_start3A = tpu.memref_slice %arg3[%mul3A_153] : memref<163840xi32, #tpu.memory_space<hbm>> -> memref<128xi32, #tpu.memory_space<hbm>>
        %dma_start3A_163 = tpu.memref_slice %arg3[%mul3A_153] : memref<163840xi32, #tpu.memory_space<hbm>> -> memref<128xi32, #tpu.memory_space<hbm>>
        tpu.enqueue_dma source(%dma_start3A_163 : memref<128xi32, #tpu.memory_space<hbm>>) target(%arg9 : memref<128xi32, #tpu.memory_space<vmem>>) target_semaphore(%run_scoped3A_162 : memref<!tpu.dma_semaphore, #tpu.memory_space<semaphore_mem>>)
        %dma_wait3A = tpu.memref_slice %arg3[%mul3A_153] : memref<163840xi32, #tpu.memory_space<hbm>> -> memref<128xi32, #tpu.memory_space<hbm>>
        %dma_wait3A_164 = tpu.memref_slice %arg3[%mul3A_153] : memref<163840xi32, #tpu.memory_space<hbm>> -> memref<128xi32, #tpu.memory_space<hbm>>
        tpu.wait_dma2 semaphore(%run_scoped3A_162 : memref<!tpu.dma_semaphore, #tpu.memory_space<semaphore_mem>>) src(%dma_wait3A_164 : memref<128xi32, #tpu.memory_space<hbm>>) dst(%arg9 : memref<128xi32, #tpu.memory_space<vmem>>)
        tpu.yield
      }) : () -> ()
      %mul3A_154 = arith.constant 16 : i32
      %mul3A_155 = arith.muli %mul3A_153, %mul3A_154 : i32
      "tpu.region"() ({
        %run_scoped3A_162 = tpu.sem_alloc : memref<!tpu.dma_semaphore, #tpu.memory_space<semaphore_mem>>
        %dma_start3A = tpu.memref_slice %arg5[%mul3A_155] : memref<2621440xf32, #tpu.memory_space<hbm>> -> memref<2048xf32, #tpu.memory_space<hbm>>
        %dma_start3A_163 = tpu.memref_slice %arg5[%mul3A_155] : memref<2621440xf32, #tpu.memory_space<hbm>> -> memref<2048xf32, #tpu.memory_space<hbm>>
        tpu.enqueue_dma source(%dma_start3A_163 : memref<2048xf32, #tpu.memory_space<hbm>>) target(%arg10 : memref<2048xf32, #tpu.memory_space<vmem>>) target_semaphore(%run_scoped3A_162 : memref<!tpu.dma_semaphore, #tpu.memory_space<semaphore_mem>>)
        %dma_wait3A = tpu.memref_slice %arg5[%mul3A_155] : memref<2621440xf32, #tpu.memory_space<hbm>> -> memref<2048xf32, #tpu.memory_space<hbm>>
        %dma_wait3A_164 = tpu.memref_slice %arg5[%mul3A_155] : memref<2621440xf32, #tpu.memory_space<hbm>> -> memref<2048xf32, #tpu.memory_space<hbm>>
        tpu.wait_dma2 semaphore(%run_scoped3A_162 : memref<!tpu.dma_semaphore, #tpu.memory_space<semaphore_mem>>) src(%dma_wait3A_164 : memref<2048xf32, #tpu.memory_space<hbm>>) dst(%arg10 : memref<2048xf32, #tpu.memory_space<vmem>>)
        tpu.yield
      }) : () -> ()
      %run_scoped3A = arith.constant 1 : i32
      "tpu.region"() ({
        %run_scoped3A_162 = tpu.sem_alloc : memref<!tpu.dma_semaphore, #tpu.memory_space<semaphore_mem>>
        %dma_start3A = arith.constant 0 : i32
        %dma_start3A_163 = arith.constant 0 : i32
        %dma_start3A_164 = tpu.memref_slice %arg4[%run_scoped3A, %dma_start3A, %dma_start3A_163] : memref<8x10112x128xf32, #tpu.memory_space<hbm>> -> memref<1x10112x128xf32, #tpu.memory_space<hbm>>
        %dma_start3A_165 = tpu.memref_squeeze %dma_start3A_164 : memref<1x10112x128xf32, #tpu.memory_space<hbm>> -> memref<10112x128xf32, #tpu.memory_space<hbm>>
        %dma_start3A_166 = arith.constant 0 : i32
        %dma_start3A_167 = arith.constant 0 : i32
        %dma_start3A_168 = tpu.memref_slice %dma_start3A_165[%dma_start3A_166, %dma_start3A_167] : memref<10112x128xf32, #tpu.memory_space<hbm>> -> memref<10112x128xf32, #tpu.memory_space<hbm>>
        tpu.enqueue_indirect_dma source(%dma_start3A_168 : memref<10112x128xf32, #tpu.memory_space<hbm>>) target(%arg11 : memref<128x128xf32, #tpu.memory_space<vmem>>) offsets(%arg8 : memref<128xi32, #tpu.memory_space<vmem>>) semaphore(%run_scoped3A_162 : memref<!tpu.dma_semaphore, #tpu.memory_space<semaphore_mem>>)
        %dma_wait3A = arith.constant 0 : i32
        %dma_wait3A_169 = arith.constant 0 : i32
        %dma_wait3A_170 = tpu.memref_slice %arg4[%run_scoped3A, %dma_wait3A, %dma_wait3A_169] : memref<8x10112x128xf32, #tpu.memory_space<hbm>> -> memref<1x10112x128xf32, #tpu.memory_space<hbm>>
        %dma_wait3A_171 = tpu.memref_squeeze %dma_wait3A_170 : memref<1x10112x128xf32, #tpu.memory_space<hbm>> -> memref<10112x128xf32, #tpu.memory_space<hbm>>
        %dma_wait3A_172 = arith.constant 0 : i32
        %dma_wait3A_173 = arith.constant 0 : i32
        %dma_wait3A_174 = tpu.memref_slice %dma_wait3A_171[%dma_wait3A_172, %dma_wait3A_173] : memref<10112x128xf32, #tpu.memory_space<hbm>> -> memref<10112x128xf32, #tpu.memory_space<hbm>>
        tpu.wait_indirect_dma semaphore(%run_scoped3A_162 : memref<!tpu.dma_semaphore, #tpu.memory_space<semaphore_mem>>) src(%dma_wait3A_174 : memref<10112x128xf32, #tpu.memory_space<hbm>>) dst(%arg11 : memref<128x128xf32, #tpu.memory_space<vmem>>)
        tpu.yield
      }) : () -> ()
      %scan3A_156 = arith.constant 0 : i32
      %scan3A_157 = arith.constant 0 : i32
      %scan3A_158 = arith.constant 128 : i32
      %scan3A_159 = arith.addi %scan3A_157, %scan3A_158 : i32
      %scan3A_160 = arith.constant 1 : i32
      scf.for %scan3A_162 = %scan3A_157 to %scan3A_159 step %scan3A_160  : i32 {
        %mul3A_163 = arith.constant 16 : i32
        %mul3A_164 = arith.muli %scan3A_162, %mul3A_163 : i32
        %get3A = arith.index_cast %mul3A_164 : i32 to index
        %get3A_165 = tpu.vector_load %arg10[%get3A] {strides = array<i32>} : memref<2048xf32, #tpu.memory_space<vmem>>, vector<16xf32>,
        %get3A_166 = vector.shape_cast %get3A_165 : vector<16xf32> to vector<16xf32>
        %slice3A = vector.extract_strided_slice %get3A_166 {offsets = [0], sizes = [1], strides = [1]} : vector<16xf32> to vector<1xf32>
        %squeeze3A = vector.extract %slice3A[0] : f32 from vector<1xf32>
        %get3A_167 = arith.index_cast %scan3A_162 : i32 to index
        %get3A_168 = arith.constant 0 : index
        %get3A_169 = tpu.vector_load %arg11[%get3A_167, %get3A_168] {strides = array<i32>} : memref<128x128xf32, #tpu.memory_space<vmem>>, vector<1x16xf32>,
        %get3A_170 = vector.shape_cast %get3A_169 : vector<1x16xf32> to vector<16xf32>
        %mul3A_171 = vector.broadcast %squeeze3A : f32 to vector<16xf32>
        %mul3A_172 = arith.mulf %get3A_170, %mul3A_171 : vector<16xf32>
        %swap3A = arith.index_cast %scan3A_162 : i32 to index
        %swap3A_173 = arith.constant 0 : index
        %swap3A_174 = tpu.vector_load %arg12[%swap3A, %swap3A_173] {strides = array<i32>} : memref<128x128xf32, #tpu.memory_space<vmem>>, vector<1x16xf32>,
        %swap3A_175 = vector.shape_cast %swap3A_174 : vector<1x16xf32> to vector<16xf32>
        %swap3A_176 = vector.shape_cast %mul3A_172 : vector<16xf32> to vector<1x16xf32>
        tpu.vector_store %arg12[%swap3A, %swap3A_173], %swap3A_176 {strides = array<i32>} : memref<128x128xf32, #tpu.memory_space<vmem>>, vector<1x16xf32>,
        %get3A_177 = arith.index_cast %scan3A_162 : i32 to index
        %get3A_178 = arith.constant 16 : index
        %get3A_179 = tpu.vector_load %arg11[%get3A_177, %get3A_178] {strides = array<i32>} : memref<128x128xf32, #tpu.memory_space<vmem>>, vector<1x16xf32>,
        %get3A_180 = vector.shape_cast %get3A_179 : vector<1x16xf32> to vector<16xf32>
        %mul3A_181 = vector.broadcast %squeeze3A : f32 to vector<16xf32>
        %mul3A_182 = arith.mulf %get3A_180, %mul3A_181 : vector<16xf32>
        %swap3A_183 = arith.index_cast %scan3A_162 : i32 to index
        %swap3A_184 = arith.constant 16 : index
        %swap3A_185 = tpu.vector_load %arg12[%swap3A_183, %swap3A_184] {strides = array<i32>} : memref<128x128xf32, #tpu.memory_space<vmem>>, vector<1x16xf32>,
        %swap3A_186 = vector.shape_cast %swap3A_185 : vector<1x16xf32> to vector<16xf32>
        %swap3A_187 = vector.shape_cast %mul3A_182 : vector<16xf32> to vector<1x16xf32>
        tpu.vector_store %arg12[%swap3A_183, %swap3A_184], %swap3A_187 {strides = array<i32>} : memref<128x128xf32, #tpu.memory_space<vmem>>, vector<1x16xf32>,
        %get3A_188 = arith.index_cast %scan3A_162 : i32 to index
        %get3A_189 = arith.constant 32 : index
        %get3A_190 = tpu.vector_load %arg11[%get3A_188, %get3A_189] {strides = array<i32>} : memref<128x128xf32, #tpu.memory_space<vmem>>, vector<1x16xf32>,
        %get3A_191 = vector.shape_cast %get3A_190 : vector<1x16xf32> to vector<16xf32>
        %mul3A_192 = vector.broadcast %squeeze3A : f32 to vector<16xf32>
        %mul3A_193 = arith.mulf %get3A_191, %mul3A_192 : vector<16xf32>
        %swap3A_194 = arith.index_cast %scan3A_162 : i32 to index
        %swap3A_195 = arith.constant 32 : index
        %swap3A_196 = tpu.vector_load %arg12[%swap3A_194, %swap3A_195] {strides = array<i32>} : memref<128x128xf32, #tpu.memory_space<vmem>>, vector<1x16xf32>,
        %swap3A_197 = vector.shape_cast %swap3A_196 : vector<1x16xf32> to vector<16xf32>
        %swap3A_198 = vector.shape_cast %mul3A_193 : vector<16xf32> to vector<1x16xf32>
        tpu.vector_store %arg12[%swap3A_194, %swap3A_195], %swap3A_198 {strides = array<i32>} : memref<128x128xf32, #tpu.memory_space<vmem>>, vector<1x16xf32>,
        %get3A_199 = arith.index_cast %scan3A_162 : i32 to index
        %get3A_200 = arith.constant 48 : index
        %get3A_201 = tpu.vector_load %arg11[%get3A_199, %get3A_200] {strides = array<i32>} : memref<128x128xf32, #tpu.memory_space<vmem>>, vector<1x16xf32>,
        %get3A_202 = vector.shape_cast %get3A_201 : vector<1x16xf32> to vector<16xf32>
        %mul3A_203 = vector.broadcast %squeeze3A : f32 to vector<16xf32>
        %mul3A_204 = arith.mulf %get3A_202, %mul3A_203 : vector<16xf32>
        %swap3A_205 = arith.index_cast %scan3A_162 : i32 to index
        %swap3A_206 = arith.constant 48 : index
        %swap3A_207 = tpu.vector_load %arg12[%swap3A_205, %swap3A_206] {strides = array<i32>} : memref<128x128xf32, #tpu.memory_space<vmem>>, vector<1x16xf32>,
        %swap3A_208 = vector.shape_cast %swap3A_207 : vector<1x16xf32> to vector<16xf32>
        %swap3A_209 = vector.shape_cast %mul3A_204 : vector<16xf32> to vector<1x16xf32>
        tpu.vector_store %arg12[%swap3A_205, %swap3A_206], %swap3A_209 {strides = array<i32>} : memref<128x128xf32, #tpu.memory_space<vmem>>, vector<1x16xf32>,
        %get3A_210 = arith.index_cast %scan3A_162 : i32 to index
        %get3A_211 = arith.constant 64 : index
        %get3A_212 = tpu.vector_load %arg11[%get3A_210, %get3A_211] {strides = array<i32>} : memref<128x128xf32, #tpu.memory_space<vmem>>, vector<1x16xf32>,
        %get3A_213 = vector.shape_cast %get3A_212 : vector<1x16xf32> to vector<16xf32>
        %mul3A_214 = vector.broadcast %squeeze3A : f32 to vector<16xf32>
        %mul3A_215 = arith.mulf %get3A_213, %mul3A_214 : vector<16xf32>
        %swap3A_216 = arith.index_cast %scan3A_162 : i32 to index
        %swap3A_217 = arith.constant 64 : index
        %swap3A_218 = tpu.vector_load %arg12[%swap3A_216, %swap3A_217] {strides = array<i32>} : memref<128x128xf32, #tpu.memory_space<vmem>>, vector<1x16xf32>,
        %swap3A_219 = vector.shape_cast %swap3A_218 : vector<1x16xf32> to vector<16xf32>
        %swap3A_220 = vector.shape_cast %mul3A_215 : vector<16xf32> to vector<1x16xf32>
        tpu.vector_store %arg12[%swap3A_216, %swap3A_217], %swap3A_220 {strides = array<i32>} : memref<128x128xf32, #tpu.memory_space<vmem>>, vector<1x16xf32>,
        %get3A_221 = arith.index_cast %scan3A_162 : i32 to index
        %get3A_222 = arith.constant 80 : index
        %get3A_223 = tpu.vector_load %arg11[%get3A_221, %get3A_222] {strides = array<i32>} : memref<128x128xf32, #tpu.memory_space<vmem>>, vector<1x16xf32>,
        %get3A_224 = vector.shape_cast %get3A_223 : vector<1x16xf32> to vector<16xf32>
        %mul3A_225 = vector.broadcast %squeeze3A : f32 to vector<16xf32>
        %mul3A_226 = arith.mulf %get3A_224, %mul3A_225 : vector<16xf32>
        %swap3A_227 = arith.index_cast %scan3A_162 : i32 to index
        %swap3A_228 = arith.constant 80 : index
        %swap3A_229 = tpu.vector_load %arg12[%swap3A_227, %swap3A_228] {strides = array<i32>} : memref<128x128xf32, #tpu.memory_space<vmem>>, vector<1x16xf32>,
        %swap3A_230 = vector.shape_cast %swap3A_229 : vector<1x16xf32> to vector<16xf32>
        %swap3A_231 = vector.shape_cast %mul3A_226 : vector<16xf32> to vector<1x16xf32>
        tpu.vector_store %arg12[%swap3A_227, %swap3A_228], %swap3A_231 {strides = array<i32>} : memref<128x128xf32, #tpu.memory_space<vmem>>, vector<1x16xf32>,
        %get3A_232 = arith.index_cast %scan3A_162 : i32 to index
        %get3A_233 = arith.constant 96 : index
        %get3A_234 = tpu.vector_load %arg11[%get3A_232, %get3A_233] {strides = array<i32>} : memref<128x128xf32, #tpu.memory_space<vmem>>, vector<1x16xf32>,
        %get3A_235 = vector.shape_cast %get3A_234 : vector<1x16xf32> to vector<16xf32>
        %mul3A_236 = vector.broadcast %squeeze3A : f32 to vector<16xf32>
        %mul3A_237 = arith.mulf %get3A_235, %mul3A_236 : vector<16xf32>
        %swap3A_238 = arith.index_cast %scan3A_162 : i32 to index
        %swap3A_239 = arith.constant 96 : index
        %swap3A_240 = tpu.vector_load %arg12[%swap3A_238, %swap3A_239] {strides = array<i32>} : memref<128x128xf32, #tpu.memory_space<vmem>>, vector<1x16xf32>,
        %swap3A_241 = vector.shape_cast %swap3A_240 : vector<1x16xf32> to vector<16xf32>
        %swap3A_242 = vector.shape_cast %mul3A_237 : vector<16xf32> to vector<1x16xf32>
        tpu.vector_store %arg12[%swap3A_238, %swap3A_239], %swap3A_242 {strides = array<i32>} : memref<128x128xf32, #tpu.memory_space<vmem>>, vector<1x16xf32>,
        %get3A_243 = arith.index_cast %scan3A_162 : i32 to index
        %get3A_244 = arith.constant 112 : index
        %get3A_245 = tpu.vector_load %arg11[%get3A_243, %get3A_244] {strides = array<i32>} : memref<128x128xf32, #tpu.memory_space<vmem>>, vector<1x16xf32>,
        %get3A_246 = vector.shape_cast %get3A_245 : vector<1x16xf32> to vector<16xf32>
        %mul3A_247 = vector.broadcast %squeeze3A : f32 to vector<16xf32>
        %mul3A_248 = arith.mulf %get3A_246, %mul3A_247 : vector<16xf32>
        %swap3A_249 = arith.index_cast %scan3A_162 : i32 to index
        %swap3A_250 = arith.constant 112 : index
        %swap3A_251 = tpu.vector_load %arg12[%swap3A_249, %swap3A_250] {strides = array<i32>} : memref<128x128xf32, #tpu.memory_space<vmem>>, vector<1x16xf32>,
        %swap3A_252 = vector.shape_cast %swap3A_251 : vector<1x16xf32> to vector<16xf32>
        %swap3A_253 = vector.shape_cast %mul3A_248 : vector<16xf32> to vector<1x16xf32>
        tpu.vector_store %arg12[%swap3A_249, %swap3A_250], %swap3A_253 {strides = array<i32>} : memref<128x128xf32, #tpu.memory_space<vmem>>, vector<1x16xf32>,
      }
      %scan3A_161 = arith.constant 128 : i32
      "tpu.region"() ({
        %run_scoped3A_162 = tpu.sem_alloc : memref<!tpu.dma_semaphore, #tpu.memory_space<semaphore_mem>>
        %dma_start3A = arith.constant 0 : i32
        %dma_start3A_163 = arith.constant 0 : i32
        %dma_start3A_164 = tpu.memref_slice %arg13[%dma_start3A, %dma_start3A_163] : memref<10112x128xf32, #tpu.memory_space<vmem_shared>> -> memref<10112x128xf32, #tpu.memory_space<vmem_shared>>
        tpu.enqueue_indirect_dma source(%arg12 : memref<128x128xf32, #tpu.memory_space<vmem>>) target(%dma_start3A_164 : memref<10112x128xf32, #tpu.memory_space<vmem_shared>>) offsets(%arg9 : memref<128xi32, #tpu.memory_space<vmem>>) semaphore(%run_scoped3A_162 : memref<!tpu.dma_semaphore, #tpu.memory_space<semaphore_mem>>) {add = true}
        %dma_wait3A = arith.constant 0 : i32
        %dma_wait3A_165 = arith.constant 0 : i32
        %dma_wait3A_166 = tpu.memref_slice %arg13[%dma_wait3A, %dma_wait3A_165] : memref<10112x128xf32, #tpu.memory_space<vmem_shared>> -> memref<10112x128xf32, #tpu.memory_space<vmem_shared>>
        tpu.wait_indirect_dma semaphore(%run_scoped3A_162 : memref<!tpu.dma_semaphore, #tpu.memory_space<semaphore_mem>>) src(%arg12 : memref<128x128xf32, #tpu.memory_space<vmem>>) dst(%dma_wait3A_166 : memref<10112x128xf32, #tpu.memory_space<vmem_shared>>)
        tpu.yield
      }) : () -> ()
    }
    %scan3A_26 = arith.constant 40 : i32
    %barrier3A_27 = arith.constant 0 : index
    tpu.barrier barrier_id(%barrier3A_27)
    %eq3A_28 = arith.constant 0 : i32
    %eq3A_29 = arith.cmpi eq, %arg1, %eq3A_28 : i32
    %convert_element_type3A_30 = arith.extui %eq3A_29 : i1 to i32
    %cond3A_31 = arith.constant 0 : i32
    %cond3A_32 = arith.cmpi ne, %convert_element_type3A_30, %cond3A_31 : i32
    scf.if %cond3A_32 {
      %run_scoped3A = arith.constant 1 : i32
      "tpu.region"() ({
        %run_scoped3A_148 = tpu.sem_alloc : memref<!tpu.dma_semaphore, #tpu.memory_space<semaphore_mem>>
        %dma_start3A = arith.constant 0 : i32
        %dma_start3A_149 = arith.constant 0 : i32
        %dma_start3A_150 = arith.constant 0 : i32
        %dma_start3A_151 = tpu.memref_slice %arg7[%arg0, %dma_start3A, %dma_start3A_149, %dma_start3A_150] : memref<2x8x10112x128xf32, #tpu.memory_space<hbm>> -> memref<1x8x10112x128xf32, #tpu.memory_space<hbm>>
        %dma_start3A_152 = tpu.memref_squeeze %dma_start3A_151 : memref<1x8x10112x128xf32, #tpu.memory_space<hbm>> -> memref<8x10112x128xf32, #tpu.memory_space<hbm>>
        %dma_start3A_153 = arith.constant 0 : i32
        %dma_start3A_154 = arith.constant 0 : i32
        %dma_start3A_155 = tpu.memref_slice %dma_start3A_152[%run_scoped3A, %dma_start3A_153, %dma_start3A_154] : memref<8x10112x128xf32, #tpu.memory_space<hbm>> -> memref<1x10112x128xf32, #tpu.memory_space<hbm>>
        %dma_start3A_156 = tpu.memref_squeeze %dma_start3A_155 : memref<1x10112x128xf32, #tpu.memory_space<hbm>> -> memref<10112x128xf32, #tpu.memory_space<hbm>>
        tpu.enqueue_dma source(%arg13 : memref<10112x128xf32, #tpu.memory_space<vmem_shared>>) target(%dma_start3A_156 : memref<10112x128xf32, #tpu.memory_space<hbm>>) target_semaphore(%run_scoped3A_148 : memref<!tpu.dma_semaphore, #tpu.memory_space<semaphore_mem>>)
        %dma_wait3A = arith.constant 0 : i32
        %dma_wait3A_157 = arith.constant 0 : i32
        %dma_wait3A_158 = arith.constant 0 : i32
        %dma_wait3A_159 = tpu.memref_slice %arg7[%arg0, %dma_wait3A, %dma_wait3A_157, %dma_wait3A_158] : memref<2x8x10112x128xf32, #tpu.memory_space<hbm>> -> memref<1x8x10112x128xf32, #tpu.memory_space<hbm>>
        %dma_wait3A_160 = tpu.memref_squeeze %dma_wait3A_159 : memref<1x8x10112x128xf32, #tpu.memory_space<hbm>> -> memref<8x10112x128xf32, #tpu.memory_space<hbm>>
        %dma_wait3A_161 = arith.constant 0 : i32
        %dma_wait3A_162 = arith.constant 0 : i32
        %dma_wait3A_163 = tpu.memref_slice %dma_wait3A_160[%run_scoped3A, %dma_wait3A_161, %dma_wait3A_162] : memref<8x10112x128xf32, #tpu.memory_space<hbm>> -> memref<1x10112x128xf32, #tpu.memory_space<hbm>>
        %dma_wait3A_164 = tpu.memref_squeeze %dma_wait3A_163 : memref<1x10112x128xf32, #tpu.memory_space<hbm>> -> memref<10112x128xf32, #tpu.memory_space<hbm>>
        tpu.wait_dma2 semaphore(%run_scoped3A_148 : memref<!tpu.dma_semaphore, #tpu.memory_space<semaphore_mem>>) src(%arg13 : memref<10112x128xf32, #tpu.memory_space<vmem_shared>>) dst(%dma_wait3A_164 : memref<10112x128xf32, #tpu.memory_space<hbm>>)
        tpu.yield
      }) : () -> ()
    } else {
    }
    %barrier3A_33 = arith.constant 0 : index
    tpu.barrier barrier_id(%barrier3A_33)
    %eq3A_34 = arith.constant 0 : i32
    %eq3A_35 = arith.cmpi eq, %arg1, %eq3A_34 : i32
    %convert_element_type3A_36 = arith.extui %eq3A_35 : i1 to i32
    %cond3A_37 = arith.constant 0 : i32
    %cond3A_38 = arith.cmpi ne, %convert_element_type3A_36, %cond3A_37 : i32
    scf.if %cond3A_38 {
      "tpu.region"() ({
        %run_scoped3A = tpu.sem_alloc : memref<!tpu.dma_semaphore, #tpu.memory_space<semaphore_mem>>
        tpu.enqueue_dma source(%arg6 : memref<10112x128xf32, #tpu.memory_space<hbm>>) target(%arg13 : memref<10112x128xf32, #tpu.memory_space<vmem_shared>>) target_semaphore(%run_scoped3A : memref<!tpu.dma_semaphore, #tpu.memory_space<semaphore_mem>>)
        tpu.wait_dma2 semaphore(%run_scoped3A : memref<!tpu.dma_semaphore, #tpu.memory_space<semaphore_mem>>) src(%arg6 : memref<10112x128xf32, #tpu.memory_space<hbm>>) dst(%arg13 : memref<10112x128xf32, #tpu.memory_space<vmem_shared>>)
        tpu.yield
      }) : () -> ()
    } else {
    }
    %barrier3A_39 = arith.constant 0 : index
    tpu.barrier barrier_id(%barrier3A_39)
    %scan3A_40 = arith.constant 0 : i32
    %scan3A_41 = arith.constant 0 : i32
    %scan3A_42 = arith.constant 40 : i32
    %scan3A_43 = arith.addi %scan3A_41, %scan3A_42 : i32
    %scan3A_44 = arith.constant 1 : i32
    scf.for %scan3A_148 = %scan3A_41 to %scan3A_43 step %scan3A_44  : i32 {
      %mul3A_149 = arith.constant 40 : i32
      %mul3A_150 = arith.muli %add3A, %mul3A_149 : i32
      %add3A_151 = arith.addi %mul3A_150, %scan3A_148 : i32
      %mul3A_152 = arith.constant 128 : i32
      %mul3A_153 = arith.muli %add3A_151, %mul3A_152 : i32
      "tpu.region"() ({
        %run_scoped3A_162 = tpu.sem_alloc : memref<!tpu.dma_semaphore, #tpu.memory_space<semaphore_mem>>
        %dma_start3A = tpu.memref_slice %arg2[%mul3A_153] : memref<163840xi32, #tpu.memory_space<hbm>> -> memref<128xi32, #tpu.memory_space<hbm>>
        %dma_start3A_163 = tpu.memref_slice %arg2[%mul3A_153] : memref<163840xi32, #tpu.memory_space<hbm>> -> memref<128xi32, #tpu.memory_space<hbm>>
        tpu.enqueue_dma source(%dma_start3A_163 : memref<128xi32, #tpu.memory_space<hbm>>) target(%arg8 : memref<128xi32, #tpu.memory_space<vmem>>) target_semaphore(%run_scoped3A_162 : memref<!tpu.dma_semaphore, #tpu.memory_space<semaphore_mem>>)
        %dma_wait3A = tpu.memref_slice %arg2[%mul3A_153] : memref<163840xi32, #tpu.memory_space<hbm>> -> memref<128xi32, #tpu.memory_space<hbm>>
        %dma_wait3A_164 = tpu.memref_slice %arg2[%mul3A_153] : memref<163840xi32, #tpu.memory_space<hbm>> -> memref<128xi32, #tpu.memory_space<hbm>>
        tpu.wait_dma2 semaphore(%run_scoped3A_162 : memref<!tpu.dma_semaphore, #tpu.memory_space<semaphore_mem>>) src(%dma_wait3A_164 : memref<128xi32, #tpu.memory_space<hbm>>) dst(%arg8 : memref<128xi32, #tpu.memory_space<vmem>>)
        tpu.yield
      }) : () -> ()
      "tpu.region"() ({
        %run_scoped3A_162 = tpu.sem_alloc : memref<!tpu.dma_semaphore, #tpu.memory_space<semaphore_mem>>
        %dma_start3A = tpu.memref_slice %arg3[%mul3A_153] : memref<163840xi32, #tpu.memory_space<hbm>> -> memref<128xi32, #tpu.memory_space<hbm>>
        %dma_start3A_163 = tpu.memref_slice %arg3[%mul3A_153] : memref<163840xi32, #tpu.memory_space<hbm>> -> memref<128xi32, #tpu.memory_space<hbm>>
        tpu.enqueue_dma source(%dma_start3A_163 : memref<128xi32, #tpu.memory_space<hbm>>) target(%arg9 : memref<128xi32, #tpu.memory_space<vmem>>) target_semaphore(%run_scoped3A_162 : memref<!tpu.dma_semaphore, #tpu.memory_space<semaphore_mem>>)
        %dma_wait3A = tpu.memref_slice %arg3[%mul3A_153] : memref<163840xi32, #tpu.memory_space<hbm>> -> memref<128xi32, #tpu.memory_space<hbm>>
        %dma_wait3A_164 = tpu.memref_slice %arg3[%mul3A_153] : memref<163840xi32, #tpu.memory_space<hbm>> -> memref<128xi32, #tpu.memory_space<hbm>>
        tpu.wait_dma2 semaphore(%run_scoped3A_162 : memref<!tpu.dma_semaphore, #tpu.memory_space<semaphore_mem>>) src(%dma_wait3A_164 : memref<128xi32, #tpu.memory_space<hbm>>) dst(%arg9 : memref<128xi32, #tpu.memory_space<vmem>>)
        tpu.yield
      }) : () -> ()
      %mul3A_154 = arith.constant 16 : i32
      %mul3A_155 = arith.muli %mul3A_153, %mul3A_154 : i32
      "tpu.region"() ({
        %run_scoped3A_162 = tpu.sem_alloc : memref<!tpu.dma_semaphore, #tpu.memory_space<semaphore_mem>>
        %dma_start3A = tpu.memref_slice %arg5[%mul3A_155] : memref<2621440xf32, #tpu.memory_space<hbm>> -> memref<2048xf32, #tpu.memory_space<hbm>>
        %dma_start3A_163 = tpu.memref_slice %arg5[%mul3A_155] : memref<2621440xf32, #tpu.memory_space<hbm>> -> memref<2048xf32, #tpu.memory_space<hbm>>
        tpu.enqueue_dma source(%dma_start3A_163 : memref<2048xf32, #tpu.memory_space<hbm>>) target(%arg10 : memref<2048xf32, #tpu.memory_space<vmem>>) target_semaphore(%run_scoped3A_162 : memref<!tpu.dma_semaphore, #tpu.memory_space<semaphore_mem>>)
        %dma_wait3A = tpu.memref_slice %arg5[%mul3A_155] : memref<2621440xf32, #tpu.memory_space<hbm>> -> memref<2048xf32, #tpu.memory_space<hbm>>
        %dma_wait3A_164 = tpu.memref_slice %arg5[%mul3A_155] : memref<2621440xf32, #tpu.memory_space<hbm>> -> memref<2048xf32, #tpu.memory_space<hbm>>
        tpu.wait_dma2 semaphore(%run_scoped3A_162 : memref<!tpu.dma_semaphore, #tpu.memory_space<semaphore_mem>>) src(%dma_wait3A_164 : memref<2048xf32, #tpu.memory_space<hbm>>) dst(%arg10 : memref<2048xf32, #tpu.memory_space<vmem>>)
        tpu.yield
      }) : () -> ()
      %run_scoped3A = arith.constant 2 : i32
      "tpu.region"() ({
        %run_scoped3A_162 = tpu.sem_alloc : memref<!tpu.dma_semaphore, #tpu.memory_space<semaphore_mem>>
        %dma_start3A = arith.constant 0 : i32
        %dma_start3A_163 = arith.constant 0 : i32
        %dma_start3A_164 = tpu.memref_slice %arg4[%run_scoped3A, %dma_start3A, %dma_start3A_163] : memref<8x10112x128xf32, #tpu.memory_space<hbm>> -> memref<1x10112x128xf32, #tpu.memory_space<hbm>>
        %dma_start3A_165 = tpu.memref_squeeze %dma_start3A_164 : memref<1x10112x128xf32, #tpu.memory_space<hbm>> -> memref<10112x128xf32, #tpu.memory_space<hbm>>
        %dma_start3A_166 = arith.constant 0 : i32
        %dma_start3A_167 = arith.constant 0 : i32
        %dma_start3A_168 = tpu.memref_slice %dma_start3A_165[%dma_start3A_166, %dma_start3A_167] : memref<10112x128xf32, #tpu.memory_space<hbm>> -> memref<10112x128xf32, #tpu.memory_space<hbm>>
        tpu.enqueue_indirect_dma source(%dma_start3A_168 : memref<10112x128xf32, #tpu.memory_space<hbm>>) target(%arg11 : memref<128x128xf32, #tpu.memory_space<vmem>>) offsets(%arg8 : memref<128xi32, #tpu.memory_space<vmem>>) semaphore(%run_scoped3A_162 : memref<!tpu.dma_semaphore, #tpu.memory_space<semaphore_mem>>)
        %dma_wait3A = arith.constant 0 : i32
        %dma_wait3A_169 = arith.constant 0 : i32
        %dma_wait3A_170 = tpu.memref_slice %arg4[%run_scoped3A, %dma_wait3A, %dma_wait3A_169] : memref<8x10112x128xf32, #tpu.memory_space<hbm>> -> memref<1x10112x128xf32, #tpu.memory_space<hbm>>
        %dma_wait3A_171 = tpu.memref_squeeze %dma_wait3A_170 : memref<1x10112x128xf32, #tpu.memory_space<hbm>> -> memref<10112x128xf32, #tpu.memory_space<hbm>>
        %dma_wait3A_172 = arith.constant 0 : i32
        %dma_wait3A_173 = arith.constant 0 : i32
        %dma_wait3A_174 = tpu.memref_slice %dma_wait3A_171[%dma_wait3A_172, %dma_wait3A_173] : memref<10112x128xf32, #tpu.memory_space<hbm>> -> memref<10112x128xf32, #tpu.memory_space<hbm>>
        tpu.wait_indirect_dma semaphore(%run_scoped3A_162 : memref<!tpu.dma_semaphore, #tpu.memory_space<semaphore_mem>>) src(%dma_wait3A_174 : memref<10112x128xf32, #tpu.memory_space<hbm>>) dst(%arg11 : memref<128x128xf32, #tpu.memory_space<vmem>>)
        tpu.yield
      }) : () -> ()
      %scan3A_156 = arith.constant 0 : i32
      %scan3A_157 = arith.constant 0 : i32
      %scan3A_158 = arith.constant 128 : i32
      %scan3A_159 = arith.addi %scan3A_157, %scan3A_158 : i32
      %scan3A_160 = arith.constant 1 : i32
      scf.for %scan3A_162 = %scan3A_157 to %scan3A_159 step %scan3A_160  : i32 {
        %mul3A_163 = arith.constant 16 : i32
        %mul3A_164 = arith.muli %scan3A_162, %mul3A_163 : i32
        %get3A = arith.index_cast %mul3A_164 : i32 to index
        %get3A_165 = tpu.vector_load %arg10[%get3A] {strides = array<i32>} : memref<2048xf32, #tpu.memory_space<vmem>>, vector<16xf32>,
        %get3A_166 = vector.shape_cast %get3A_165 : vector<16xf32> to vector<16xf32>
        %slice3A = vector.extract_strided_slice %get3A_166 {offsets = [1], sizes = [1], strides = [1]} : vector<16xf32> to vector<1xf32>
        %squeeze3A = vector.extract %slice3A[0] : f32 from vector<1xf32>
        %get3A_167 = arith.index_cast %scan3A_162 : i32 to index
        %get3A_168 = arith.constant 0 : index
        %get3A_169 = tpu.vector_load %arg11[%get3A_167, %get3A_168] {strides = array<i32>} : memref<128x128xf32, #tpu.memory_space<vmem>>, vector<1x16xf32>,
        %get3A_170 = vector.shape_cast %get3A_169 : vector<1x16xf32> to vector<16xf32>
        %mul3A_171 = vector.broadcast %squeeze3A : f32 to vector<16xf32>
        %mul3A_172 = arith.mulf %get3A_170, %mul3A_171 : vector<16xf32>
        %swap3A = arith.index_cast %scan3A_162 : i32 to index
        %swap3A_173 = arith.constant 0 : index
        %swap3A_174 = tpu.vector_load %arg12[%swap3A, %swap3A_173] {strides = array<i32>} : memref<128x128xf32, #tpu.memory_space<vmem>>, vector<1x16xf32>,
        %swap3A_175 = vector.shape_cast %swap3A_174 : vector<1x16xf32> to vector<16xf32>
        %swap3A_176 = vector.shape_cast %mul3A_172 : vector<16xf32> to vector<1x16xf32>
        tpu.vector_store %arg12[%swap3A, %swap3A_173], %swap3A_176 {strides = array<i32>} : memref<128x128xf32, #tpu.memory_space<vmem>>, vector<1x16xf32>,
        %get3A_177 = arith.index_cast %scan3A_162 : i32 to index
        %get3A_178 = arith.constant 16 : index
        %get3A_179 = tpu.vector_load %arg11[%get3A_177, %get3A_178] {strides = array<i32>} : memref<128x128xf32, #tpu.memory_space<vmem>>, vector<1x16xf32>,
        %get3A_180 = vector.shape_cast %get3A_179 : vector<1x16xf32> to vector<16xf32>
        %mul3A_181 = vector.broadcast %squeeze3A : f32 to vector<16xf32>
        %mul3A_182 = arith.mulf %get3A_180, %mul3A_181 : vector<16xf32>
        %swap3A_183 = arith.index_cast %scan3A_162 : i32 to index
        %swap3A_184 = arith.constant 16 : index
        %swap3A_185 = tpu.vector_load %arg12[%swap3A_183, %swap3A_184] {strides = array<i32>} : memref<128x128xf32, #tpu.memory_space<vmem>>, vector<1x16xf32>,
        %swap3A_186 = vector.shape_cast %swap3A_185 : vector<1x16xf32> to vector<16xf32>
        %swap3A_187 = vector.shape_cast %mul3A_182 : vector<16xf32> to vector<1x16xf32>
        tpu.vector_store %arg12[%swap3A_183, %swap3A_184], %swap3A_187 {strides = array<i32>} : memref<128x128xf32, #tpu.memory_space<vmem>>, vector<1x16xf32>,
        %get3A_188 = arith.index_cast %scan3A_162 : i32 to index
        %get3A_189 = arith.constant 32 : index
        %get3A_190 = tpu.vector_load %arg11[%get3A_188, %get3A_189] {strides = array<i32>} : memref<128x128xf32, #tpu.memory_space<vmem>>, vector<1x16xf32>,
        %get3A_191 = vector.shape_cast %get3A_190 : vector<1x16xf32> to vector<16xf32>
        %mul3A_192 = vector.broadcast %squeeze3A : f32 to vector<16xf32>
        %mul3A_193 = arith.mulf %get3A_191, %mul3A_192 : vector<16xf32>
        %swap3A_194 = arith.index_cast %scan3A_162 : i32 to index
        %swap3A_195 = arith.constant 32 : index
        %swap3A_196 = tpu.vector_load %arg12[%swap3A_194, %swap3A_195] {strides = array<i32>} : memref<128x128xf32, #tpu.memory_space<vmem>>, vector<1x16xf32>,
        %swap3A_197 = vector.shape_cast %swap3A_196 : vector<1x16xf32> to vector<16xf32>
        %swap3A_198 = vector.shape_cast %mul3A_193 : vector<16xf32> to vector<1x16xf32>
        tpu.vector_store %arg12[%swap3A_194, %swap3A_195], %swap3A_198 {strides = array<i32>} : memref<128x128xf32, #tpu.memory_space<vmem>>, vector<1x16xf32>,
        %get3A_199 = arith.index_cast %scan3A_162 : i32 to index
        %get3A_200 = arith.constant 48 : index
        %get3A_201 = tpu.vector_load %arg11[%get3A_199, %get3A_200] {strides = array<i32>} : memref<128x128xf32, #tpu.memory_space<vmem>>, vector<1x16xf32>,
        %get3A_202 = vector.shape_cast %get3A_201 : vector<1x16xf32> to vector<16xf32>
        %mul3A_203 = vector.broadcast %squeeze3A : f32 to vector<16xf32>
        %mul3A_204 = arith.mulf %get3A_202, %mul3A_203 : vector<16xf32>
        %swap3A_205 = arith.index_cast %scan3A_162 : i32 to index
        %swap3A_206 = arith.constant 48 : index
        %swap3A_207 = tpu.vector_load %arg12[%swap3A_205, %swap3A_206] {strides = array<i32>} : memref<128x128xf32, #tpu.memory_space<vmem>>, vector<1x16xf32>,
        %swap3A_208 = vector.shape_cast %swap3A_207 : vector<1x16xf32> to vector<16xf32>
        %swap3A_209 = vector.shape_cast %mul3A_204 : vector<16xf32> to vector<1x16xf32>
        tpu.vector_store %arg12[%swap3A_205, %swap3A_206], %swap3A_209 {strides = array<i32>} : memref<128x128xf32, #tpu.memory_space<vmem>>, vector<1x16xf32>,
        %get3A_210 = arith.index_cast %scan3A_162 : i32 to index
        %get3A_211 = arith.constant 64 : index
        %get3A_212 = tpu.vector_load %arg11[%get3A_210, %get3A_211] {strides = array<i32>} : memref<128x128xf32, #tpu.memory_space<vmem>>, vector<1x16xf32>,
        %get3A_213 = vector.shape_cast %get3A_212 : vector<1x16xf32> to vector<16xf32>
        %mul3A_214 = vector.broadcast %squeeze3A : f32 to vector<16xf32>
        %mul3A_215 = arith.mulf %get3A_213, %mul3A_214 : vector<16xf32>
        %swap3A_216 = arith.index_cast %scan3A_162 : i32 to index
        %swap3A_217 = arith.constant 64 : index
        %swap3A_218 = tpu.vector_load %arg12[%swap3A_216, %swap3A_217] {strides = array<i32>} : memref<128x128xf32, #tpu.memory_space<vmem>>, vector<1x16xf32>,
        %swap3A_219 = vector.shape_cast %swap3A_218 : vector<1x16xf32> to vector<16xf32>
        %swap3A_220 = vector.shape_cast %mul3A_215 : vector<16xf32> to vector<1x16xf32>
        tpu.vector_store %arg12[%swap3A_216, %swap3A_217], %swap3A_220 {strides = array<i32>} : memref<128x128xf32, #tpu.memory_space<vmem>>, vector<1x16xf32>,
        %get3A_221 = arith.index_cast %scan3A_162 : i32 to index
        %get3A_222 = arith.constant 80 : index
        %get3A_223 = tpu.vector_load %arg11[%get3A_221, %get3A_222] {strides = array<i32>} : memref<128x128xf32, #tpu.memory_space<vmem>>, vector<1x16xf32>,
        %get3A_224 = vector.shape_cast %get3A_223 : vector<1x16xf32> to vector<16xf32>
        %mul3A_225 = vector.broadcast %squeeze3A : f32 to vector<16xf32>
        %mul3A_226 = arith.mulf %get3A_224, %mul3A_225 : vector<16xf32>
        %swap3A_227 = arith.index_cast %scan3A_162 : i32 to index
        %swap3A_228 = arith.constant 80 : index
        %swap3A_229 = tpu.vector_load %arg12[%swap3A_227, %swap3A_228] {strides = array<i32>} : memref<128x128xf32, #tpu.memory_space<vmem>>, vector<1x16xf32>,
        %swap3A_230 = vector.shape_cast %swap3A_229 : vector<1x16xf32> to vector<16xf32>
        %swap3A_231 = vector.shape_cast %mul3A_226 : vector<16xf32> to vector<1x16xf32>
        tpu.vector_store %arg12[%swap3A_227, %swap3A_228], %swap3A_231 {strides = array<i32>} : memref<128x128xf32, #tpu.memory_space<vmem>>, vector<1x16xf32>,
        %get3A_232 = arith.index_cast %scan3A_162 : i32 to index
        %get3A_233 = arith.constant 96 : index
        %get3A_234 = tpu.vector_load %arg11[%get3A_232, %get3A_233] {strides = array<i32>} : memref<128x128xf32, #tpu.memory_space<vmem>>, vector<1x16xf32>,
        %get3A_235 = vector.shape_cast %get3A_234 : vector<1x16xf32> to vector<16xf32>
        %mul3A_236 = vector.broadcast %squeeze3A : f32 to vector<16xf32>
        %mul3A_237 = arith.mulf %get3A_235, %mul3A_236 : vector<16xf32>
        %swap3A_238 = arith.index_cast %scan3A_162 : i32 to index
        %swap3A_239 = arith.constant 96 : index
        %swap3A_240 = tpu.vector_load %arg12[%swap3A_238, %swap3A_239] {strides = array<i32>} : memref<128x128xf32, #tpu.memory_space<vmem>>, vector<1x16xf32>,
        %swap3A_241 = vector.shape_cast %swap3A_240 : vector<1x16xf32> to vector<16xf32>
        %swap3A_242 = vector.shape_cast %mul3A_237 : vector<16xf32> to vector<1x16xf32>
        tpu.vector_store %arg12[%swap3A_238, %swap3A_239], %swap3A_242 {strides = array<i32>} : memref<128x128xf32, #tpu.memory_space<vmem>>, vector<1x16xf32>,
        %get3A_243 = arith.index_cast %scan3A_162 : i32 to index
        %get3A_244 = arith.constant 112 : index
        %get3A_245 = tpu.vector_load %arg11[%get3A_243, %get3A_244] {strides = array<i32>} : memref<128x128xf32, #tpu.memory_space<vmem>>, vector<1x16xf32>,
        %get3A_246 = vector.shape_cast %get3A_245 : vector<1x16xf32> to vector<16xf32>
        %mul3A_247 = vector.broadcast %squeeze3A : f32 to vector<16xf32>
        %mul3A_248 = arith.mulf %get3A_246, %mul3A_247 : vector<16xf32>
        %swap3A_249 = arith.index_cast %scan3A_162 : i32 to index
        %swap3A_250 = arith.constant 112 : index
        %swap3A_251 = tpu.vector_load %arg12[%swap3A_249, %swap3A_250] {strides = array<i32>} : memref<128x128xf32, #tpu.memory_space<vmem>>, vector<1x16xf32>,
        %swap3A_252 = vector.shape_cast %swap3A_251 : vector<1x16xf32> to vector<16xf32>
        %swap3A_253 = vector.shape_cast %mul3A_248 : vector<16xf32> to vector<1x16xf32>
        tpu.vector_store %arg12[%swap3A_249, %swap3A_250], %swap3A_253 {strides = array<i32>} : memref<128x128xf32, #tpu.memory_space<vmem>>, vector<1x16xf32>,
      }
      %scan3A_161 = arith.constant 128 : i32
      "tpu.region"() ({
        %run_scoped3A_162 = tpu.sem_alloc : memref<!tpu.dma_semaphore, #tpu.memory_space<semaphore_mem>>
        %dma_start3A = arith.constant 0 : i32
        %dma_start3A_163 = arith.constant 0 : i32
        %dma_start3A_164 = tpu.memref_slice %arg13[%dma_start3A, %dma_start3A_163] : memref<10112x128xf32, #tpu.memory_space<vmem_shared>> -> memref<10112x128xf32, #tpu.memory_space<vmem_shared>>
        tpu.enqueue_indirect_dma source(%arg12 : memref<128x128xf32, #tpu.memory_space<vmem>>) target(%dma_start3A_164 : memref<10112x128xf32, #tpu.memory_space<vmem_shared>>) offsets(%arg9 : memref<128xi32, #tpu.memory_space<vmem>>) semaphore(%run_scoped3A_162 : memref<!tpu.dma_semaphore, #tpu.memory_space<semaphore_mem>>) {add = true}
        %dma_wait3A = arith.constant 0 : i32
        %dma_wait3A_165 = arith.constant 0 : i32
        %dma_wait3A_166 = tpu.memref_slice %arg13[%dma_wait3A, %dma_wait3A_165] : memref<10112x128xf32, #tpu.memory_space<vmem_shared>> -> memref<10112x128xf32, #tpu.memory_space<vmem_shared>>
        tpu.wait_indirect_dma semaphore(%run_scoped3A_162 : memref<!tpu.dma_semaphore, #tpu.memory_space<semaphore_mem>>) src(%arg12 : memref<128x128xf32, #tpu.memory_space<vmem>>) dst(%dma_wait3A_166 : memref<10112x128xf32, #tpu.memory_space<vmem_shared>>)
        tpu.yield
      }) : () -> ()
    }
    %scan3A_45 = arith.constant 40 : i32
    %barrier3A_46 = arith.constant 0 : index
    tpu.barrier barrier_id(%barrier3A_46)
    %eq3A_47 = arith.constant 0 : i32
    %eq3A_48 = arith.cmpi eq, %arg1, %eq3A_47 : i32
    %convert_element_type3A_49 = arith.extui %eq3A_48 : i1 to i32
    %cond3A_50 = arith.constant 0 : i32
    %cond3A_51 = arith.cmpi ne, %convert_element_type3A_49, %cond3A_50 : i32
    scf.if %cond3A_51 {
      %run_scoped3A = arith.constant 2 : i32
      "tpu.region"() ({
        %run_scoped3A_148 = tpu.sem_alloc : memref<!tpu.dma_semaphore, #tpu.memory_space<semaphore_mem>>
        %dma_start3A = arith.constant 0 : i32
        %dma_start3A_149 = arith.constant 0 : i32
        %dma_start3A_150 = arith.constant 0 : i32
        %dma_start3A_151 = tpu.memref_slice %arg7[%arg0, %dma_start3A, %dma_start3A_149, %dma_start3A_150] : memref<2x8x10112x128xf32, #tpu.memory_space<hbm>> -> memref<1x8x10112x128xf32, #tpu.memory_space<hbm>>
        %dma_start3A_152 = tpu.memref_squeeze %dma_start3A_151 : memref<1x8x10112x128xf32, #tpu.memory_space<hbm>> -> memref<8x10112x128xf32, #tpu.memory_space<hbm>>
        %dma_start3A_153 = arith.constant 0 : i32
        %dma_start3A_154 = arith.constant 0 : i32
        %dma_start3A_155 = tpu.memref_slice %dma_start3A_152[%run_scoped3A, %dma_start3A_153, %dma_start3A_154] : memref<8x10112x128xf32, #tpu.memory_space<hbm>> -> memref<1x10112x128xf32, #tpu.memory_space<hbm>>
        %dma_start3A_156 = tpu.memref_squeeze %dma_start3A_155 : memref<1x10112x128xf32, #tpu.memory_space<hbm>> -> memref<10112x128xf32, #tpu.memory_space<hbm>>
        tpu.enqueue_dma source(%arg13 : memref<10112x128xf32, #tpu.memory_space<vmem_shared>>) target(%dma_start3A_156 : memref<10112x128xf32, #tpu.memory_space<hbm>>) target_semaphore(%run_scoped3A_148 : memref<!tpu.dma_semaphore, #tpu.memory_space<semaphore_mem>>)
        %dma_wait3A = arith.constant 0 : i32
        %dma_wait3A_157 = arith.constant 0 : i32
        %dma_wait3A_158 = arith.constant 0 : i32
        %dma_wait3A_159 = tpu.memref_slice %arg7[%arg0, %dma_wait3A, %dma_wait3A_157, %dma_wait3A_158] : memref<2x8x10112x128xf32, #tpu.memory_space<hbm>> -> memref<1x8x10112x128xf32, #tpu.memory_space<hbm>>
        %dma_wait3A_160 = tpu.memref_squeeze %dma_wait3A_159 : memref<1x8x10112x128xf32, #tpu.memory_space<hbm>> -> memref<8x10112x128xf32, #tpu.memory_space<hbm>>
        %dma_wait3A_161 = arith.constant 0 : i32
        %dma_wait3A_162 = arith.constant 0 : i32
        %dma_wait3A_163 = tpu.memref_slice %dma_wait3A_160[%run_scoped3A, %dma_wait3A_161, %dma_wait3A_162] : memref<8x10112x128xf32, #tpu.memory_space<hbm>> -> memref<1x10112x128xf32, #tpu.memory_space<hbm>>
        %dma_wait3A_164 = tpu.memref_squeeze %dma_wait3A_163 : memref<1x10112x128xf32, #tpu.memory_space<hbm>> -> memref<10112x128xf32, #tpu.memory_space<hbm>>
        tpu.wait_dma2 semaphore(%run_scoped3A_148 : memref<!tpu.dma_semaphore, #tpu.memory_space<semaphore_mem>>) src(%arg13 : memref<10112x128xf32, #tpu.memory_space<vmem_shared>>) dst(%dma_wait3A_164 : memref<10112x128xf32, #tpu.memory_space<hbm>>)
        tpu.yield
      }) : () -> ()
    } else {
    }
    %barrier3A_52 = arith.constant 0 : index
    tpu.barrier barrier_id(%barrier3A_52)
    %eq3A_53 = arith.constant 0 : i32
    %eq3A_54 = arith.cmpi eq, %arg1, %eq3A_53 : i32
    %convert_element_type3A_55 = arith.extui %eq3A_54 : i1 to i32
    %cond3A_56 = arith.constant 0 : i32
    %cond3A_57 = arith.cmpi ne, %convert_element_type3A_55, %cond3A_56 : i32
    scf.if %cond3A_57 {
      "tpu.region"() ({
        %run_scoped3A = tpu.sem_alloc : memref<!tpu.dma_semaphore, #tpu.memory_space<semaphore_mem>>
        tpu.enqueue_dma source(%arg6 : memref<10112x128xf32, #tpu.memory_space<hbm>>) target(%arg13 : memref<10112x128xf32, #tpu.memory_space<vmem_shared>>) target_semaphore(%run_scoped3A : memref<!tpu.dma_semaphore, #tpu.memory_space<semaphore_mem>>)
        tpu.wait_dma2 semaphore(%run_scoped3A : memref<!tpu.dma_semaphore, #tpu.memory_space<semaphore_mem>>) src(%arg6 : memref<10112x128xf32, #tpu.memory_space<hbm>>) dst(%arg13 : memref<10112x128xf32, #tpu.memory_space<vmem_shared>>)
        tpu.yield
      }) : () -> ()
    } else {
    }
    %barrier3A_58 = arith.constant 0 : index
    tpu.barrier barrier_id(%barrier3A_58)
    %scan3A_59 = arith.constant 0 : i32
    %scan3A_60 = arith.constant 0 : i32
    %scan3A_61 = arith.constant 40 : i32
    %scan3A_62 = arith.addi %scan3A_60, %scan3A_61 : i32
    %scan3A_63 = arith.constant 1 : i32
    scf.for %scan3A_148 = %scan3A_60 to %scan3A_62 step %scan3A_63  : i32 {
      %mul3A_149 = arith.constant 40 : i32
      %mul3A_150 = arith.muli %add3A, %mul3A_149 : i32
      %add3A_151 = arith.addi %mul3A_150, %scan3A_148 : i32
      %mul3A_152 = arith.constant 128 : i32
      %mul3A_153 = arith.muli %add3A_151, %mul3A_152 : i32
      "tpu.region"() ({
        %run_scoped3A_162 = tpu.sem_alloc : memref<!tpu.dma_semaphore, #tpu.memory_space<semaphore_mem>>
        %dma_start3A = tpu.memref_slice %arg2[%mul3A_153] : memref<163840xi32, #tpu.memory_space<hbm>> -> memref<128xi32, #tpu.memory_space<hbm>>
        %dma_start3A_163 = tpu.memref_slice %arg2[%mul3A_153] : memref<163840xi32, #tpu.memory_space<hbm>> -> memref<128xi32, #tpu.memory_space<hbm>>
        tpu.enqueue_dma source(%dma_start3A_163 : memref<128xi32, #tpu.memory_space<hbm>>) target(%arg8 : memref<128xi32, #tpu.memory_space<vmem>>) target_semaphore(%run_scoped3A_162 : memref<!tpu.dma_semaphore, #tpu.memory_space<semaphore_mem>>)
        %dma_wait3A = tpu.memref_slice %arg2[%mul3A_153] : memref<163840xi32, #tpu.memory_space<hbm>> -> memref<128xi32, #tpu.memory_space<hbm>>
        %dma_wait3A_164 = tpu.memref_slice %arg2[%mul3A_153] : memref<163840xi32, #tpu.memory_space<hbm>> -> memref<128xi32, #tpu.memory_space<hbm>>
        tpu.wait_dma2 semaphore(%run_scoped3A_162 : memref<!tpu.dma_semaphore, #tpu.memory_space<semaphore_mem>>) src(%dma_wait3A_164 : memref<128xi32, #tpu.memory_space<hbm>>) dst(%arg8 : memref<128xi32, #tpu.memory_space<vmem>>)
        tpu.yield
      }) : () -> ()
      "tpu.region"() ({
        %run_scoped3A_162 = tpu.sem_alloc : memref<!tpu.dma_semaphore, #tpu.memory_space<semaphore_mem>>
        %dma_start3A = tpu.memref_slice %arg3[%mul3A_153] : memref<163840xi32, #tpu.memory_space<hbm>> -> memref<128xi32, #tpu.memory_space<hbm>>
        %dma_start3A_163 = tpu.memref_slice %arg3[%mul3A_153] : memref<163840xi32, #tpu.memory_space<hbm>> -> memref<128xi32, #tpu.memory_space<hbm>>
        tpu.enqueue_dma source(%dma_start3A_163 : memref<128xi32, #tpu.memory_space<hbm>>) target(%arg9 : memref<128xi32, #tpu.memory_space<vmem>>) target_semaphore(%run_scoped3A_162 : memref<!tpu.dma_semaphore, #tpu.memory_space<semaphore_mem>>)
        %dma_wait3A = tpu.memref_slice %arg3[%mul3A_153] : memref<163840xi32, #tpu.memory_space<hbm>> -> memref<128xi32, #tpu.memory_space<hbm>>
        %dma_wait3A_164 = tpu.memref_slice %arg3[%mul3A_153] : memref<163840xi32, #tpu.memory_space<hbm>> -> memref<128xi32, #tpu.memory_space<hbm>>
        tpu.wait_dma2 semaphore(%run_scoped3A_162 : memref<!tpu.dma_semaphore, #tpu.memory_space<semaphore_mem>>) src(%dma_wait3A_164 : memref<128xi32, #tpu.memory_space<hbm>>) dst(%arg9 : memref<128xi32, #tpu.memory_space<vmem>>)
        tpu.yield
      }) : () -> ()
      %mul3A_154 = arith.constant 16 : i32
      %mul3A_155 = arith.muli %mul3A_153, %mul3A_154 : i32
      "tpu.region"() ({
        %run_scoped3A_162 = tpu.sem_alloc : memref<!tpu.dma_semaphore, #tpu.memory_space<semaphore_mem>>
        %dma_start3A = tpu.memref_slice %arg5[%mul3A_155] : memref<2621440xf32, #tpu.memory_space<hbm>> -> memref<2048xf32, #tpu.memory_space<hbm>>
        %dma_start3A_163 = tpu.memref_slice %arg5[%mul3A_155] : memref<2621440xf32, #tpu.memory_space<hbm>> -> memref<2048xf32, #tpu.memory_space<hbm>>
        tpu.enqueue_dma source(%dma_start3A_163 : memref<2048xf32, #tpu.memory_space<hbm>>) target(%arg10 : memref<2048xf32, #tpu.memory_space<vmem>>) target_semaphore(%run_scoped3A_162 : memref<!tpu.dma_semaphore, #tpu.memory_space<semaphore_mem>>)
        %dma_wait3A = tpu.memref_slice %arg5[%mul3A_155] : memref<2621440xf32, #tpu.memory_space<hbm>> -> memref<2048xf32, #tpu.memory_space<hbm>>
        %dma_wait3A_164 = tpu.memref_slice %arg5[%mul3A_155] : memref<2621440xf32, #tpu.memory_space<hbm>> -> memref<2048xf32, #tpu.memory_space<hbm>>
        tpu.wait_dma2 semaphore(%run_scoped3A_162 : memref<!tpu.dma_semaphore, #tpu.memory_space<semaphore_mem>>) src(%dma_wait3A_164 : memref<2048xf32, #tpu.memory_space<hbm>>) dst(%arg10 : memref<2048xf32, #tpu.memory_space<vmem>>)
        tpu.yield
      }) : () -> ()
      %run_scoped3A = arith.constant 3 : i32
      "tpu.region"() ({
        %run_scoped3A_162 = tpu.sem_alloc : memref<!tpu.dma_semaphore, #tpu.memory_space<semaphore_mem>>
        %dma_start3A = arith.constant 0 : i32
        %dma_start3A_163 = arith.constant 0 : i32
        %dma_start3A_164 = tpu.memref_slice %arg4[%run_scoped3A, %dma_start3A, %dma_start3A_163] : memref<8x10112x128xf32, #tpu.memory_space<hbm>> -> memref<1x10112x128xf32, #tpu.memory_space<hbm>>
        %dma_start3A_165 = tpu.memref_squeeze %dma_start3A_164 : memref<1x10112x128xf32, #tpu.memory_space<hbm>> -> memref<10112x128xf32, #tpu.memory_space<hbm>>
        %dma_start3A_166 = arith.constant 0 : i32
        %dma_start3A_167 = arith.constant 0 : i32
        %dma_start3A_168 = tpu.memref_slice %dma_start3A_165[%dma_start3A_166, %dma_start3A_167] : memref<10112x128xf32, #tpu.memory_space<hbm>> -> memref<10112x128xf32, #tpu.memory_space<hbm>>
        tpu.enqueue_indirect_dma source(%dma_start3A_168 : memref<10112x128xf32, #tpu.memory_space<hbm>>) target(%arg11 : memref<128x128xf32, #tpu.memory_space<vmem>>) offsets(%arg8 : memref<128xi32, #tpu.memory_space<vmem>>) semaphore(%run_scoped3A_162 : memref<!tpu.dma_semaphore, #tpu.memory_space<semaphore_mem>>)
        %dma_wait3A = arith.constant 0 : i32
        %dma_wait3A_169 = arith.constant 0 : i32
        %dma_wait3A_170 = tpu.memref_slice %arg4[%run_scoped3A, %dma_wait3A, %dma_wait3A_169] : memref<8x10112x128xf32, #tpu.memory_space<hbm>> -> memref<1x10112x128xf32, #tpu.memory_space<hbm>>
        %dma_wait3A_171 = tpu.memref_squeeze %dma_wait3A_170 : memref<1x10112x128xf32, #tpu.memory_space<hbm>> -> memref<10112x128xf32, #tpu.memory_space<hbm>>
        %dma_wait3A_172 = arith.constant 0 : i32
        %dma_wait3A_173 = arith.constant 0 : i32
        %dma_wait3A_174 = tpu.memref_slice %dma_wait3A_171[%dma_wait3A_172, %dma_wait3A_173] : memref<10112x128xf32, #tpu.memory_space<hbm>> -> memref<10112x128xf32, #tpu.memory_space<hbm>>
        tpu.wait_indirect_dma semaphore(%run_scoped3A_162 : memref<!tpu.dma_semaphore, #tpu.memory_space<semaphore_mem>>) src(%dma_wait3A_174 : memref<10112x128xf32, #tpu.memory_space<hbm>>) dst(%arg11 : memref<128x128xf32, #tpu.memory_space<vmem>>)
        tpu.yield
      }) : () -> ()
      %scan3A_156 = arith.constant 0 : i32
      %scan3A_157 = arith.constant 0 : i32
      %scan3A_158 = arith.constant 128 : i32
      %scan3A_159 = arith.addi %scan3A_157, %scan3A_158 : i32
      %scan3A_160 = arith.constant 1 : i32
      scf.for %scan3A_162 = %scan3A_157 to %scan3A_159 step %scan3A_160  : i32 {
        %mul3A_163 = arith.constant 16 : i32
        %mul3A_164 = arith.muli %scan3A_162, %mul3A_163 : i32
        %get3A = arith.index_cast %mul3A_164 : i32 to index
        %get3A_165 = tpu.vector_load %arg10[%get3A] {strides = array<i32>} : memref<2048xf32, #tpu.memory_space<vmem>>, vector<16xf32>,
        %get3A_166 = vector.shape_cast %get3A_165 : vector<16xf32> to vector<16xf32>
        %slice3A = vector.extract_strided_slice %get3A_166 {offsets = [1], sizes = [1], strides = [1]} : vector<16xf32> to vector<1xf32>
        %squeeze3A = vector.extract %slice3A[0] : f32 from vector<1xf32>
        %get3A_167 = arith.index_cast %scan3A_162 : i32 to index
        %get3A_168 = arith.constant 0 : index
        %get3A_169 = tpu.vector_load %arg11[%get3A_167, %get3A_168] {strides = array<i32>} : memref<128x128xf32, #tpu.memory_space<vmem>>, vector<1x16xf32>,
        %get3A_170 = vector.shape_cast %get3A_169 : vector<1x16xf32> to vector<16xf32>
        %mul3A_171 = vector.broadcast %squeeze3A : f32 to vector<16xf32>
        %mul3A_172 = arith.mulf %get3A_170, %mul3A_171 : vector<16xf32>
        %swap3A = arith.index_cast %scan3A_162 : i32 to index
        %swap3A_173 = arith.constant 0 : index
        %swap3A_174 = tpu.vector_load %arg12[%swap3A, %swap3A_173] {strides = array<i32>} : memref<128x128xf32, #tpu.memory_space<vmem>>, vector<1x16xf32>,
        %swap3A_175 = vector.shape_cast %swap3A_174 : vector<1x16xf32> to vector<16xf32>
        %swap3A_176 = vector.shape_cast %mul3A_172 : vector<16xf32> to vector<1x16xf32>
        tpu.vector_store %arg12[%swap3A, %swap3A_173], %swap3A_176 {strides = array<i32>} : memref<128x128xf32, #tpu.memory_space<vmem>>, vector<1x16xf32>,
        %get3A_177 = arith.index_cast %scan3A_162 : i32 to index
        %get3A_178 = arith.constant 16 : index
        %get3A_179 = tpu.vector_load %arg11[%get3A_177, %get3A_178] {strides = array<i32>} : memref<128x128xf32, #tpu.memory_space<vmem>>, vector<1x16xf32>,
        %get3A_180 = vector.shape_cast %get3A_179 : vector<1x16xf32> to vector<16xf32>
        %mul3A_181 = vector.broadcast %squeeze3A : f32 to vector<16xf32>
        %mul3A_182 = arith.mulf %get3A_180, %mul3A_181 : vector<16xf32>
        %swap3A_183 = arith.index_cast %scan3A_162 : i32 to index
        %swap3A_184 = arith.constant 16 : index
        %swap3A_185 = tpu.vector_load %arg12[%swap3A_183, %swap3A_184] {strides = array<i32>} : memref<128x128xf32, #tpu.memory_space<vmem>>, vector<1x16xf32>,
        %swap3A_186 = vector.shape_cast %swap3A_185 : vector<1x16xf32> to vector<16xf32>
        %swap3A_187 = vector.shape_cast %mul3A_182 : vector<16xf32> to vector<1x16xf32>
        tpu.vector_store %arg12[%swap3A_183, %swap3A_184], %swap3A_187 {strides = array<i32>} : memref<128x128xf32, #tpu.memory_space<vmem>>, vector<1x16xf32>,
        %get3A_188 = arith.index_cast %scan3A_162 : i32 to index
        %get3A_189 = arith.constant 32 : index
        %get3A_190 = tpu.vector_load %arg11[%get3A_188, %get3A_189] {strides = array<i32>} : memref<128x128xf32, #tpu.memory_space<vmem>>, vector<1x16xf32>,
        %get3A_191 = vector.shape_cast %get3A_190 : vector<1x16xf32> to vector<16xf32>
        %mul3A_192 = vector.broadcast %squeeze3A : f32 to vector<16xf32>
        %mul3A_193 = arith.mulf %get3A_191, %mul3A_192 : vector<16xf32>
        %swap3A_194 = arith.index_cast %scan3A_162 : i32 to index
        %swap3A_195 = arith.constant 32 : index
        %swap3A_196 = tpu.vector_load %arg12[%swap3A_194, %swap3A_195] {strides = array<i32>} : memref<128x128xf32, #tpu.memory_space<vmem>>, vector<1x16xf32>,
        %swap3A_197 = vector.shape_cast %swap3A_196 : vector<1x16xf32> to vector<16xf32>
        %swap3A_198 = vector.shape_cast %mul3A_193 : vector<16xf32> to vector<1x16xf32>
        tpu.vector_store %arg12[%swap3A_194, %swap3A_195], %swap3A_198 {strides = array<i32>} : memref<128x128xf32, #tpu.memory_space<vmem>>, vector<1x16xf32>,
        %get3A_199 = arith.index_cast %scan3A_162 : i32 to index
        %get3A_200 = arith.constant 48 : index
        %get3A_201 = tpu.vector_load %arg11[%get3A_199, %get3A_200] {strides = array<i32>} : memref<128x128xf32, #tpu.memory_space<vmem>>, vector<1x16xf32>,
        %get3A_202 = vector.shape_cast %get3A_201 : vector<1x16xf32> to vector<16xf32>
        %mul3A_203 = vector.broadcast %squeeze3A : f32 to vector<16xf32>
        %mul3A_204 = arith.mulf %get3A_202, %mul3A_203 : vector<16xf32>
        %swap3A_205 = arith.index_cast %scan3A_162 : i32 to index
        %swap3A_206 = arith.constant 48 : index
        %swap3A_207 = tpu.vector_load %arg12[%swap3A_205, %swap3A_206] {strides = array<i32>} : memref<128x128xf32, #tpu.memory_space<vmem>>, vector<1x16xf32>,
        %swap3A_208 = vector.shape_cast %swap3A_207 : vector<1x16xf32> to vector<16xf32>
        %swap3A_209 = vector.shape_cast %mul3A_204 : vector<16xf32> to vector<1x16xf32>
        tpu.vector_store %arg12[%swap3A_205, %swap3A_206], %swap3A_209 {strides = array<i32>} : memref<128x128xf32, #tpu.memory_space<vmem>>, vector<1x16xf32>,
        %get3A_210 = arith.index_cast %scan3A_162 : i32 to index
        %get3A_211 = arith.constant 64 : index
        %get3A_212 = tpu.vector_load %arg11[%get3A_210, %get3A_211] {strides = array<i32>} : memref<128x128xf32, #tpu.memory_space<vmem>>, vector<1x16xf32>,
        %get3A_213 = vector.shape_cast %get3A_212 : vector<1x16xf32> to vector<16xf32>
        %mul3A_214 = vector.broadcast %squeeze3A : f32 to vector<16xf32>
        %mul3A_215 = arith.mulf %get3A_213, %mul3A_214 : vector<16xf32>
        %swap3A_216 = arith.index_cast %scan3A_162 : i32 to index
        %swap3A_217 = arith.constant 64 : index
        %swap3A_218 = tpu.vector_load %arg12[%swap3A_216, %swap3A_217] {strides = array<i32>} : memref<128x128xf32, #tpu.memory_space<vmem>>, vector<1x16xf32>,
        %swap3A_219 = vector.shape_cast %swap3A_218 : vector<1x16xf32> to vector<16xf32>
        %swap3A_220 = vector.shape_cast %mul3A_215 : vector<16xf32> to vector<1x16xf32>
        tpu.vector_store %arg12[%swap3A_216, %swap3A_217], %swap3A_220 {strides = array<i32>} : memref<128x128xf32, #tpu.memory_space<vmem>>, vector<1x16xf32>,
        %get3A_221 = arith.index_cast %scan3A_162 : i32 to index
        %get3A_222 = arith.constant 80 : index
        %get3A_223 = tpu.vector_load %arg11[%get3A_221, %get3A_222] {strides = array<i32>} : memref<128x128xf32, #tpu.memory_space<vmem>>, vector<1x16xf32>,
        %get3A_224 = vector.shape_cast %get3A_223 : vector<1x16xf32> to vector<16xf32>
        %mul3A_225 = vector.broadcast %squeeze3A : f32 to vector<16xf32>
        %mul3A_226 = arith.mulf %get3A_224, %mul3A_225 : vector<16xf32>
        %swap3A_227 = arith.index_cast %scan3A_162 : i32 to index
        %swap3A_228 = arith.constant 80 : index
        %swap3A_229 = tpu.vector_load %arg12[%swap3A_227, %swap3A_228] {strides = array<i32>} : memref<128x128xf32, #tpu.memory_space<vmem>>, vector<1x16xf32>,
        %swap3A_230 = vector.shape_cast %swap3A_229 : vector<1x16xf32> to vector<16xf32>
        %swap3A_231 = vector.shape_cast %mul3A_226 : vector<16xf32> to vector<1x16xf32>
        tpu.vector_store %arg12[%swap3A_227, %swap3A_228], %swap3A_231 {strides = array<i32>} : memref<128x128xf32, #tpu.memory_space<vmem>>, vector<1x16xf32>,
        %get3A_232 = arith.index_cast %scan3A_162 : i32 to index
        %get3A_233 = arith.constant 96 : index
        %get3A_234 = tpu.vector_load %arg11[%get3A_232, %get3A_233] {strides = array<i32>} : memref<128x128xf32, #tpu.memory_space<vmem>>, vector<1x16xf32>,
        %get3A_235 = vector.shape_cast %get3A_234 : vector<1x16xf32> to vector<16xf32>
        %mul3A_236 = vector.broadcast %squeeze3A : f32 to vector<16xf32>
        %mul3A_237 = arith.mulf %get3A_235, %mul3A_236 : vector<16xf32>
        %swap3A_238 = arith.index_cast %scan3A_162 : i32 to index
        %swap3A_239 = arith.constant 96 : index
        %swap3A_240 = tpu.vector_load %arg12[%swap3A_238, %swap3A_239] {strides = array<i32>} : memref<128x128xf32, #tpu.memory_space<vmem>>, vector<1x16xf32>,
        %swap3A_241 = vector.shape_cast %swap3A_240 : vector<1x16xf32> to vector<16xf32>
        %swap3A_242 = vector.shape_cast %mul3A_237 : vector<16xf32> to vector<1x16xf32>
        tpu.vector_store %arg12[%swap3A_238, %swap3A_239], %swap3A_242 {strides = array<i32>} : memref<128x128xf32, #tpu.memory_space<vmem>>, vector<1x16xf32>,
        %get3A_243 = arith.index_cast %scan3A_162 : i32 to index
        %get3A_244 = arith.constant 112 : index
        %get3A_245 = tpu.vector_load %arg11[%get3A_243, %get3A_244] {strides = array<i32>} : memref<128x128xf32, #tpu.memory_space<vmem>>, vector<1x16xf32>,
        %get3A_246 = vector.shape_cast %get3A_245 : vector<1x16xf32> to vector<16xf32>
        %mul3A_247 = vector.broadcast %squeeze3A : f32 to vector<16xf32>
        %mul3A_248 = arith.mulf %get3A_246, %mul3A_247 : vector<16xf32>
        %swap3A_249 = arith.index_cast %scan3A_162 : i32 to index
        %swap3A_250 = arith.constant 112 : index
        %swap3A_251 = tpu.vector_load %arg12[%swap3A_249, %swap3A_250] {strides = array<i32>} : memref<128x128xf32, #tpu.memory_space<vmem>>, vector<1x16xf32>,
        %swap3A_252 = vector.shape_cast %swap3A_251 : vector<1x16xf32> to vector<16xf32>
        %swap3A_253 = vector.shape_cast %mul3A_248 : vector<16xf32> to vector<1x16xf32>
        tpu.vector_store %arg12[%swap3A_249, %swap3A_250], %swap3A_253 {strides = array<i32>} : memref<128x128xf32, #tpu.memory_space<vmem>>, vector<1x16xf32>,
      }
      %scan3A_161 = arith.constant 128 : i32
      "tpu.region"() ({
        %run_scoped3A_162 = tpu.sem_alloc : memref<!tpu.dma_semaphore, #tpu.memory_space<semaphore_mem>>
        %dma_start3A = arith.constant 0 : i32
        %dma_start3A_163 = arith.constant 0 : i32
        %dma_start3A_164 = tpu.memref_slice %arg13[%dma_start3A, %dma_start3A_163] : memref<10112x128xf32, #tpu.memory_space<vmem_shared>> -> memref<10112x128xf32, #tpu.memory_space<vmem_shared>>
        tpu.enqueue_indirect_dma source(%arg12 : memref<128x128xf32, #tpu.memory_space<vmem>>) target(%dma_start3A_164 : memref<10112x128xf32, #tpu.memory_space<vmem_shared>>) offsets(%arg9 : memref<128xi32, #tpu.memory_space<vmem>>) semaphore(%run_scoped3A_162 : memref<!tpu.dma_semaphore, #tpu.memory_space<semaphore_mem>>) {add = true}
        %dma_wait3A = arith.constant 0 : i32
        %dma_wait3A_165 = arith.constant 0 : i32
        %dma_wait3A_166 = tpu.memref_slice %arg13[%dma_wait3A, %dma_wait3A_165] : memref<10112x128xf32, #tpu.memory_space<vmem_shared>> -> memref<10112x128xf32, #tpu.memory_space<vmem_shared>>
        tpu.wait_indirect_dma semaphore(%run_scoped3A_162 : memref<!tpu.dma_semaphore, #tpu.memory_space<semaphore_mem>>) src(%arg12 : memref<128x128xf32, #tpu.memory_space<vmem>>) dst(%dma_wait3A_166 : memref<10112x128xf32, #tpu.memory_space<vmem_shared>>)
        tpu.yield
      }) : () -> ()
    }
    %scan3A_64 = arith.constant 40 : i32
    %barrier3A_65 = arith.constant 0 : index
    tpu.barrier barrier_id(%barrier3A_65)
    %eq3A_66 = arith.constant 0 : i32
    %eq3A_67 = arith.cmpi eq, %arg1, %eq3A_66 : i32
    %convert_element_type3A_68 = arith.extui %eq3A_67 : i1 to i32
    %cond3A_69 = arith.constant 0 : i32
    %cond3A_70 = arith.cmpi ne, %convert_element_type3A_68, %cond3A_69 : i32
    scf.if %cond3A_70 {
      %run_scoped3A = arith.constant 3 : i32
      "tpu.region"() ({
        %run_scoped3A_148 = tpu.sem_alloc : memref<!tpu.dma_semaphore, #tpu.memory_space<semaphore_mem>>
        %dma_start3A = arith.constant 0 : i32
        %dma_start3A_149 = arith.constant 0 : i32
        %dma_start3A_150 = arith.constant 0 : i32
        %dma_start3A_151 = tpu.memref_slice %arg7[%arg0, %dma_start3A, %dma_start3A_149, %dma_start3A_150] : memref<2x8x10112x128xf32, #tpu.memory_space<hbm>> -> memref<1x8x10112x128xf32, #tpu.memory_space<hbm>>
        %dma_start3A_152 = tpu.memref_squeeze %dma_start3A_151 : memref<1x8x10112x128xf32, #tpu.memory_space<hbm>> -> memref<8x10112x128xf32, #tpu.memory_space<hbm>>
        %dma_start3A_153 = arith.constant 0 : i32
        %dma_start3A_154 = arith.constant 0 : i32
        %dma_start3A_155 = tpu.memref_slice %dma_start3A_152[%run_scoped3A, %dma_start3A_153, %dma_start3A_154] : memref<8x10112x128xf32, #tpu.memory_space<hbm>> -> memref<1x10112x128xf32, #tpu.memory_space<hbm>>
        %dma_start3A_156 = tpu.memref_squeeze %dma_start3A_155 : memref<1x10112x128xf32, #tpu.memory_space<hbm>> -> memref<10112x128xf32, #tpu.memory_space<hbm>>
        tpu.enqueue_dma source(%arg13 : memref<10112x128xf32, #tpu.memory_space<vmem_shared>>) target(%dma_start3A_156 : memref<10112x128xf32, #tpu.memory_space<hbm>>) target_semaphore(%run_scoped3A_148 : memref<!tpu.dma_semaphore, #tpu.memory_space<semaphore_mem>>)
        %dma_wait3A = arith.constant 0 : i32
        %dma_wait3A_157 = arith.constant 0 : i32
        %dma_wait3A_158 = arith.constant 0 : i32
        %dma_wait3A_159 = tpu.memref_slice %arg7[%arg0, %dma_wait3A, %dma_wait3A_157, %dma_wait3A_158] : memref<2x8x10112x128xf32, #tpu.memory_space<hbm>> -> memref<1x8x10112x128xf32, #tpu.memory_space<hbm>>
        %dma_wait3A_160 = tpu.memref_squeeze %dma_wait3A_159 : memref<1x8x10112x128xf32, #tpu.memory_space<hbm>> -> memref<8x10112x128xf32, #tpu.memory_space<hbm>>
        %dma_wait3A_161 = arith.constant 0 : i32
        %dma_wait3A_162 = arith.constant 0 : i32
        %dma_wait3A_163 = tpu.memref_slice %dma_wait3A_160[%run_scoped3A, %dma_wait3A_161, %dma_wait3A_162] : memref<8x10112x128xf32, #tpu.memory_space<hbm>> -> memref<1x10112x128xf32, #tpu.memory_space<hbm>>
        %dma_wait3A_164 = tpu.memref_squeeze %dma_wait3A_163 : memref<1x10112x128xf32, #tpu.memory_space<hbm>> -> memref<10112x128xf32, #tpu.memory_space<hbm>>
        tpu.wait_dma2 semaphore(%run_scoped3A_148 : memref<!tpu.dma_semaphore, #tpu.memory_space<semaphore_mem>>) src(%arg13 : memref<10112x128xf32, #tpu.memory_space<vmem_shared>>) dst(%dma_wait3A_164 : memref<10112x128xf32, #tpu.memory_space<hbm>>)
        tpu.yield
      }) : () -> ()
    } else {
    }
    %barrier3A_71 = arith.constant 0 : index
    tpu.barrier barrier_id(%barrier3A_71)
    %eq3A_72 = arith.constant 0 : i32
    %eq3A_73 = arith.cmpi eq, %arg1, %eq3A_72 : i32
    %convert_element_type3A_74 = arith.extui %eq3A_73 : i1 to i32
    %cond3A_75 = arith.constant 0 : i32
    %cond3A_76 = arith.cmpi ne, %convert_element_type3A_74, %cond3A_75 : i32
    scf.if %cond3A_76 {
      "tpu.region"() ({
        %run_scoped3A = tpu.sem_alloc : memref<!tpu.dma_semaphore, #tpu.memory_space<semaphore_mem>>
        tpu.enqueue_dma source(%arg6 : memref<10112x128xf32, #tpu.memory_space<hbm>>) target(%arg13 : memref<10112x128xf32, #tpu.memory_space<vmem_shared>>) target_semaphore(%run_scoped3A : memref<!tpu.dma_semaphore, #tpu.memory_space<semaphore_mem>>)
        tpu.wait_dma2 semaphore(%run_scoped3A : memref<!tpu.dma_semaphore, #tpu.memory_space<semaphore_mem>>) src(%arg6 : memref<10112x128xf32, #tpu.memory_space<hbm>>) dst(%arg13 : memref<10112x128xf32, #tpu.memory_space<vmem_shared>>)
        tpu.yield
      }) : () -> ()
    } else {
    }
    %barrier3A_77 = arith.constant 0 : index
    tpu.barrier barrier_id(%barrier3A_77)
    %scan3A_78 = arith.constant 0 : i32
    %scan3A_79 = arith.constant 0 : i32
    %scan3A_80 = arith.constant 40 : i32
    %scan3A_81 = arith.addi %scan3A_79, %scan3A_80 : i32
    %scan3A_82 = arith.constant 1 : i32
    scf.for %scan3A_148 = %scan3A_79 to %scan3A_81 step %scan3A_82  : i32 {
      %mul3A_149 = arith.constant 40 : i32
      %mul3A_150 = arith.muli %add3A, %mul3A_149 : i32
      %add3A_151 = arith.addi %mul3A_150, %scan3A_148 : i32
      %mul3A_152 = arith.constant 128 : i32
      %mul3A_153 = arith.muli %add3A_151, %mul3A_152 : i32
      "tpu.region"() ({
        %run_scoped3A_162 = tpu.sem_alloc : memref<!tpu.dma_semaphore, #tpu.memory_space<semaphore_mem>>
        %dma_start3A = tpu.memref_slice %arg2[%mul3A_153] : memref<163840xi32, #tpu.memory_space<hbm>> -> memref<128xi32, #tpu.memory_space<hbm>>
        %dma_start3A_163 = tpu.memref_slice %arg2[%mul3A_153] : memref<163840xi32, #tpu.memory_space<hbm>> -> memref<128xi32, #tpu.memory_space<hbm>>
        tpu.enqueue_dma source(%dma_start3A_163 : memref<128xi32, #tpu.memory_space<hbm>>) target(%arg8 : memref<128xi32, #tpu.memory_space<vmem>>) target_semaphore(%run_scoped3A_162 : memref<!tpu.dma_semaphore, #tpu.memory_space<semaphore_mem>>)
        %dma_wait3A = tpu.memref_slice %arg2[%mul3A_153] : memref<163840xi32, #tpu.memory_space<hbm>> -> memref<128xi32, #tpu.memory_space<hbm>>
        %dma_wait3A_164 = tpu.memref_slice %arg2[%mul3A_153] : memref<163840xi32, #tpu.memory_space<hbm>> -> memref<128xi32, #tpu.memory_space<hbm>>
        tpu.wait_dma2 semaphore(%run_scoped3A_162 : memref<!tpu.dma_semaphore, #tpu.memory_space<semaphore_mem>>) src(%dma_wait3A_164 : memref<128xi32, #tpu.memory_space<hbm>>) dst(%arg8 : memref<128xi32, #tpu.memory_space<vmem>>)
        tpu.yield
      }) : () -> ()
      "tpu.region"() ({
        %run_scoped3A_162 = tpu.sem_alloc : memref<!tpu.dma_semaphore, #tpu.memory_space<semaphore_mem>>
        %dma_start3A = tpu.memref_slice %arg3[%mul3A_153] : memref<163840xi32, #tpu.memory_space<hbm>> -> memref<128xi32, #tpu.memory_space<hbm>>
        %dma_start3A_163 = tpu.memref_slice %arg3[%mul3A_153] : memref<163840xi32, #tpu.memory_space<hbm>> -> memref<128xi32, #tpu.memory_space<hbm>>
        tpu.enqueue_dma source(%dma_start3A_163 : memref<128xi32, #tpu.memory_space<hbm>>) target(%arg9 : memref<128xi32, #tpu.memory_space<vmem>>) target_semaphore(%run_scoped3A_162 : memref<!tpu.dma_semaphore, #tpu.memory_space<semaphore_mem>>)
        %dma_wait3A = tpu.memref_slice %arg3[%mul3A_153] : memref<163840xi32, #tpu.memory_space<hbm>> -> memref<128xi32, #tpu.memory_space<hbm>>
        %dma_wait3A_164 = tpu.memref_slice %arg3[%mul3A_153] : memref<163840xi32, #tpu.memory_space<hbm>> -> memref<128xi32, #tpu.memory_space<hbm>>
        tpu.wait_dma2 semaphore(%run_scoped3A_162 : memref<!tpu.dma_semaphore, #tpu.memory_space<semaphore_mem>>) src(%dma_wait3A_164 : memref<128xi32, #tpu.memory_space<hbm>>) dst(%arg9 : memref<128xi32, #tpu.memory_space<vmem>>)
        tpu.yield
      }) : () -> ()
      %mul3A_154 = arith.constant 16 : i32
      %mul3A_155 = arith.muli %mul3A_153, %mul3A_154 : i32
      "tpu.region"() ({
        %run_scoped3A_162 = tpu.sem_alloc : memref<!tpu.dma_semaphore, #tpu.memory_space<semaphore_mem>>
        %dma_start3A = tpu.memref_slice %arg5[%mul3A_155] : memref<2621440xf32, #tpu.memory_space<hbm>> -> memref<2048xf32, #tpu.memory_space<hbm>>
        %dma_start3A_163 = tpu.memref_slice %arg5[%mul3A_155] : memref<2621440xf32, #tpu.memory_space<hbm>> -> memref<2048xf32, #tpu.memory_space<hbm>>
        tpu.enqueue_dma source(%dma_start3A_163 : memref<2048xf32, #tpu.memory_space<hbm>>) target(%arg10 : memref<2048xf32, #tpu.memory_space<vmem>>) target_semaphore(%run_scoped3A_162 : memref<!tpu.dma_semaphore, #tpu.memory_space<semaphore_mem>>)
        %dma_wait3A = tpu.memref_slice %arg5[%mul3A_155] : memref<2621440xf32, #tpu.memory_space<hbm>> -> memref<2048xf32, #tpu.memory_space<hbm>>
        %dma_wait3A_164 = tpu.memref_slice %arg5[%mul3A_155] : memref<2621440xf32, #tpu.memory_space<hbm>> -> memref<2048xf32, #tpu.memory_space<hbm>>
        tpu.wait_dma2 semaphore(%run_scoped3A_162 : memref<!tpu.dma_semaphore, #tpu.memory_space<semaphore_mem>>) src(%dma_wait3A_164 : memref<2048xf32, #tpu.memory_space<hbm>>) dst(%arg10 : memref<2048xf32, #tpu.memory_space<vmem>>)
        tpu.yield
      }) : () -> ()
      %run_scoped3A = arith.constant 4 : i32
      "tpu.region"() ({
        %run_scoped3A_162 = tpu.sem_alloc : memref<!tpu.dma_semaphore, #tpu.memory_space<semaphore_mem>>
        %dma_start3A = arith.constant 0 : i32
        %dma_start3A_163 = arith.constant 0 : i32
        %dma_start3A_164 = tpu.memref_slice %arg4[%run_scoped3A, %dma_start3A, %dma_start3A_163] : memref<8x10112x128xf32, #tpu.memory_space<hbm>> -> memref<1x10112x128xf32, #tpu.memory_space<hbm>>
        %dma_start3A_165 = tpu.memref_squeeze %dma_start3A_164 : memref<1x10112x128xf32, #tpu.memory_space<hbm>> -> memref<10112x128xf32, #tpu.memory_space<hbm>>
        %dma_start3A_166 = arith.constant 0 : i32
        %dma_start3A_167 = arith.constant 0 : i32
        %dma_start3A_168 = tpu.memref_slice %dma_start3A_165[%dma_start3A_166, %dma_start3A_167] : memref<10112x128xf32, #tpu.memory_space<hbm>> -> memref<10112x128xf32, #tpu.memory_space<hbm>>
        tpu.enqueue_indirect_dma source(%dma_start3A_168 : memref<10112x128xf32, #tpu.memory_space<hbm>>) target(%arg11 : memref<128x128xf32, #tpu.memory_space<vmem>>) offsets(%arg8 : memref<128xi32, #tpu.memory_space<vmem>>) semaphore(%run_scoped3A_162 : memref<!tpu.dma_semaphore, #tpu.memory_space<semaphore_mem>>)
        %dma_wait3A = arith.constant 0 : i32
        %dma_wait3A_169 = arith.constant 0 : i32
        %dma_wait3A_170 = tpu.memref_slice %arg4[%run_scoped3A, %dma_wait3A, %dma_wait3A_169] : memref<8x10112x128xf32, #tpu.memory_space<hbm>> -> memref<1x10112x128xf32, #tpu.memory_space<hbm>>
        %dma_wait3A_171 = tpu.memref_squeeze %dma_wait3A_170 : memref<1x10112x128xf32, #tpu.memory_space<hbm>> -> memref<10112x128xf32, #tpu.memory_space<hbm>>
        %dma_wait3A_172 = arith.constant 0 : i32
        %dma_wait3A_173 = arith.constant 0 : i32
        %dma_wait3A_174 = tpu.memref_slice %dma_wait3A_171[%dma_wait3A_172, %dma_wait3A_173] : memref<10112x128xf32, #tpu.memory_space<hbm>> -> memref<10112x128xf32, #tpu.memory_space<hbm>>
        tpu.wait_indirect_dma semaphore(%run_scoped3A_162 : memref<!tpu.dma_semaphore, #tpu.memory_space<semaphore_mem>>) src(%dma_wait3A_174 : memref<10112x128xf32, #tpu.memory_space<hbm>>) dst(%arg11 : memref<128x128xf32, #tpu.memory_space<vmem>>)
        tpu.yield
      }) : () -> ()
      %scan3A_156 = arith.constant 0 : i32
      %scan3A_157 = arith.constant 0 : i32
      %scan3A_158 = arith.constant 128 : i32
      %scan3A_159 = arith.addi %scan3A_157, %scan3A_158 : i32
      %scan3A_160 = arith.constant 1 : i32
      scf.for %scan3A_162 = %scan3A_157 to %scan3A_159 step %scan3A_160  : i32 {
        %mul3A_163 = arith.constant 16 : i32
        %mul3A_164 = arith.muli %scan3A_162, %mul3A_163 : i32
        %get3A = arith.index_cast %mul3A_164 : i32 to index
        %get3A_165 = tpu.vector_load %arg10[%get3A] {strides = array<i32>} : memref<2048xf32, #tpu.memory_space<vmem>>, vector<16xf32>,
        %get3A_166 = vector.shape_cast %get3A_165 : vector<16xf32> to vector<16xf32>
        %slice3A = vector.extract_strided_slice %get3A_166 {offsets = [2], sizes = [1], strides = [1]} : vector<16xf32> to vector<1xf32>
        %squeeze3A = vector.extract %slice3A[0] : f32 from vector<1xf32>
        %get3A_167 = arith.index_cast %scan3A_162 : i32 to index
        %get3A_168 = arith.constant 0 : index
        %get3A_169 = tpu.vector_load %arg11[%get3A_167, %get3A_168] {strides = array<i32>} : memref<128x128xf32, #tpu.memory_space<vmem>>, vector<1x16xf32>,
        %get3A_170 = vector.shape_cast %get3A_169 : vector<1x16xf32> to vector<16xf32>
        %mul3A_171 = vector.broadcast %squeeze3A : f32 to vector<16xf32>
        %mul3A_172 = arith.mulf %get3A_170, %mul3A_171 : vector<16xf32>
        %swap3A = arith.index_cast %scan3A_162 : i32 to index
        %swap3A_173 = arith.constant 0 : index
        %swap3A_174 = tpu.vector_load %arg12[%swap3A, %swap3A_173] {strides = array<i32>} : memref<128x128xf32, #tpu.memory_space<vmem>>, vector<1x16xf32>,
        %swap3A_175 = vector.shape_cast %swap3A_174 : vector<1x16xf32> to vector<16xf32>
        %swap3A_176 = vector.shape_cast %mul3A_172 : vector<16xf32> to vector<1x16xf32>
        tpu.vector_store %arg12[%swap3A, %swap3A_173], %swap3A_176 {strides = array<i32>} : memref<128x128xf32, #tpu.memory_space<vmem>>, vector<1x16xf32>,
        %get3A_177 = arith.index_cast %scan3A_162 : i32 to index
        %get3A_178 = arith.constant 16 : index
        %get3A_179 = tpu.vector_load %arg11[%get3A_177, %get3A_178] {strides = array<i32>} : memref<128x128xf32, #tpu.memory_space<vmem>>, vector<1x16xf32>,
        %get3A_180 = vector.shape_cast %get3A_179 : vector<1x16xf32> to vector<16xf32>
        %mul3A_181 = vector.broadcast %squeeze3A : f32 to vector<16xf32>
        %mul3A_182 = arith.mulf %get3A_180, %mul3A_181 : vector<16xf32>
        %swap3A_183 = arith.index_cast %scan3A_162 : i32 to index
        %swap3A_184 = arith.constant 16 : index
        %swap3A_185 = tpu.vector_load %arg12[%swap3A_183, %swap3A_184] {strides = array<i32>} : memref<128x128xf32, #tpu.memory_space<vmem>>, vector<1x16xf32>,
        %swap3A_186 = vector.shape_cast %swap3A_185 : vector<1x16xf32> to vector<16xf32>
        %swap3A_187 = vector.shape_cast %mul3A_182 : vector<16xf32> to vector<1x16xf32>
        tpu.vector_store %arg12[%swap3A_183, %swap3A_184], %swap3A_187 {strides = array<i32>} : memref<128x128xf32, #tpu.memory_space<vmem>>, vector<1x16xf32>,
        %get3A_188 = arith.index_cast %scan3A_162 : i32 to index
        %get3A_189 = arith.constant 32 : index
        %get3A_190 = tpu.vector_load %arg11[%get3A_188, %get3A_189] {strides = array<i32>} : memref<128x128xf32, #tpu.memory_space<vmem>>, vector<1x16xf32>,
        %get3A_191 = vector.shape_cast %get3A_190 : vector<1x16xf32> to vector<16xf32>
        %mul3A_192 = vector.broadcast %squeeze3A : f32 to vector<16xf32>
        %mul3A_193 = arith.mulf %get3A_191, %mul3A_192 : vector<16xf32>
        %swap3A_194 = arith.index_cast %scan3A_162 : i32 to index
        %swap3A_195 = arith.constant 32 : index
        %swap3A_196 = tpu.vector_load %arg12[%swap3A_194, %swap3A_195] {strides = array<i32>} : memref<128x128xf32, #tpu.memory_space<vmem>>, vector<1x16xf32>,
        %swap3A_197 = vector.shape_cast %swap3A_196 : vector<1x16xf32> to vector<16xf32>
        %swap3A_198 = vector.shape_cast %mul3A_193 : vector<16xf32> to vector<1x16xf32>
        tpu.vector_store %arg12[%swap3A_194, %swap3A_195], %swap3A_198 {strides = array<i32>} : memref<128x128xf32, #tpu.memory_space<vmem>>, vector<1x16xf32>,
        %get3A_199 = arith.index_cast %scan3A_162 : i32 to index
        %get3A_200 = arith.constant 48 : index
        %get3A_201 = tpu.vector_load %arg11[%get3A_199, %get3A_200] {strides = array<i32>} : memref<128x128xf32, #tpu.memory_space<vmem>>, vector<1x16xf32>,
        %get3A_202 = vector.shape_cast %get3A_201 : vector<1x16xf32> to vector<16xf32>
        %mul3A_203 = vector.broadcast %squeeze3A : f32 to vector<16xf32>
        %mul3A_204 = arith.mulf %get3A_202, %mul3A_203 : vector<16xf32>
        %swap3A_205 = arith.index_cast %scan3A_162 : i32 to index
        %swap3A_206 = arith.constant 48 : index
        %swap3A_207 = tpu.vector_load %arg12[%swap3A_205, %swap3A_206] {strides = array<i32>} : memref<128x128xf32, #tpu.memory_space<vmem>>, vector<1x16xf32>,
        %swap3A_208 = vector.shape_cast %swap3A_207 : vector<1x16xf32> to vector<16xf32>
        %swap3A_209 = vector.shape_cast %mul3A_204 : vector<16xf32> to vector<1x16xf32>
        tpu.vector_store %arg12[%swap3A_205, %swap3A_206], %swap3A_209 {strides = array<i32>} : memref<128x128xf32, #tpu.memory_space<vmem>>, vector<1x16xf32>,
        %get3A_210 = arith.index_cast %scan3A_162 : i32 to index
        %get3A_211 = arith.constant 64 : index
        %get3A_212 = tpu.vector_load %arg11[%get3A_210, %get3A_211] {strides = array<i32>} : memref<128x128xf32, #tpu.memory_space<vmem>>, vector<1x16xf32>,
        %get3A_213 = vector.shape_cast %get3A_212 : vector<1x16xf32> to vector<16xf32>
        %mul3A_214 = vector.broadcast %squeeze3A : f32 to vector<16xf32>
        %mul3A_215 = arith.mulf %get3A_213, %mul3A_214 : vector<16xf32>
        %swap3A_216 = arith.index_cast %scan3A_162 : i32 to index
        %swap3A_217 = arith.constant 64 : index
        %swap3A_218 = tpu.vector_load %arg12[%swap3A_216, %swap3A_217] {strides = array<i32>} : memref<128x128xf32, #tpu.memory_space<vmem>>, vector<1x16xf32>,
        %swap3A_219 = vector.shape_cast %swap3A_218 : vector<1x16xf32> to vector<16xf32>
        %swap3A_220 = vector.shape_cast %mul3A_215 : vector<16xf32> to vector<1x16xf32>
        tpu.vector_store %arg12[%swap3A_216, %swap3A_217], %swap3A_220 {strides = array<i32>} : memref<128x128xf32, #tpu.memory_space<vmem>>, vector<1x16xf32>,
        %get3A_221 = arith.index_cast %scan3A_162 : i32 to index
        %get3A_222 = arith.constant 80 : index
        %get3A_223 = tpu.vector_load %arg11[%get3A_221, %get3A_222] {strides = array<i32>} : memref<128x128xf32, #tpu.memory_space<vmem>>, vector<1x16xf32>,
        %get3A_224 = vector.shape_cast %get3A_223 : vector<1x16xf32> to vector<16xf32>
        %mul3A_225 = vector.broadcast %squeeze3A : f32 to vector<16xf32>
        %mul3A_226 = arith.mulf %get3A_224, %mul3A_225 : vector<16xf32>
        %swap3A_227 = arith.index_cast %scan3A_162 : i32 to index
        %swap3A_228 = arith.constant 80 : index
        %swap3A_229 = tpu.vector_load %arg12[%swap3A_227, %swap3A_228] {strides = array<i32>} : memref<128x128xf32, #tpu.memory_space<vmem>>, vector<1x16xf32>,
        %swap3A_230 = vector.shape_cast %swap3A_229 : vector<1x16xf32> to vector<16xf32>
        %swap3A_231 = vector.shape_cast %mul3A_226 : vector<16xf32> to vector<1x16xf32>
        tpu.vector_store %arg12[%swap3A_227, %swap3A_228], %swap3A_231 {strides = array<i32>} : memref<128x128xf32, #tpu.memory_space<vmem>>, vector<1x16xf32>,
        %get3A_232 = arith.index_cast %scan3A_162 : i32 to index
        %get3A_233 = arith.constant 96 : index
        %get3A_234 = tpu.vector_load %arg11[%get3A_232, %get3A_233] {strides = array<i32>} : memref<128x128xf32, #tpu.memory_space<vmem>>, vector<1x16xf32>,
        %get3A_235 = vector.shape_cast %get3A_234 : vector<1x16xf32> to vector<16xf32>
        %mul3A_236 = vector.broadcast %squeeze3A : f32 to vector<16xf32>
        %mul3A_237 = arith.mulf %get3A_235, %mul3A_236 : vector<16xf32>
        %swap3A_238 = arith.index_cast %scan3A_162 : i32 to index
        %swap3A_239 = arith.constant 96 : index
        %swap3A_240 = tpu.vector_load %arg12[%swap3A_238, %swap3A_239] {strides = array<i32>} : memref<128x128xf32, #tpu.memory_space<vmem>>, vector<1x16xf32>,
        %swap3A_241 = vector.shape_cast %swap3A_240 : vector<1x16xf32> to vector<16xf32>
        %swap3A_242 = vector.shape_cast %mul3A_237 : vector<16xf32> to vector<1x16xf32>
        tpu.vector_store %arg12[%swap3A_238, %swap3A_239], %swap3A_242 {strides = array<i32>} : memref<128x128xf32, #tpu.memory_space<vmem>>, vector<1x16xf32>,
        %get3A_243 = arith.index_cast %scan3A_162 : i32 to index
        %get3A_244 = arith.constant 112 : index
        %get3A_245 = tpu.vector_load %arg11[%get3A_243, %get3A_244] {strides = array<i32>} : memref<128x128xf32, #tpu.memory_space<vmem>>, vector<1x16xf32>,
        %get3A_246 = vector.shape_cast %get3A_245 : vector<1x16xf32> to vector<16xf32>
        %mul3A_247 = vector.broadcast %squeeze3A : f32 to vector<16xf32>
        %mul3A_248 = arith.mulf %get3A_246, %mul3A_247 : vector<16xf32>
        %swap3A_249 = arith.index_cast %scan3A_162 : i32 to index
        %swap3A_250 = arith.constant 112 : index
        %swap3A_251 = tpu.vector_load %arg12[%swap3A_249, %swap3A_250] {strides = array<i32>} : memref<128x128xf32, #tpu.memory_space<vmem>>, vector<1x16xf32>,
        %swap3A_252 = vector.shape_cast %swap3A_251 : vector<1x16xf32> to vector<16xf32>
        %swap3A_253 = vector.shape_cast %mul3A_248 : vector<16xf32> to vector<1x16xf32>
        tpu.vector_store %arg12[%swap3A_249, %swap3A_250], %swap3A_253 {strides = array<i32>} : memref<128x128xf32, #tpu.memory_space<vmem>>, vector<1x16xf32>,
      }
      %scan3A_161 = arith.constant 128 : i32
      "tpu.region"() ({
        %run_scoped3A_162 = tpu.sem_alloc : memref<!tpu.dma_semaphore, #tpu.memory_space<semaphore_mem>>
        %dma_start3A = arith.constant 0 : i32
        %dma_start3A_163 = arith.constant 0 : i32
        %dma_start3A_164 = tpu.memref_slice %arg13[%dma_start3A, %dma_start3A_163] : memref<10112x128xf32, #tpu.memory_space<vmem_shared>> -> memref<10112x128xf32, #tpu.memory_space<vmem_shared>>
        tpu.enqueue_indirect_dma source(%arg12 : memref<128x128xf32, #tpu.memory_space<vmem>>) target(%dma_start3A_164 : memref<10112x128xf32, #tpu.memory_space<vmem_shared>>) offsets(%arg9 : memref<128xi32, #tpu.memory_space<vmem>>) semaphore(%run_scoped3A_162 : memref<!tpu.dma_semaphore, #tpu.memory_space<semaphore_mem>>) {add = true}
        %dma_wait3A = arith.constant 0 : i32
        %dma_wait3A_165 = arith.constant 0 : i32
        %dma_wait3A_166 = tpu.memref_slice %arg13[%dma_wait3A, %dma_wait3A_165] : memref<10112x128xf32, #tpu.memory_space<vmem_shared>> -> memref<10112x128xf32, #tpu.memory_space<vmem_shared>>
        tpu.wait_indirect_dma semaphore(%run_scoped3A_162 : memref<!tpu.dma_semaphore, #tpu.memory_space<semaphore_mem>>) src(%arg12 : memref<128x128xf32, #tpu.memory_space<vmem>>) dst(%dma_wait3A_166 : memref<10112x128xf32, #tpu.memory_space<vmem_shared>>)
        tpu.yield
      }) : () -> ()
    }
    %scan3A_83 = arith.constant 40 : i32
    %barrier3A_84 = arith.constant 0 : index
    tpu.barrier barrier_id(%barrier3A_84)
    %eq3A_85 = arith.constant 0 : i32
    %eq3A_86 = arith.cmpi eq, %arg1, %eq3A_85 : i32
    %convert_element_type3A_87 = arith.extui %eq3A_86 : i1 to i32
    %cond3A_88 = arith.constant 0 : i32
    %cond3A_89 = arith.cmpi ne, %convert_element_type3A_87, %cond3A_88 : i32
    scf.if %cond3A_89 {
      %run_scoped3A = arith.constant 4 : i32
      "tpu.region"() ({
        %run_scoped3A_148 = tpu.sem_alloc : memref<!tpu.dma_semaphore, #tpu.memory_space<semaphore_mem>>
        %dma_start3A = arith.constant 0 : i32
        %dma_start3A_149 = arith.constant 0 : i32
        %dma_start3A_150 = arith.constant 0 : i32
        %dma_start3A_151 = tpu.memref_slice %arg7[%arg0, %dma_start3A, %dma_start3A_149, %dma_start3A_150] : memref<2x8x10112x128xf32, #tpu.memory_space<hbm>> -> memref<1x8x10112x128xf32, #tpu.memory_space<hbm>>
        %dma_start3A_152 = tpu.memref_squeeze %dma_start3A_151 : memref<1x8x10112x128xf32, #tpu.memory_space<hbm>> -> memref<8x10112x128xf32, #tpu.memory_space<hbm>>
        %dma_start3A_153 = arith.constant 0 : i32
        %dma_start3A_154 = arith.constant 0 : i32
        %dma_start3A_155 = tpu.memref_slice %dma_start3A_152[%run_scoped3A, %dma_start3A_153, %dma_start3A_154] : memref<8x10112x128xf32, #tpu.memory_space<hbm>> -> memref<1x10112x128xf32, #tpu.memory_space<hbm>>
        %dma_start3A_156 = tpu.memref_squeeze %dma_start3A_155 : memref<1x10112x128xf32, #tpu.memory_space<hbm>> -> memref<10112x128xf32, #tpu.memory_space<hbm>>
        tpu.enqueue_dma source(%arg13 : memref<10112x128xf32, #tpu.memory_space<vmem_shared>>) target(%dma_start3A_156 : memref<10112x128xf32, #tpu.memory_space<hbm>>) target_semaphore(%run_scoped3A_148 : memref<!tpu.dma_semaphore, #tpu.memory_space<semaphore_mem>>)
        %dma_wait3A = arith.constant 0 : i32
        %dma_wait3A_157 = arith.constant 0 : i32
        %dma_wait3A_158 = arith.constant 0 : i32
        %dma_wait3A_159 = tpu.memref_slice %arg7[%arg0, %dma_wait3A, %dma_wait3A_157, %dma_wait3A_158] : memref<2x8x10112x128xf32, #tpu.memory_space<hbm>> -> memref<1x8x10112x128xf32, #tpu.memory_space<hbm>>
        %dma_wait3A_160 = tpu.memref_squeeze %dma_wait3A_159 : memref<1x8x10112x128xf32, #tpu.memory_space<hbm>> -> memref<8x10112x128xf32, #tpu.memory_space<hbm>>
        %dma_wait3A_161 = arith.constant 0 : i32
        %dma_wait3A_162 = arith.constant 0 : i32
        %dma_wait3A_163 = tpu.memref_slice %dma_wait3A_160[%run_scoped3A, %dma_wait3A_161, %dma_wait3A_162] : memref<8x10112x128xf32, #tpu.memory_space<hbm>> -> memref<1x10112x128xf32, #tpu.memory_space<hbm>>
        %dma_wait3A_164 = tpu.memref_squeeze %dma_wait3A_163 : memref<1x10112x128xf32, #tpu.memory_space<hbm>> -> memref<10112x128xf32, #tpu.memory_space<hbm>>
        tpu.wait_dma2 semaphore(%run_scoped3A_148 : memref<!tpu.dma_semaphore, #tpu.memory_space<semaphore_mem>>) src(%arg13 : memref<10112x128xf32, #tpu.memory_space<vmem_shared>>) dst(%dma_wait3A_164 : memref<10112x128xf32, #tpu.memory_space<hbm>>)
        tpu.yield
      }) : () -> ()
    } else {
    }
    %barrier3A_90 = arith.constant 0 : index
    tpu.barrier barrier_id(%barrier3A_90)
    %eq3A_91 = arith.constant 0 : i32
    %eq3A_92 = arith.cmpi eq, %arg1, %eq3A_91 : i32
    %convert_element_type3A_93 = arith.extui %eq3A_92 : i1 to i32
    %cond3A_94 = arith.constant 0 : i32
    %cond3A_95 = arith.cmpi ne, %convert_element_type3A_93, %cond3A_94 : i32
    scf.if %cond3A_95 {
      "tpu.region"() ({
        %run_scoped3A = tpu.sem_alloc : memref<!tpu.dma_semaphore, #tpu.memory_space<semaphore_mem>>
        tpu.enqueue_dma source(%arg6 : memref<10112x128xf32, #tpu.memory_space<hbm>>) target(%arg13 : memref<10112x128xf32, #tpu.memory_space<vmem_shared>>) target_semaphore(%run_scoped3A : memref<!tpu.dma_semaphore, #tpu.memory_space<semaphore_mem>>)
        tpu.wait_dma2 semaphore(%run_scoped3A : memref<!tpu.dma_semaphore, #tpu.memory_space<semaphore_mem>>) src(%arg6 : memref<10112x128xf32, #tpu.memory_space<hbm>>) dst(%arg13 : memref<10112x128xf32, #tpu.memory_space<vmem_shared>>)
        tpu.yield
      }) : () -> ()
    } else {
    }
    %barrier3A_96 = arith.constant 0 : index
    tpu.barrier barrier_id(%barrier3A_96)
    %scan3A_97 = arith.constant 0 : i32
    %scan3A_98 = arith.constant 0 : i32
    %scan3A_99 = arith.constant 40 : i32
    %scan3A_100 = arith.addi %scan3A_98, %scan3A_99 : i32
    %scan3A_101 = arith.constant 1 : i32
    scf.for %scan3A_148 = %scan3A_98 to %scan3A_100 step %scan3A_101  : i32 {
      %mul3A_149 = arith.constant 40 : i32
      %mul3A_150 = arith.muli %add3A, %mul3A_149 : i32
      %add3A_151 = arith.addi %mul3A_150, %scan3A_148 : i32
      %mul3A_152 = arith.constant 128 : i32
      %mul3A_153 = arith.muli %add3A_151, %mul3A_152 : i32
      "tpu.region"() ({
        %run_scoped3A_162 = tpu.sem_alloc : memref<!tpu.dma_semaphore, #tpu.memory_space<semaphore_mem>>
        %dma_start3A = tpu.memref_slice %arg2[%mul3A_153] : memref<163840xi32, #tpu.memory_space<hbm>> -> memref<128xi32, #tpu.memory_space<hbm>>
        %dma_start3A_163 = tpu.memref_slice %arg2[%mul3A_153] : memref<163840xi32, #tpu.memory_space<hbm>> -> memref<128xi32, #tpu.memory_space<hbm>>
        tpu.enqueue_dma source(%dma_start3A_163 : memref<128xi32, #tpu.memory_space<hbm>>) target(%arg8 : memref<128xi32, #tpu.memory_space<vmem>>) target_semaphore(%run_scoped3A_162 : memref<!tpu.dma_semaphore, #tpu.memory_space<semaphore_mem>>)
        %dma_wait3A = tpu.memref_slice %arg2[%mul3A_153] : memref<163840xi32, #tpu.memory_space<hbm>> -> memref<128xi32, #tpu.memory_space<hbm>>
        %dma_wait3A_164 = tpu.memref_slice %arg2[%mul3A_153] : memref<163840xi32, #tpu.memory_space<hbm>> -> memref<128xi32, #tpu.memory_space<hbm>>
        tpu.wait_dma2 semaphore(%run_scoped3A_162 : memref<!tpu.dma_semaphore, #tpu.memory_space<semaphore_mem>>) src(%dma_wait3A_164 : memref<128xi32, #tpu.memory_space<hbm>>) dst(%arg8 : memref<128xi32, #tpu.memory_space<vmem>>)
        tpu.yield
      }) : () -> ()
      "tpu.region"() ({
        %run_scoped3A_162 = tpu.sem_alloc : memref<!tpu.dma_semaphore, #tpu.memory_space<semaphore_mem>>
        %dma_start3A = tpu.memref_slice %arg3[%mul3A_153] : memref<163840xi32, #tpu.memory_space<hbm>> -> memref<128xi32, #tpu.memory_space<hbm>>
        %dma_start3A_163 = tpu.memref_slice %arg3[%mul3A_153] : memref<163840xi32, #tpu.memory_space<hbm>> -> memref<128xi32, #tpu.memory_space<hbm>>
        tpu.enqueue_dma source(%dma_start3A_163 : memref<128xi32, #tpu.memory_space<hbm>>) target(%arg9 : memref<128xi32, #tpu.memory_space<vmem>>) target_semaphore(%run_scoped3A_162 : memref<!tpu.dma_semaphore, #tpu.memory_space<semaphore_mem>>)
        %dma_wait3A = tpu.memref_slice %arg3[%mul3A_153] : memref<163840xi32, #tpu.memory_space<hbm>> -> memref<128xi32, #tpu.memory_space<hbm>>
        %dma_wait3A_164 = tpu.memref_slice %arg3[%mul3A_153] : memref<163840xi32, #tpu.memory_space<hbm>> -> memref<128xi32, #tpu.memory_space<hbm>>
        tpu.wait_dma2 semaphore(%run_scoped3A_162 : memref<!tpu.dma_semaphore, #tpu.memory_space<semaphore_mem>>) src(%dma_wait3A_164 : memref<128xi32, #tpu.memory_space<hbm>>) dst(%arg9 : memref<128xi32, #tpu.memory_space<vmem>>)
        tpu.yield
      }) : () -> ()
      %mul3A_154 = arith.constant 16 : i32
      %mul3A_155 = arith.muli %mul3A_153, %mul3A_154 : i32
      "tpu.region"() ({
        %run_scoped3A_162 = tpu.sem_alloc : memref<!tpu.dma_semaphore, #tpu.memory_space<semaphore_mem>>
        %dma_start3A = tpu.memref_slice %arg5[%mul3A_155] : memref<2621440xf32, #tpu.memory_space<hbm>> -> memref<2048xf32, #tpu.memory_space<hbm>>
        %dma_start3A_163 = tpu.memref_slice %arg5[%mul3A_155] : memref<2621440xf32, #tpu.memory_space<hbm>> -> memref<2048xf32, #tpu.memory_space<hbm>>
        tpu.enqueue_dma source(%dma_start3A_163 : memref<2048xf32, #tpu.memory_space<hbm>>) target(%arg10 : memref<2048xf32, #tpu.memory_space<vmem>>) target_semaphore(%run_scoped3A_162 : memref<!tpu.dma_semaphore, #tpu.memory_space<semaphore_mem>>)
        %dma_wait3A = tpu.memref_slice %arg5[%mul3A_155] : memref<2621440xf32, #tpu.memory_space<hbm>> -> memref<2048xf32, #tpu.memory_space<hbm>>
        %dma_wait3A_164 = tpu.memref_slice %arg5[%mul3A_155] : memref<2621440xf32, #tpu.memory_space<hbm>> -> memref<2048xf32, #tpu.memory_space<hbm>>
        tpu.wait_dma2 semaphore(%run_scoped3A_162 : memref<!tpu.dma_semaphore, #tpu.memory_space<semaphore_mem>>) src(%dma_wait3A_164 : memref<2048xf32, #tpu.memory_space<hbm>>) dst(%arg10 : memref<2048xf32, #tpu.memory_space<vmem>>)
        tpu.yield
      }) : () -> ()
      %run_scoped3A = arith.constant 5 : i32
      "tpu.region"() ({
        %run_scoped3A_162 = tpu.sem_alloc : memref<!tpu.dma_semaphore, #tpu.memory_space<semaphore_mem>>
        %dma_start3A = arith.constant 0 : i32
        %dma_start3A_163 = arith.constant 0 : i32
        %dma_start3A_164 = tpu.memref_slice %arg4[%run_scoped3A, %dma_start3A, %dma_start3A_163] : memref<8x10112x128xf32, #tpu.memory_space<hbm>> -> memref<1x10112x128xf32, #tpu.memory_space<hbm>>
        %dma_start3A_165 = tpu.memref_squeeze %dma_start3A_164 : memref<1x10112x128xf32, #tpu.memory_space<hbm>> -> memref<10112x128xf32, #tpu.memory_space<hbm>>
        %dma_start3A_166 = arith.constant 0 : i32
        %dma_start3A_167 = arith.constant 0 : i32
        %dma_start3A_168 = tpu.memref_slice %dma_start3A_165[%dma_start3A_166, %dma_start3A_167] : memref<10112x128xf32, #tpu.memory_space<hbm>> -> memref<10112x128xf32, #tpu.memory_space<hbm>>
        tpu.enqueue_indirect_dma source(%dma_start3A_168 : memref<10112x128xf32, #tpu.memory_space<hbm>>) target(%arg11 : memref<128x128xf32, #tpu.memory_space<vmem>>) offsets(%arg8 : memref<128xi32, #tpu.memory_space<vmem>>) semaphore(%run_scoped3A_162 : memref<!tpu.dma_semaphore, #tpu.memory_space<semaphore_mem>>)
        %dma_wait3A = arith.constant 0 : i32
        %dma_wait3A_169 = arith.constant 0 : i32
        %dma_wait3A_170 = tpu.memref_slice %arg4[%run_scoped3A, %dma_wait3A, %dma_wait3A_169] : memref<8x10112x128xf32, #tpu.memory_space<hbm>> -> memref<1x10112x128xf32, #tpu.memory_space<hbm>>
        %dma_wait3A_171 = tpu.memref_squeeze %dma_wait3A_170 : memref<1x10112x128xf32, #tpu.memory_space<hbm>> -> memref<10112x128xf32, #tpu.memory_space<hbm>>
        %dma_wait3A_172 = arith.constant 0 : i32
        %dma_wait3A_173 = arith.constant 0 : i32
        %dma_wait3A_174 = tpu.memref_slice %dma_wait3A_171[%dma_wait3A_172, %dma_wait3A_173] : memref<10112x128xf32, #tpu.memory_space<hbm>> -> memref<10112x128xf32, #tpu.memory_space<hbm>>
        tpu.wait_indirect_dma semaphore(%run_scoped3A_162 : memref<!tpu.dma_semaphore, #tpu.memory_space<semaphore_mem>>) src(%dma_wait3A_174 : memref<10112x128xf32, #tpu.memory_space<hbm>>) dst(%arg11 : memref<128x128xf32, #tpu.memory_space<vmem>>)
        tpu.yield
      }) : () -> ()
      %scan3A_156 = arith.constant 0 : i32
      %scan3A_157 = arith.constant 0 : i32
      %scan3A_158 = arith.constant 128 : i32
      %scan3A_159 = arith.addi %scan3A_157, %scan3A_158 : i32
      %scan3A_160 = arith.constant 1 : i32
      scf.for %scan3A_162 = %scan3A_157 to %scan3A_159 step %scan3A_160  : i32 {
        %mul3A_163 = arith.constant 16 : i32
        %mul3A_164 = arith.muli %scan3A_162, %mul3A_163 : i32
        %get3A = arith.index_cast %mul3A_164 : i32 to index
        %get3A_165 = tpu.vector_load %arg10[%get3A] {strides = array<i32>} : memref<2048xf32, #tpu.memory_space<vmem>>, vector<16xf32>,
        %get3A_166 = vector.shape_cast %get3A_165 : vector<16xf32> to vector<16xf32>
        %slice3A = vector.extract_strided_slice %get3A_166 {offsets = [2], sizes = [1], strides = [1]} : vector<16xf32> to vector<1xf32>
        %squeeze3A = vector.extract %slice3A[0] : f32 from vector<1xf32>
        %get3A_167 = arith.index_cast %scan3A_162 : i32 to index
        %get3A_168 = arith.constant 0 : index
        %get3A_169 = tpu.vector_load %arg11[%get3A_167, %get3A_168] {strides = array<i32>} : memref<128x128xf32, #tpu.memory_space<vmem>>, vector<1x16xf32>,
        %get3A_170 = vector.shape_cast %get3A_169 : vector<1x16xf32> to vector<16xf32>
        %mul3A_171 = vector.broadcast %squeeze3A : f32 to vector<16xf32>
        %mul3A_172 = arith.mulf %get3A_170, %mul3A_171 : vector<16xf32>
        %swap3A = arith.index_cast %scan3A_162 : i32 to index
        %swap3A_173 = arith.constant 0 : index
        %swap3A_174 = tpu.vector_load %arg12[%swap3A, %swap3A_173] {strides = array<i32>} : memref<128x128xf32, #tpu.memory_space<vmem>>, vector<1x16xf32>,
        %swap3A_175 = vector.shape_cast %swap3A_174 : vector<1x16xf32> to vector<16xf32>
        %swap3A_176 = vector.shape_cast %mul3A_172 : vector<16xf32> to vector<1x16xf32>
        tpu.vector_store %arg12[%swap3A, %swap3A_173], %swap3A_176 {strides = array<i32>} : memref<128x128xf32, #tpu.memory_space<vmem>>, vector<1x16xf32>,
        %get3A_177 = arith.index_cast %scan3A_162 : i32 to index
        %get3A_178 = arith.constant 16 : index
        %get3A_179 = tpu.vector_load %arg11[%get3A_177, %get3A_178] {strides = array<i32>} : memref<128x128xf32, #tpu.memory_space<vmem>>, vector<1x16xf32>,
        %get3A_180 = vector.shape_cast %get3A_179 : vector<1x16xf32> to vector<16xf32>
        %mul3A_181 = vector.broadcast %squeeze3A : f32 to vector<16xf32>
        %mul3A_182 = arith.mulf %get3A_180, %mul3A_181 : vector<16xf32>
        %swap3A_183 = arith.index_cast %scan3A_162 : i32 to index
        %swap3A_184 = arith.constant 16 : index
        %swap3A_185 = tpu.vector_load %arg12[%swap3A_183, %swap3A_184] {strides = array<i32>} : memref<128x128xf32, #tpu.memory_space<vmem>>, vector<1x16xf32>,
        %swap3A_186 = vector.shape_cast %swap3A_185 : vector<1x16xf32> to vector<16xf32>
        %swap3A_187 = vector.shape_cast %mul3A_182 : vector<16xf32> to vector<1x16xf32>
        tpu.vector_store %arg12[%swap3A_183, %swap3A_184], %swap3A_187 {strides = array<i32>} : memref<128x128xf32, #tpu.memory_space<vmem>>, vector<1x16xf32>,
        %get3A_188 = arith.index_cast %scan3A_162 : i32 to index
        %get3A_189 = arith.constant 32 : index
        %get3A_190 = tpu.vector_load %arg11[%get3A_188, %get3A_189] {strides = array<i32>} : memref<128x128xf32, #tpu.memory_space<vmem>>, vector<1x16xf32>,
        %get3A_191 = vector.shape_cast %get3A_190 : vector<1x16xf32> to vector<16xf32>
        %mul3A_192 = vector.broadcast %squeeze3A : f32 to vector<16xf32>
        %mul3A_193 = arith.mulf %get3A_191, %mul3A_192 : vector<16xf32>
        %swap3A_194 = arith.index_cast %scan3A_162 : i32 to index
        %swap3A_195 = arith.constant 32 : index
        %swap3A_196 = tpu.vector_load %arg12[%swap3A_194, %swap3A_195] {strides = array<i32>} : memref<128x128xf32, #tpu.memory_space<vmem>>, vector<1x16xf32>,
        %swap3A_197 = vector.shape_cast %swap3A_196 : vector<1x16xf32> to vector<16xf32>
        %swap3A_198 = vector.shape_cast %mul3A_193 : vector<16xf32> to vector<1x16xf32>
        tpu.vector_store %arg12[%swap3A_194, %swap3A_195], %swap3A_198 {strides = array<i32>} : memref<128x128xf32, #tpu.memory_space<vmem>>, vector<1x16xf32>,
        %get3A_199 = arith.index_cast %scan3A_162 : i32 to index
        %get3A_200 = arith.constant 48 : index
        %get3A_201 = tpu.vector_load %arg11[%get3A_199, %get3A_200] {strides = array<i32>} : memref<128x128xf32, #tpu.memory_space<vmem>>, vector<1x16xf32>,
        %get3A_202 = vector.shape_cast %get3A_201 : vector<1x16xf32> to vector<16xf32>
        %mul3A_203 = vector.broadcast %squeeze3A : f32 to vector<16xf32>
        %mul3A_204 = arith.mulf %get3A_202, %mul3A_203 : vector<16xf32>
        %swap3A_205 = arith.index_cast %scan3A_162 : i32 to index
        %swap3A_206 = arith.constant 48 : index
        %swap3A_207 = tpu.vector_load %arg12[%swap3A_205, %swap3A_206] {strides = array<i32>} : memref<128x128xf32, #tpu.memory_space<vmem>>, vector<1x16xf32>,
        %swap3A_208 = vector.shape_cast %swap3A_207 : vector<1x16xf32> to vector<16xf32>
        %swap3A_209 = vector.shape_cast %mul3A_204 : vector<16xf32> to vector<1x16xf32>
        tpu.vector_store %arg12[%swap3A_205, %swap3A_206], %swap3A_209 {strides = array<i32>} : memref<128x128xf32, #tpu.memory_space<vmem>>, vector<1x16xf32>,
        %get3A_210 = arith.index_cast %scan3A_162 : i32 to index
        %get3A_211 = arith.constant 64 : index
        %get3A_212 = tpu.vector_load %arg11[%get3A_210, %get3A_211] {strides = array<i32>} : memref<128x128xf32, #tpu.memory_space<vmem>>, vector<1x16xf32>,
        %get3A_213 = vector.shape_cast %get3A_212 : vector<1x16xf32> to vector<16xf32>
        %mul3A_214 = vector.broadcast %squeeze3A : f32 to vector<16xf32>
        %mul3A_215 = arith.mulf %get3A_213, %mul3A_214 : vector<16xf32>
        %swap3A_216 = arith.index_cast %scan3A_162 : i32 to index
        %swap3A_217 = arith.constant 64 : index
        %swap3A_218 = tpu.vector_load %arg12[%swap3A_216, %swap3A_217] {strides = array<i32>} : memref<128x128xf32, #tpu.memory_space<vmem>>, vector<1x16xf32>,
        %swap3A_219 = vector.shape_cast %swap3A_218 : vector<1x16xf32> to vector<16xf32>
        %swap3A_220 = vector.shape_cast %mul3A_215 : vector<16xf32> to vector<1x16xf32>
        tpu.vector_store %arg12[%swap3A_216, %swap3A_217], %swap3A_220 {strides = array<i32>} : memref<128x128xf32, #tpu.memory_space<vmem>>, vector<1x16xf32>,
        %get3A_221 = arith.index_cast %scan3A_162 : i32 to index
        %get3A_222 = arith.constant 80 : index
        %get3A_223 = tpu.vector_load %arg11[%get3A_221, %get3A_222] {strides = array<i32>} : memref<128x128xf32, #tpu.memory_space<vmem>>, vector<1x16xf32>,
        %get3A_224 = vector.shape_cast %get3A_223 : vector<1x16xf32> to vector<16xf32>
        %mul3A_225 = vector.broadcast %squeeze3A : f32 to vector<16xf32>
        %mul3A_226 = arith.mulf %get3A_224, %mul3A_225 : vector<16xf32>
        %swap3A_227 = arith.index_cast %scan3A_162 : i32 to index
        %swap3A_228 = arith.constant 80 : index
        %swap3A_229 = tpu.vector_load %arg12[%swap3A_227, %swap3A_228] {strides = array<i32>} : memref<128x128xf32, #tpu.memory_space<vmem>>, vector<1x16xf32>,
        %swap3A_230 = vector.shape_cast %swap3A_229 : vector<1x16xf32> to vector<16xf32>
        %swap3A_231 = vector.shape_cast %mul3A_226 : vector<16xf32> to vector<1x16xf32>
        tpu.vector_store %arg12[%swap3A_227, %swap3A_228], %swap3A_231 {strides = array<i32>} : memref<128x128xf32, #tpu.memory_space<vmem>>, vector<1x16xf32>,
        %get3A_232 = arith.index_cast %scan3A_162 : i32 to index
        %get3A_233 = arith.constant 96 : index
        %get3A_234 = tpu.vector_load %arg11[%get3A_232, %get3A_233] {strides = array<i32>} : memref<128x128xf32, #tpu.memory_space<vmem>>, vector<1x16xf32>,
        %get3A_235 = vector.shape_cast %get3A_234 : vector<1x16xf32> to vector<16xf32>
        %mul3A_236 = vector.broadcast %squeeze3A : f32 to vector<16xf32>
        %mul3A_237 = arith.mulf %get3A_235, %mul3A_236 : vector<16xf32>
        %swap3A_238 = arith.index_cast %scan3A_162 : i32 to index
        %swap3A_239 = arith.constant 96 : index
        %swap3A_240 = tpu.vector_load %arg12[%swap3A_238, %swap3A_239] {strides = array<i32>} : memref<128x128xf32, #tpu.memory_space<vmem>>, vector<1x16xf32>,
        %swap3A_241 = vector.shape_cast %swap3A_240 : vector<1x16xf32> to vector<16xf32>
        %swap3A_242 = vector.shape_cast %mul3A_237 : vector<16xf32> to vector<1x16xf32>
        tpu.vector_store %arg12[%swap3A_238, %swap3A_239], %swap3A_242 {strides = array<i32>} : memref<128x128xf32, #tpu.memory_space<vmem>>, vector<1x16xf32>,
        %get3A_243 = arith.index_cast %scan3A_162 : i32 to index
        %get3A_244 = arith.constant 112 : index
        %get3A_245 = tpu.vector_load %arg11[%get3A_243, %get3A_244] {strides = array<i32>} : memref<128x128xf32, #tpu.memory_space<vmem>>, vector<1x16xf32>,
        %get3A_246 = vector.shape_cast %get3A_245 : vector<1x16xf32> to vector<16xf32>
        %mul3A_247 = vector.broadcast %squeeze3A : f32 to vector<16xf32>
        %mul3A_248 = arith.mulf %get3A_246, %mul3A_247 : vector<16xf32>
        %swap3A_249 = arith.index_cast %scan3A_162 : i32 to index
        %swap3A_250 = arith.constant 112 : index
        %swap3A_251 = tpu.vector_load %arg12[%swap3A_249, %swap3A_250] {strides = array<i32>} : memref<128x128xf32, #tpu.memory_space<vmem>>, vector<1x16xf32>,
        %swap3A_252 = vector.shape_cast %swap3A_251 : vector<1x16xf32> to vector<16xf32>
        %swap3A_253 = vector.shape_cast %mul3A_248 : vector<16xf32> to vector<1x16xf32>
        tpu.vector_store %arg12[%swap3A_249, %swap3A_250], %swap3A_253 {strides = array<i32>} : memref<128x128xf32, #tpu.memory_space<vmem>>, vector<1x16xf32>,
      }
      %scan3A_161 = arith.constant 128 : i32
      "tpu.region"() ({
        %run_scoped3A_162 = tpu.sem_alloc : memref<!tpu.dma_semaphore, #tpu.memory_space<semaphore_mem>>
        %dma_start3A = arith.constant 0 : i32
        %dma_start3A_163 = arith.constant 0 : i32
        %dma_start3A_164 = tpu.memref_slice %arg13[%dma_start3A, %dma_start3A_163] : memref<10112x128xf32, #tpu.memory_space<vmem_shared>> -> memref<10112x128xf32, #tpu.memory_space<vmem_shared>>
        tpu.enqueue_indirect_dma source(%arg12 : memref<128x128xf32, #tpu.memory_space<vmem>>) target(%dma_start3A_164 : memref<10112x128xf32, #tpu.memory_space<vmem_shared>>) offsets(%arg9 : memref<128xi32, #tpu.memory_space<vmem>>) semaphore(%run_scoped3A_162 : memref<!tpu.dma_semaphore, #tpu.memory_space<semaphore_mem>>) {add = true}
        %dma_wait3A = arith.constant 0 : i32
        %dma_wait3A_165 = arith.constant 0 : i32
        %dma_wait3A_166 = tpu.memref_slice %arg13[%dma_wait3A, %dma_wait3A_165] : memref<10112x128xf32, #tpu.memory_space<vmem_shared>> -> memref<10112x128xf32, #tpu.memory_space<vmem_shared>>
        tpu.wait_indirect_dma semaphore(%run_scoped3A_162 : memref<!tpu.dma_semaphore, #tpu.memory_space<semaphore_mem>>) src(%arg12 : memref<128x128xf32, #tpu.memory_space<vmem>>) dst(%dma_wait3A_166 : memref<10112x128xf32, #tpu.memory_space<vmem_shared>>)
        tpu.yield
      }) : () -> ()
    }
    %scan3A_102 = arith.constant 40 : i32
    %barrier3A_103 = arith.constant 0 : index
    tpu.barrier barrier_id(%barrier3A_103)
    %eq3A_104 = arith.constant 0 : i32
    %eq3A_105 = arith.cmpi eq, %arg1, %eq3A_104 : i32
    %convert_element_type3A_106 = arith.extui %eq3A_105 : i1 to i32
    %cond3A_107 = arith.constant 0 : i32
    %cond3A_108 = arith.cmpi ne, %convert_element_type3A_106, %cond3A_107 : i32
    scf.if %cond3A_108 {
      %run_scoped3A = arith.constant 5 : i32
      "tpu.region"() ({
        %run_scoped3A_148 = tpu.sem_alloc : memref<!tpu.dma_semaphore, #tpu.memory_space<semaphore_mem>>
        %dma_start3A = arith.constant 0 : i32
        %dma_start3A_149 = arith.constant 0 : i32
        %dma_start3A_150 = arith.constant 0 : i32
        %dma_start3A_151 = tpu.memref_slice %arg7[%arg0, %dma_start3A, %dma_start3A_149, %dma_start3A_150] : memref<2x8x10112x128xf32, #tpu.memory_space<hbm>> -> memref<1x8x10112x128xf32, #tpu.memory_space<hbm>>
        %dma_start3A_152 = tpu.memref_squeeze %dma_start3A_151 : memref<1x8x10112x128xf32, #tpu.memory_space<hbm>> -> memref<8x10112x128xf32, #tpu.memory_space<hbm>>
        %dma_start3A_153 = arith.constant 0 : i32
        %dma_start3A_154 = arith.constant 0 : i32
        %dma_start3A_155 = tpu.memref_slice %dma_start3A_152[%run_scoped3A, %dma_start3A_153, %dma_start3A_154] : memref<8x10112x128xf32, #tpu.memory_space<hbm>> -> memref<1x10112x128xf32, #tpu.memory_space<hbm>>
        %dma_start3A_156 = tpu.memref_squeeze %dma_start3A_155 : memref<1x10112x128xf32, #tpu.memory_space<hbm>> -> memref<10112x128xf32, #tpu.memory_space<hbm>>
        tpu.enqueue_dma source(%arg13 : memref<10112x128xf32, #tpu.memory_space<vmem_shared>>) target(%dma_start3A_156 : memref<10112x128xf32, #tpu.memory_space<hbm>>) target_semaphore(%run_scoped3A_148 : memref<!tpu.dma_semaphore, #tpu.memory_space<semaphore_mem>>)
        %dma_wait3A = arith.constant 0 : i32
        %dma_wait3A_157 = arith.constant 0 : i32
        %dma_wait3A_158 = arith.constant 0 : i32
        %dma_wait3A_159 = tpu.memref_slice %arg7[%arg0, %dma_wait3A, %dma_wait3A_157, %dma_wait3A_158] : memref<2x8x10112x128xf32, #tpu.memory_space<hbm>> -> memref<1x8x10112x128xf32, #tpu.memory_space<hbm>>
        %dma_wait3A_160 = tpu.memref_squeeze %dma_wait3A_159 : memref<1x8x10112x128xf32, #tpu.memory_space<hbm>> -> memref<8x10112x128xf32, #tpu.memory_space<hbm>>
        %dma_wait3A_161 = arith.constant 0 : i32
        %dma_wait3A_162 = arith.constant 0 : i32
        %dma_wait3A_163 = tpu.memref_slice %dma_wait3A_160[%run_scoped3A, %dma_wait3A_161, %dma_wait3A_162] : memref<8x10112x128xf32, #tpu.memory_space<hbm>> -> memref<1x10112x128xf32, #tpu.memory_space<hbm>>
        %dma_wait3A_164 = tpu.memref_squeeze %dma_wait3A_163 : memref<1x10112x128xf32, #tpu.memory_space<hbm>> -> memref<10112x128xf32, #tpu.memory_space<hbm>>
        tpu.wait_dma2 semaphore(%run_scoped3A_148 : memref<!tpu.dma_semaphore, #tpu.memory_space<semaphore_mem>>) src(%arg13 : memref<10112x128xf32, #tpu.memory_space<vmem_shared>>) dst(%dma_wait3A_164 : memref<10112x128xf32, #tpu.memory_space<hbm>>)
        tpu.yield
      }) : () -> ()
    } else {
    }
    %barrier3A_109 = arith.constant 0 : index
    tpu.barrier barrier_id(%barrier3A_109)
    %eq3A_110 = arith.constant 0 : i32
    %eq3A_111 = arith.cmpi eq, %arg1, %eq3A_110 : i32
    %convert_element_type3A_112 = arith.extui %eq3A_111 : i1 to i32
    %cond3A_113 = arith.constant 0 : i32
    %cond3A_114 = arith.cmpi ne, %convert_element_type3A_112, %cond3A_113 : i32
    scf.if %cond3A_114 {
      "tpu.region"() ({
        %run_scoped3A = tpu.sem_alloc : memref<!tpu.dma_semaphore, #tpu.memory_space<semaphore_mem>>
        tpu.enqueue_dma source(%arg6 : memref<10112x128xf32, #tpu.memory_space<hbm>>) target(%arg13 : memref<10112x128xf32, #tpu.memory_space<vmem_shared>>) target_semaphore(%run_scoped3A : memref<!tpu.dma_semaphore, #tpu.memory_space<semaphore_mem>>)
        tpu.wait_dma2 semaphore(%run_scoped3A : memref<!tpu.dma_semaphore, #tpu.memory_space<semaphore_mem>>) src(%arg6 : memref<10112x128xf32, #tpu.memory_space<hbm>>) dst(%arg13 : memref<10112x128xf32, #tpu.memory_space<vmem_shared>>)
        tpu.yield
      }) : () -> ()
    } else {
    }
    %barrier3A_115 = arith.constant 0 : index
    tpu.barrier barrier_id(%barrier3A_115)
    %scan3A_116 = arith.constant 0 : i32
    %scan3A_117 = arith.constant 0 : i32
    %scan3A_118 = arith.constant 40 : i32
    %scan3A_119 = arith.addi %scan3A_117, %scan3A_118 : i32
    %scan3A_120 = arith.constant 1 : i32
    scf.for %scan3A_148 = %scan3A_117 to %scan3A_119 step %scan3A_120  : i32 {
      %mul3A_149 = arith.constant 40 : i32
      %mul3A_150 = arith.muli %add3A, %mul3A_149 : i32
      %add3A_151 = arith.addi %mul3A_150, %scan3A_148 : i32
      %mul3A_152 = arith.constant 128 : i32
      %mul3A_153 = arith.muli %add3A_151, %mul3A_152 : i32
      "tpu.region"() ({
        %run_scoped3A_162 = tpu.sem_alloc : memref<!tpu.dma_semaphore, #tpu.memory_space<semaphore_mem>>
        %dma_start3A = tpu.memref_slice %arg2[%mul3A_153] : memref<163840xi32, #tpu.memory_space<hbm>> -> memref<128xi32, #tpu.memory_space<hbm>>
        %dma_start3A_163 = tpu.memref_slice %arg2[%mul3A_153] : memref<163840xi32, #tpu.memory_space<hbm>> -> memref<128xi32, #tpu.memory_space<hbm>>
        tpu.enqueue_dma source(%dma_start3A_163 : memref<128xi32, #tpu.memory_space<hbm>>) target(%arg8 : memref<128xi32, #tpu.memory_space<vmem>>) target_semaphore(%run_scoped3A_162 : memref<!tpu.dma_semaphore, #tpu.memory_space<semaphore_mem>>)
        %dma_wait3A = tpu.memref_slice %arg2[%mul3A_153] : memref<163840xi32, #tpu.memory_space<hbm>> -> memref<128xi32, #tpu.memory_space<hbm>>
        %dma_wait3A_164 = tpu.memref_slice %arg2[%mul3A_153] : memref<163840xi32, #tpu.memory_space<hbm>> -> memref<128xi32, #tpu.memory_space<hbm>>
        tpu.wait_dma2 semaphore(%run_scoped3A_162 : memref<!tpu.dma_semaphore, #tpu.memory_space<semaphore_mem>>) src(%dma_wait3A_164 : memref<128xi32, #tpu.memory_space<hbm>>) dst(%arg8 : memref<128xi32, #tpu.memory_space<vmem>>)
        tpu.yield
      }) : () -> ()
      "tpu.region"() ({
        %run_scoped3A_162 = tpu.sem_alloc : memref<!tpu.dma_semaphore, #tpu.memory_space<semaphore_mem>>
        %dma_start3A = tpu.memref_slice %arg3[%mul3A_153] : memref<163840xi32, #tpu.memory_space<hbm>> -> memref<128xi32, #tpu.memory_space<hbm>>
        %dma_start3A_163 = tpu.memref_slice %arg3[%mul3A_153] : memref<163840xi32, #tpu.memory_space<hbm>> -> memref<128xi32, #tpu.memory_space<hbm>>
        tpu.enqueue_dma source(%dma_start3A_163 : memref<128xi32, #tpu.memory_space<hbm>>) target(%arg9 : memref<128xi32, #tpu.memory_space<vmem>>) target_semaphore(%run_scoped3A_162 : memref<!tpu.dma_semaphore, #tpu.memory_space<semaphore_mem>>)
        %dma_wait3A = tpu.memref_slice %arg3[%mul3A_153] : memref<163840xi32, #tpu.memory_space<hbm>> -> memref<128xi32, #tpu.memory_space<hbm>>
        %dma_wait3A_164 = tpu.memref_slice %arg3[%mul3A_153] : memref<163840xi32, #tpu.memory_space<hbm>> -> memref<128xi32, #tpu.memory_space<hbm>>
        tpu.wait_dma2 semaphore(%run_scoped3A_162 : memref<!tpu.dma_semaphore, #tpu.memory_space<semaphore_mem>>) src(%dma_wait3A_164 : memref<128xi32, #tpu.memory_space<hbm>>) dst(%arg9 : memref<128xi32, #tpu.memory_space<vmem>>)
        tpu.yield
      }) : () -> ()
      %mul3A_154 = arith.constant 16 : i32
      %mul3A_155 = arith.muli %mul3A_153, %mul3A_154 : i32
      "tpu.region"() ({
        %run_scoped3A_162 = tpu.sem_alloc : memref<!tpu.dma_semaphore, #tpu.memory_space<semaphore_mem>>
        %dma_start3A = tpu.memref_slice %arg5[%mul3A_155] : memref<2621440xf32, #tpu.memory_space<hbm>> -> memref<2048xf32, #tpu.memory_space<hbm>>
        %dma_start3A_163 = tpu.memref_slice %arg5[%mul3A_155] : memref<2621440xf32, #tpu.memory_space<hbm>> -> memref<2048xf32, #tpu.memory_space<hbm>>
        tpu.enqueue_dma source(%dma_start3A_163 : memref<2048xf32, #tpu.memory_space<hbm>>) target(%arg10 : memref<2048xf32, #tpu.memory_space<vmem>>) target_semaphore(%run_scoped3A_162 : memref<!tpu.dma_semaphore, #tpu.memory_space<semaphore_mem>>)
        %dma_wait3A = tpu.memref_slice %arg5[%mul3A_155] : memref<2621440xf32, #tpu.memory_space<hbm>> -> memref<2048xf32, #tpu.memory_space<hbm>>
        %dma_wait3A_164 = tpu.memref_slice %arg5[%mul3A_155] : memref<2621440xf32, #tpu.memory_space<hbm>> -> memref<2048xf32, #tpu.memory_space<hbm>>
        tpu.wait_dma2 semaphore(%run_scoped3A_162 : memref<!tpu.dma_semaphore, #tpu.memory_space<semaphore_mem>>) src(%dma_wait3A_164 : memref<2048xf32, #tpu.memory_space<hbm>>) dst(%arg10 : memref<2048xf32, #tpu.memory_space<vmem>>)
        tpu.yield
      }) : () -> ()
      %run_scoped3A = arith.constant 6 : i32
      "tpu.region"() ({
        %run_scoped3A_162 = tpu.sem_alloc : memref<!tpu.dma_semaphore, #tpu.memory_space<semaphore_mem>>
        %dma_start3A = arith.constant 0 : i32
        %dma_start3A_163 = arith.constant 0 : i32
        %dma_start3A_164 = tpu.memref_slice %arg4[%run_scoped3A, %dma_start3A, %dma_start3A_163] : memref<8x10112x128xf32, #tpu.memory_space<hbm>> -> memref<1x10112x128xf32, #tpu.memory_space<hbm>>
        %dma_start3A_165 = tpu.memref_squeeze %dma_start3A_164 : memref<1x10112x128xf32, #tpu.memory_space<hbm>> -> memref<10112x128xf32, #tpu.memory_space<hbm>>
        %dma_start3A_166 = arith.constant 0 : i32
        %dma_start3A_167 = arith.constant 0 : i32
        %dma_start3A_168 = tpu.memref_slice %dma_start3A_165[%dma_start3A_166, %dma_start3A_167] : memref<10112x128xf32, #tpu.memory_space<hbm>> -> memref<10112x128xf32, #tpu.memory_space<hbm>>
        tpu.enqueue_indirect_dma source(%dma_start3A_168 : memref<10112x128xf32, #tpu.memory_space<hbm>>) target(%arg11 : memref<128x128xf32, #tpu.memory_space<vmem>>) offsets(%arg8 : memref<128xi32, #tpu.memory_space<vmem>>) semaphore(%run_scoped3A_162 : memref<!tpu.dma_semaphore, #tpu.memory_space<semaphore_mem>>)
        %dma_wait3A = arith.constant 0 : i32
        %dma_wait3A_169 = arith.constant 0 : i32
        %dma_wait3A_170 = tpu.memref_slice %arg4[%run_scoped3A, %dma_wait3A, %dma_wait3A_169] : memref<8x10112x128xf32, #tpu.memory_space<hbm>> -> memref<1x10112x128xf32, #tpu.memory_space<hbm>>
        %dma_wait3A_171 = tpu.memref_squeeze %dma_wait3A_170 : memref<1x10112x128xf32, #tpu.memory_space<hbm>> -> memref<10112x128xf32, #tpu.memory_space<hbm>>
        %dma_wait3A_172 = arith.constant 0 : i32
        %dma_wait3A_173 = arith.constant 0 : i32
        %dma_wait3A_174 = tpu.memref_slice %dma_wait3A_171[%dma_wait3A_172, %dma_wait3A_173] : memref<10112x128xf32, #tpu.memory_space<hbm>> -> memref<10112x128xf32, #tpu.memory_space<hbm>>
        tpu.wait_indirect_dma semaphore(%run_scoped3A_162 : memref<!tpu.dma_semaphore, #tpu.memory_space<semaphore_mem>>) src(%dma_wait3A_174 : memref<10112x128xf32, #tpu.memory_space<hbm>>) dst(%arg11 : memref<128x128xf32, #tpu.memory_space<vmem>>)
        tpu.yield
      }) : () -> ()
      %scan3A_156 = arith.constant 0 : i32
      %scan3A_157 = arith.constant 0 : i32
      %scan3A_158 = arith.constant 128 : i32
      %scan3A_159 = arith.addi %scan3A_157, %scan3A_158 : i32
      %scan3A_160 = arith.constant 1 : i32
      scf.for %scan3A_162 = %scan3A_157 to %scan3A_159 step %scan3A_160  : i32 {
        %mul3A_163 = arith.constant 16 : i32
        %mul3A_164 = arith.muli %scan3A_162, %mul3A_163 : i32
        %get3A = arith.index_cast %mul3A_164 : i32 to index
        %get3A_165 = tpu.vector_load %arg10[%get3A] {strides = array<i32>} : memref<2048xf32, #tpu.memory_space<vmem>>, vector<16xf32>,
        %get3A_166 = vector.shape_cast %get3A_165 : vector<16xf32> to vector<16xf32>
        %slice3A = vector.extract_strided_slice %get3A_166 {offsets = [3], sizes = [1], strides = [1]} : vector<16xf32> to vector<1xf32>
        %squeeze3A = vector.extract %slice3A[0] : f32 from vector<1xf32>
        %get3A_167 = arith.index_cast %scan3A_162 : i32 to index
        %get3A_168 = arith.constant 0 : index
        %get3A_169 = tpu.vector_load %arg11[%get3A_167, %get3A_168] {strides = array<i32>} : memref<128x128xf32, #tpu.memory_space<vmem>>, vector<1x16xf32>,
        %get3A_170 = vector.shape_cast %get3A_169 : vector<1x16xf32> to vector<16xf32>
        %mul3A_171 = vector.broadcast %squeeze3A : f32 to vector<16xf32>
        %mul3A_172 = arith.mulf %get3A_170, %mul3A_171 : vector<16xf32>
        %swap3A = arith.index_cast %scan3A_162 : i32 to index
        %swap3A_173 = arith.constant 0 : index
        %swap3A_174 = tpu.vector_load %arg12[%swap3A, %swap3A_173] {strides = array<i32>} : memref<128x128xf32, #tpu.memory_space<vmem>>, vector<1x16xf32>,
        %swap3A_175 = vector.shape_cast %swap3A_174 : vector<1x16xf32> to vector<16xf32>
        %swap3A_176 = vector.shape_cast %mul3A_172 : vector<16xf32> to vector<1x16xf32>
        tpu.vector_store %arg12[%swap3A, %swap3A_173], %swap3A_176 {strides = array<i32>} : memref<128x128xf32, #tpu.memory_space<vmem>>, vector<1x16xf32>,
        %get3A_177 = arith.index_cast %scan3A_162 : i32 to index
        %get3A_178 = arith.constant 16 : index
        %get3A_179 = tpu.vector_load %arg11[%get3A_177, %get3A_178] {strides = array<i32>} : memref<128x128xf32, #tpu.memory_space<vmem>>, vector<1x16xf32>,
        %get3A_180 = vector.shape_cast %get3A_179 : vector<1x16xf32> to vector<16xf32>
        %mul3A_181 = vector.broadcast %squeeze3A : f32 to vector<16xf32>
        %mul3A_182 = arith.mulf %get3A_180, %mul3A_181 : vector<16xf32>
        %swap3A_183 = arith.index_cast %scan3A_162 : i32 to index
        %swap3A_184 = arith.constant 16 : index
        %swap3A_185 = tpu.vector_load %arg12[%swap3A_183, %swap3A_184] {strides = array<i32>} : memref<128x128xf32, #tpu.memory_space<vmem>>, vector<1x16xf32>,
        %swap3A_186 = vector.shape_cast %swap3A_185 : vector<1x16xf32> to vector<16xf32>
        %swap3A_187 = vector.shape_cast %mul3A_182 : vector<16xf32> to vector<1x16xf32>
        tpu.vector_store %arg12[%swap3A_183, %swap3A_184], %swap3A_187 {strides = array<i32>} : memref<128x128xf32, #tpu.memory_space<vmem>>, vector<1x16xf32>,
        %get3A_188 = arith.index_cast %scan3A_162 : i32 to index
        %get3A_189 = arith.constant 32 : index
        %get3A_190 = tpu.vector_load %arg11[%get3A_188, %get3A_189] {strides = array<i32>} : memref<128x128xf32, #tpu.memory_space<vmem>>, vector<1x16xf32>,
        %get3A_191 = vector.shape_cast %get3A_190 : vector<1x16xf32> to vector<16xf32>
        %mul3A_192 = vector.broadcast %squeeze3A : f32 to vector<16xf32>
        %mul3A_193 = arith.mulf %get3A_191, %mul3A_192 : vector<16xf32>
        %swap3A_194 = arith.index_cast %scan3A_162 : i32 to index
        %swap3A_195 = arith.constant 32 : index
        %swap3A_196 = tpu.vector_load %arg12[%swap3A_194, %swap3A_195] {strides = array<i32>} : memref<128x128xf32, #tpu.memory_space<vmem>>, vector<1x16xf32>,
        %swap3A_197 = vector.shape_cast %swap3A_196 : vector<1x16xf32> to vector<16xf32>
        %swap3A_198 = vector.shape_cast %mul3A_193 : vector<16xf32> to vector<1x16xf32>
        tpu.vector_store %arg12[%swap3A_194, %swap3A_195], %swap3A_198 {strides = array<i32>} : memref<128x128xf32, #tpu.memory_space<vmem>>, vector<1x16xf32>,
        %get3A_199 = arith.index_cast %scan3A_162 : i32 to index
        %get3A_200 = arith.constant 48 : index
        %get3A_201 = tpu.vector_load %arg11[%get3A_199, %get3A_200] {strides = array<i32>} : memref<128x128xf32, #tpu.memory_space<vmem>>, vector<1x16xf32>,
        %get3A_202 = vector.shape_cast %get3A_201 : vector<1x16xf32> to vector<16xf32>
        %mul3A_203 = vector.broadcast %squeeze3A : f32 to vector<16xf32>
        %mul3A_204 = arith.mulf %get3A_202, %mul3A_203 : vector<16xf32>
        %swap3A_205 = arith.index_cast %scan3A_162 : i32 to index
        %swap3A_206 = arith.constant 48 : index
        %swap3A_207 = tpu.vector_load %arg12[%swap3A_205, %swap3A_206] {strides = array<i32>} : memref<128x128xf32, #tpu.memory_space<vmem>>, vector<1x16xf32>,
        %swap3A_208 = vector.shape_cast %swap3A_207 : vector<1x16xf32> to vector<16xf32>
        %swap3A_209 = vector.shape_cast %mul3A_204 : vector<16xf32> to vector<1x16xf32>
        tpu.vector_store %arg12[%swap3A_205, %swap3A_206], %swap3A_209 {strides = array<i32>} : memref<128x128xf32, #tpu.memory_space<vmem>>, vector<1x16xf32>,
        %get3A_210 = arith.index_cast %scan3A_162 : i32 to index
        %get3A_211 = arith.constant 64 : index
        %get3A_212 = tpu.vector_load %arg11[%get3A_210, %get3A_211] {strides = array<i32>} : memref<128x128xf32, #tpu.memory_space<vmem>>, vector<1x16xf32>,
        %get3A_213 = vector.shape_cast %get3A_212 : vector<1x16xf32> to vector<16xf32>
        %mul3A_214 = vector.broadcast %squeeze3A : f32 to vector<16xf32>
        %mul3A_215 = arith.mulf %get3A_213, %mul3A_214 : vector<16xf32>
        %swap3A_216 = arith.index_cast %scan3A_162 : i32 to index
        %swap3A_217 = arith.constant 64 : index
        %swap3A_218 = tpu.vector_load %arg12[%swap3A_216, %swap3A_217] {strides = array<i32>} : memref<128x128xf32, #tpu.memory_space<vmem>>, vector<1x16xf32>,
        %swap3A_219 = vector.shape_cast %swap3A_218 : vector<1x16xf32> to vector<16xf32>
        %swap3A_220 = vector.shape_cast %mul3A_215 : vector<16xf32> to vector<1x16xf32>
        tpu.vector_store %arg12[%swap3A_216, %swap3A_217], %swap3A_220 {strides = array<i32>} : memref<128x128xf32, #tpu.memory_space<vmem>>, vector<1x16xf32>,
        %get3A_221 = arith.index_cast %scan3A_162 : i32 to index
        %get3A_222 = arith.constant 80 : index
        %get3A_223 = tpu.vector_load %arg11[%get3A_221, %get3A_222] {strides = array<i32>} : memref<128x128xf32, #tpu.memory_space<vmem>>, vector<1x16xf32>,
        %get3A_224 = vector.shape_cast %get3A_223 : vector<1x16xf32> to vector<16xf32>
        %mul3A_225 = vector.broadcast %squeeze3A : f32 to vector<16xf32>
        %mul3A_226 = arith.mulf %get3A_224, %mul3A_225 : vector<16xf32>
        %swap3A_227 = arith.index_cast %scan3A_162 : i32 to index
        %swap3A_228 = arith.constant 80 : index
        %swap3A_229 = tpu.vector_load %arg12[%swap3A_227, %swap3A_228] {strides = array<i32>} : memref<128x128xf32, #tpu.memory_space<vmem>>, vector<1x16xf32>,
        %swap3A_230 = vector.shape_cast %swap3A_229 : vector<1x16xf32> to vector<16xf32>
        %swap3A_231 = vector.shape_cast %mul3A_226 : vector<16xf32> to vector<1x16xf32>
        tpu.vector_store %arg12[%swap3A_227, %swap3A_228], %swap3A_231 {strides = array<i32>} : memref<128x128xf32, #tpu.memory_space<vmem>>, vector<1x16xf32>,
        %get3A_232 = arith.index_cast %scan3A_162 : i32 to index
        %get3A_233 = arith.constant 96 : index
        %get3A_234 = tpu.vector_load %arg11[%get3A_232, %get3A_233] {strides = array<i32>} : memref<128x128xf32, #tpu.memory_space<vmem>>, vector<1x16xf32>,
        %get3A_235 = vector.shape_cast %get3A_234 : vector<1x16xf32> to vector<16xf32>
        %mul3A_236 = vector.broadcast %squeeze3A : f32 to vector<16xf32>
        %mul3A_237 = arith.mulf %get3A_235, %mul3A_236 : vector<16xf32>
        %swap3A_238 = arith.index_cast %scan3A_162 : i32 to index
        %swap3A_239 = arith.constant 96 : index
        %swap3A_240 = tpu.vector_load %arg12[%swap3A_238, %swap3A_239] {strides = array<i32>} : memref<128x128xf32, #tpu.memory_space<vmem>>, vector<1x16xf32>,
        %swap3A_241 = vector.shape_cast %swap3A_240 : vector<1x16xf32> to vector<16xf32>
        %swap3A_242 = vector.shape_cast %mul3A_237 : vector<16xf32> to vector<1x16xf32>
        tpu.vector_store %arg12[%swap3A_238, %swap3A_239], %swap3A_242 {strides = array<i32>} : memref<128x128xf32, #tpu.memory_space<vmem>>, vector<1x16xf32>,
        %get3A_243 = arith.index_cast %scan3A_162 : i32 to index
        %get3A_244 = arith.constant 112 : index
        %get3A_245 = tpu.vector_load %arg11[%get3A_243, %get3A_244] {strides = array<i32>} : memref<128x128xf32, #tpu.memory_space<vmem>>, vector<1x16xf32>,
        %get3A_246 = vector.shape_cast %get3A_245 : vector<1x16xf32> to vector<16xf32>
        %mul3A_247 = vector.broadcast %squeeze3A : f32 to vector<16xf32>
        %mul3A_248 = arith.mulf %get3A_246, %mul3A_247 : vector<16xf32>
        %swap3A_249 = arith.index_cast %scan3A_162 : i32 to index
        %swap3A_250 = arith.constant 112 : index
        %swap3A_251 = tpu.vector_load %arg12[%swap3A_249, %swap3A_250] {strides = array<i32>} : memref<128x128xf32, #tpu.memory_space<vmem>>, vector<1x16xf32>,
        %swap3A_252 = vector.shape_cast %swap3A_251 : vector<1x16xf32> to vector<16xf32>
        %swap3A_253 = vector.shape_cast %mul3A_248 : vector<16xf32> to vector<1x16xf32>
        tpu.vector_store %arg12[%swap3A_249, %swap3A_250], %swap3A_253 {strides = array<i32>} : memref<128x128xf32, #tpu.memory_space<vmem>>, vector<1x16xf32>,
      }
      %scan3A_161 = arith.constant 128 : i32
      "tpu.region"() ({
        %run_scoped3A_162 = tpu.sem_alloc : memref<!tpu.dma_semaphore, #tpu.memory_space<semaphore_mem>>
        %dma_start3A = arith.constant 0 : i32
        %dma_start3A_163 = arith.constant 0 : i32
        %dma_start3A_164 = tpu.memref_slice %arg13[%dma_start3A, %dma_start3A_163] : memref<10112x128xf32, #tpu.memory_space<vmem_shared>> -> memref<10112x128xf32, #tpu.memory_space<vmem_shared>>
        tpu.enqueue_indirect_dma source(%arg12 : memref<128x128xf32, #tpu.memory_space<vmem>>) target(%dma_start3A_164 : memref<10112x128xf32, #tpu.memory_space<vmem_shared>>) offsets(%arg9 : memref<128xi32, #tpu.memory_space<vmem>>) semaphore(%run_scoped3A_162 : memref<!tpu.dma_semaphore, #tpu.memory_space<semaphore_mem>>) {add = true}
        %dma_wait3A = arith.constant 0 : i32
        %dma_wait3A_165 = arith.constant 0 : i32
        %dma_wait3A_166 = tpu.memref_slice %arg13[%dma_wait3A, %dma_wait3A_165] : memref<10112x128xf32, #tpu.memory_space<vmem_shared>> -> memref<10112x128xf32, #tpu.memory_space<vmem_shared>>
        tpu.wait_indirect_dma semaphore(%run_scoped3A_162 : memref<!tpu.dma_semaphore, #tpu.memory_space<semaphore_mem>>) src(%arg12 : memref<128x128xf32, #tpu.memory_space<vmem>>) dst(%dma_wait3A_166 : memref<10112x128xf32, #tpu.memory_space<vmem_shared>>)
        tpu.yield
      }) : () -> ()
    }
    %scan3A_121 = arith.constant 40 : i32
    %barrier3A_122 = arith.constant 0 : index
    tpu.barrier barrier_id(%barrier3A_122)
    %eq3A_123 = arith.constant 0 : i32
    %eq3A_124 = arith.cmpi eq, %arg1, %eq3A_123 : i32
    %convert_element_type3A_125 = arith.extui %eq3A_124 : i1 to i32
    %cond3A_126 = arith.constant 0 : i32
    %cond3A_127 = arith.cmpi ne, %convert_element_type3A_125, %cond3A_126 : i32
    scf.if %cond3A_127 {
      %run_scoped3A = arith.constant 6 : i32
      "tpu.region"() ({
        %run_scoped3A_148 = tpu.sem_alloc : memref<!tpu.dma_semaphore, #tpu.memory_space<semaphore_mem>>
        %dma_start3A = arith.constant 0 : i32
        %dma_start3A_149 = arith.constant 0 : i32
        %dma_start3A_150 = arith.constant 0 : i32
        %dma_start3A_151 = tpu.memref_slice %arg7[%arg0, %dma_start3A, %dma_start3A_149, %dma_start3A_150] : memref<2x8x10112x128xf32, #tpu.memory_space<hbm>> -> memref<1x8x10112x128xf32, #tpu.memory_space<hbm>>
        %dma_start3A_152 = tpu.memref_squeeze %dma_start3A_151 : memref<1x8x10112x128xf32, #tpu.memory_space<hbm>> -> memref<8x10112x128xf32, #tpu.memory_space<hbm>>
        %dma_start3A_153 = arith.constant 0 : i32
        %dma_start3A_154 = arith.constant 0 : i32
        %dma_start3A_155 = tpu.memref_slice %dma_start3A_152[%run_scoped3A, %dma_start3A_153, %dma_start3A_154] : memref<8x10112x128xf32, #tpu.memory_space<hbm>> -> memref<1x10112x128xf32, #tpu.memory_space<hbm>>
        %dma_start3A_156 = tpu.memref_squeeze %dma_start3A_155 : memref<1x10112x128xf32, #tpu.memory_space<hbm>> -> memref<10112x128xf32, #tpu.memory_space<hbm>>
        tpu.enqueue_dma source(%arg13 : memref<10112x128xf32, #tpu.memory_space<vmem_shared>>) target(%dma_start3A_156 : memref<10112x128xf32, #tpu.memory_space<hbm>>) target_semaphore(%run_scoped3A_148 : memref<!tpu.dma_semaphore, #tpu.memory_space<semaphore_mem>>)
        %dma_wait3A = arith.constant 0 : i32
        %dma_wait3A_157 = arith.constant 0 : i32
        %dma_wait3A_158 = arith.constant 0 : i32
        %dma_wait3A_159 = tpu.memref_slice %arg7[%arg0, %dma_wait3A, %dma_wait3A_157, %dma_wait3A_158] : memref<2x8x10112x128xf32, #tpu.memory_space<hbm>> -> memref<1x8x10112x128xf32, #tpu.memory_space<hbm>>
        %dma_wait3A_160 = tpu.memref_squeeze %dma_wait3A_159 : memref<1x8x10112x128xf32, #tpu.memory_space<hbm>> -> memref<8x10112x128xf32, #tpu.memory_space<hbm>>
        %dma_wait3A_161 = arith.constant 0 : i32
        %dma_wait3A_162 = arith.constant 0 : i32
        %dma_wait3A_163 = tpu.memref_slice %dma_wait3A_160[%run_scoped3A, %dma_wait3A_161, %dma_wait3A_162] : memref<8x10112x128xf32, #tpu.memory_space<hbm>> -> memref<1x10112x128xf32, #tpu.memory_space<hbm>>
        %dma_wait3A_164 = tpu.memref_squeeze %dma_wait3A_163 : memref<1x10112x128xf32, #tpu.memory_space<hbm>> -> memref<10112x128xf32, #tpu.memory_space<hbm>>
        tpu.wait_dma2 semaphore(%run_scoped3A_148 : memref<!tpu.dma_semaphore, #tpu.memory_space<semaphore_mem>>) src(%arg13 : memref<10112x128xf32, #tpu.memory_space<vmem_shared>>) dst(%dma_wait3A_164 : memref<10112x128xf32, #tpu.memory_space<hbm>>)
        tpu.yield
      }) : () -> ()
    } else {
    }
    %barrier3A_128 = arith.constant 0 : index
    tpu.barrier barrier_id(%barrier3A_128)
    %eq3A_129 = arith.constant 0 : i32
    %eq3A_130 = arith.cmpi eq, %arg1, %eq3A_129 : i32
    %convert_element_type3A_131 = arith.extui %eq3A_130 : i1 to i32
    %cond3A_132 = arith.constant 0 : i32
    %cond3A_133 = arith.cmpi ne, %convert_element_type3A_131, %cond3A_132 : i32
    scf.if %cond3A_133 {
      "tpu.region"() ({
        %run_scoped3A = tpu.sem_alloc : memref<!tpu.dma_semaphore, #tpu.memory_space<semaphore_mem>>
        tpu.enqueue_dma source(%arg6 : memref<10112x128xf32, #tpu.memory_space<hbm>>) target(%arg13 : memref<10112x128xf32, #tpu.memory_space<vmem_shared>>) target_semaphore(%run_scoped3A : memref<!tpu.dma_semaphore, #tpu.memory_space<semaphore_mem>>)
        tpu.wait_dma2 semaphore(%run_scoped3A : memref<!tpu.dma_semaphore, #tpu.memory_space<semaphore_mem>>) src(%arg6 : memref<10112x128xf32, #tpu.memory_space<hbm>>) dst(%arg13 : memref<10112x128xf32, #tpu.memory_space<vmem_shared>>)
        tpu.yield
      }) : () -> ()
    } else {
    }
    %barrier3A_134 = arith.constant 0 : index
    tpu.barrier barrier_id(%barrier3A_134)
    %scan3A_135 = arith.constant 0 : i32
    %scan3A_136 = arith.constant 0 : i32
    %scan3A_137 = arith.constant 40 : i32
    %scan3A_138 = arith.addi %scan3A_136, %scan3A_137 : i32
    %scan3A_139 = arith.constant 1 : i32
    scf.for %scan3A_148 = %scan3A_136 to %scan3A_138 step %scan3A_139  : i32 {
      %mul3A_149 = arith.constant 40 : i32
      %mul3A_150 = arith.muli %add3A, %mul3A_149 : i32
      %add3A_151 = arith.addi %mul3A_150, %scan3A_148 : i32
      %mul3A_152 = arith.constant 128 : i32
      %mul3A_153 = arith.muli %add3A_151, %mul3A_152 : i32
      "tpu.region"() ({
        %run_scoped3A_162 = tpu.sem_alloc : memref<!tpu.dma_semaphore, #tpu.memory_space<semaphore_mem>>
        %dma_start3A = tpu.memref_slice %arg2[%mul3A_153] : memref<163840xi32, #tpu.memory_space<hbm>> -> memref<128xi32, #tpu.memory_space<hbm>>
        %dma_start3A_163 = tpu.memref_slice %arg2[%mul3A_153] : memref<163840xi32, #tpu.memory_space<hbm>> -> memref<128xi32, #tpu.memory_space<hbm>>
        tpu.enqueue_dma source(%dma_start3A_163 : memref<128xi32, #tpu.memory_space<hbm>>) target(%arg8 : memref<128xi32, #tpu.memory_space<vmem>>) target_semaphore(%run_scoped3A_162 : memref<!tpu.dma_semaphore, #tpu.memory_space<semaphore_mem>>)
        %dma_wait3A = tpu.memref_slice %arg2[%mul3A_153] : memref<163840xi32, #tpu.memory_space<hbm>> -> memref<128xi32, #tpu.memory_space<hbm>>
        %dma_wait3A_164 = tpu.memref_slice %arg2[%mul3A_153] : memref<163840xi32, #tpu.memory_space<hbm>> -> memref<128xi32, #tpu.memory_space<hbm>>
        tpu.wait_dma2 semaphore(%run_scoped3A_162 : memref<!tpu.dma_semaphore, #tpu.memory_space<semaphore_mem>>) src(%dma_wait3A_164 : memref<128xi32, #tpu.memory_space<hbm>>) dst(%arg8 : memref<128xi32, #tpu.memory_space<vmem>>)
        tpu.yield
      }) : () -> ()
      "tpu.region"() ({
        %run_scoped3A_162 = tpu.sem_alloc : memref<!tpu.dma_semaphore, #tpu.memory_space<semaphore_mem>>
        %dma_start3A = tpu.memref_slice %arg3[%mul3A_153] : memref<163840xi32, #tpu.memory_space<hbm>> -> memref<128xi32, #tpu.memory_space<hbm>>
        %dma_start3A_163 = tpu.memref_slice %arg3[%mul3A_153] : memref<163840xi32, #tpu.memory_space<hbm>> -> memref<128xi32, #tpu.memory_space<hbm>>
        tpu.enqueue_dma source(%dma_start3A_163 : memref<128xi32, #tpu.memory_space<hbm>>) target(%arg9 : memref<128xi32, #tpu.memory_space<vmem>>) target_semaphore(%run_scoped3A_162 : memref<!tpu.dma_semaphore, #tpu.memory_space<semaphore_mem>>)
        %dma_wait3A = tpu.memref_slice %arg3[%mul3A_153] : memref<163840xi32, #tpu.memory_space<hbm>> -> memref<128xi32, #tpu.memory_space<hbm>>
        %dma_wait3A_164 = tpu.memref_slice %arg3[%mul3A_153] : memref<163840xi32, #tpu.memory_space<hbm>> -> memref<128xi32, #tpu.memory_space<hbm>>
        tpu.wait_dma2 semaphore(%run_scoped3A_162 : memref<!tpu.dma_semaphore, #tpu.memory_space<semaphore_mem>>) src(%dma_wait3A_164 : memref<128xi32, #tpu.memory_space<hbm>>) dst(%arg9 : memref<128xi32, #tpu.memory_space<vmem>>)
        tpu.yield
      }) : () -> ()
      %mul3A_154 = arith.constant 16 : i32
      %mul3A_155 = arith.muli %mul3A_153, %mul3A_154 : i32
      "tpu.region"() ({
        %run_scoped3A_162 = tpu.sem_alloc : memref<!tpu.dma_semaphore, #tpu.memory_space<semaphore_mem>>
        %dma_start3A = tpu.memref_slice %arg5[%mul3A_155] : memref<2621440xf32, #tpu.memory_space<hbm>> -> memref<2048xf32, #tpu.memory_space<hbm>>
        %dma_start3A_163 = tpu.memref_slice %arg5[%mul3A_155] : memref<2621440xf32, #tpu.memory_space<hbm>> -> memref<2048xf32, #tpu.memory_space<hbm>>
        tpu.enqueue_dma source(%dma_start3A_163 : memref<2048xf32, #tpu.memory_space<hbm>>) target(%arg10 : memref<2048xf32, #tpu.memory_space<vmem>>) target_semaphore(%run_scoped3A_162 : memref<!tpu.dma_semaphore, #tpu.memory_space<semaphore_mem>>)
        %dma_wait3A = tpu.memref_slice %arg5[%mul3A_155] : memref<2621440xf32, #tpu.memory_space<hbm>> -> memref<2048xf32, #tpu.memory_space<hbm>>
        %dma_wait3A_164 = tpu.memref_slice %arg5[%mul3A_155] : memref<2621440xf32, #tpu.memory_space<hbm>> -> memref<2048xf32, #tpu.memory_space<hbm>>
        tpu.wait_dma2 semaphore(%run_scoped3A_162 : memref<!tpu.dma_semaphore, #tpu.memory_space<semaphore_mem>>) src(%dma_wait3A_164 : memref<2048xf32, #tpu.memory_space<hbm>>) dst(%arg10 : memref<2048xf32, #tpu.memory_space<vmem>>)
        tpu.yield
      }) : () -> ()
      %run_scoped3A = arith.constant 7 : i32
      "tpu.region"() ({
        %run_scoped3A_162 = tpu.sem_alloc : memref<!tpu.dma_semaphore, #tpu.memory_space<semaphore_mem>>
        %dma_start3A = arith.constant 0 : i32
        %dma_start3A_163 = arith.constant 0 : i32
        %dma_start3A_164 = tpu.memref_slice %arg4[%run_scoped3A, %dma_start3A, %dma_start3A_163] : memref<8x10112x128xf32, #tpu.memory_space<hbm>> -> memref<1x10112x128xf32, #tpu.memory_space<hbm>>
        %dma_start3A_165 = tpu.memref_squeeze %dma_start3A_164 : memref<1x10112x128xf32, #tpu.memory_space<hbm>> -> memref<10112x128xf32, #tpu.memory_space<hbm>>
        %dma_start3A_166 = arith.constant 0 : i32
        %dma_start3A_167 = arith.constant 0 : i32
        %dma_start3A_168 = tpu.memref_slice %dma_start3A_165[%dma_start3A_166, %dma_start3A_167] : memref<10112x128xf32, #tpu.memory_space<hbm>> -> memref<10112x128xf32, #tpu.memory_space<hbm>>
        tpu.enqueue_indirect_dma source(%dma_start3A_168 : memref<10112x128xf32, #tpu.memory_space<hbm>>) target(%arg11 : memref<128x128xf32, #tpu.memory_space<vmem>>) offsets(%arg8 : memref<128xi32, #tpu.memory_space<vmem>>) semaphore(%run_scoped3A_162 : memref<!tpu.dma_semaphore, #tpu.memory_space<semaphore_mem>>)
        %dma_wait3A = arith.constant 0 : i32
        %dma_wait3A_169 = arith.constant 0 : i32
        %dma_wait3A_170 = tpu.memref_slice %arg4[%run_scoped3A, %dma_wait3A, %dma_wait3A_169] : memref<8x10112x128xf32, #tpu.memory_space<hbm>> -> memref<1x10112x128xf32, #tpu.memory_space<hbm>>
        %dma_wait3A_171 = tpu.memref_squeeze %dma_wait3A_170 : memref<1x10112x128xf32, #tpu.memory_space<hbm>> -> memref<10112x128xf32, #tpu.memory_space<hbm>>
        %dma_wait3A_172 = arith.constant 0 : i32
        %dma_wait3A_173 = arith.constant 0 : i32
        %dma_wait3A_174 = tpu.memref_slice %dma_wait3A_171[%dma_wait3A_172, %dma_wait3A_173] : memref<10112x128xf32, #tpu.memory_space<hbm>> -> memref<10112x128xf32, #tpu.memory_space<hbm>>
        tpu.wait_indirect_dma semaphore(%run_scoped3A_162 : memref<!tpu.dma_semaphore, #tpu.memory_space<semaphore_mem>>) src(%dma_wait3A_174 : memref<10112x128xf32, #tpu.memory_space<hbm>>) dst(%arg11 : memref<128x128xf32, #tpu.memory_space<vmem>>)
        tpu.yield
      }) : () -> ()
      %scan3A_156 = arith.constant 0 : i32
      %scan3A_157 = arith.constant 0 : i32
      %scan3A_158 = arith.constant 128 : i32
      %scan3A_159 = arith.addi %scan3A_157, %scan3A_158 : i32
      %scan3A_160 = arith.constant 1 : i32
      scf.for %scan3A_162 = %scan3A_157 to %scan3A_159 step %scan3A_160  : i32 {
        %mul3A_163 = arith.constant 16 : i32
        %mul3A_164 = arith.muli %scan3A_162, %mul3A_163 : i32
        %get3A = arith.index_cast %mul3A_164 : i32 to index
        %get3A_165 = tpu.vector_load %arg10[%get3A] {strides = array<i32>} : memref<2048xf32, #tpu.memory_space<vmem>>, vector<16xf32>,
        %get3A_166 = vector.shape_cast %get3A_165 : vector<16xf32> to vector<16xf32>
        %slice3A = vector.extract_strided_slice %get3A_166 {offsets = [3], sizes = [1], strides = [1]} : vector<16xf32> to vector<1xf32>
        %squeeze3A = vector.extract %slice3A[0] : f32 from vector<1xf32>
        %get3A_167 = arith.index_cast %scan3A_162 : i32 to index
        %get3A_168 = arith.constant 0 : index
        %get3A_169 = tpu.vector_load %arg11[%get3A_167, %get3A_168] {strides = array<i32>} : memref<128x128xf32, #tpu.memory_space<vmem>>, vector<1x16xf32>,
        %get3A_170 = vector.shape_cast %get3A_169 : vector<1x16xf32> to vector<16xf32>
        %mul3A_171 = vector.broadcast %squeeze3A : f32 to vector<16xf32>
        %mul3A_172 = arith.mulf %get3A_170, %mul3A_171 : vector<16xf32>
        %swap3A = arith.index_cast %scan3A_162 : i32 to index
        %swap3A_173 = arith.constant 0 : index
        %swap3A_174 = tpu.vector_load %arg12[%swap3A, %swap3A_173] {strides = array<i32>} : memref<128x128xf32, #tpu.memory_space<vmem>>, vector<1x16xf32>,
        %swap3A_175 = vector.shape_cast %swap3A_174 : vector<1x16xf32> to vector<16xf32>
        %swap3A_176 = vector.shape_cast %mul3A_172 : vector<16xf32> to vector<1x16xf32>
        tpu.vector_store %arg12[%swap3A, %swap3A_173], %swap3A_176 {strides = array<i32>} : memref<128x128xf32, #tpu.memory_space<vmem>>, vector<1x16xf32>,
        %get3A_177 = arith.index_cast %scan3A_162 : i32 to index
        %get3A_178 = arith.constant 16 : index
        %get3A_179 = tpu.vector_load %arg11[%get3A_177, %get3A_178] {strides = array<i32>} : memref<128x128xf32, #tpu.memory_space<vmem>>, vector<1x16xf32>,
        %get3A_180 = vector.shape_cast %get3A_179 : vector<1x16xf32> to vector<16xf32>
        %mul3A_181 = vector.broadcast %squeeze3A : f32 to vector<16xf32>
        %mul3A_182 = arith.mulf %get3A_180, %mul3A_181 : vector<16xf32>
        %swap3A_183 = arith.index_cast %scan3A_162 : i32 to index
        %swap3A_184 = arith.constant 16 : index
        %swap3A_185 = tpu.vector_load %arg12[%swap3A_183, %swap3A_184] {strides = array<i32>} : memref<128x128xf32, #tpu.memory_space<vmem>>, vector<1x16xf32>,
        %swap3A_186 = vector.shape_cast %swap3A_185 : vector<1x16xf32> to vector<16xf32>
        %swap3A_187 = vector.shape_cast %mul3A_182 : vector<16xf32> to vector<1x16xf32>
        tpu.vector_store %arg12[%swap3A_183, %swap3A_184], %swap3A_187 {strides = array<i32>} : memref<128x128xf32, #tpu.memory_space<vmem>>, vector<1x16xf32>,
        %get3A_188 = arith.index_cast %scan3A_162 : i32 to index
        %get3A_189 = arith.constant 32 : index
        %get3A_190 = tpu.vector_load %arg11[%get3A_188, %get3A_189] {strides = array<i32>} : memref<128x128xf32, #tpu.memory_space<vmem>>, vector<1x16xf32>,
        %get3A_191 = vector.shape_cast %get3A_190 : vector<1x16xf32> to vector<16xf32>
        %mul3A_192 = vector.broadcast %squeeze3A : f32 to vector<16xf32>
        %mul3A_193 = arith.mulf %get3A_191, %mul3A_192 : vector<16xf32>
        %swap3A_194 = arith.index_cast %scan3A_162 : i32 to index
        %swap3A_195 = arith.constant 32 : index
        %swap3A_196 = tpu.vector_load %arg12[%swap3A_194, %swap3A_195] {strides = array<i32>} : memref<128x128xf32, #tpu.memory_space<vmem>>, vector<1x16xf32>,
        %swap3A_197 = vector.shape_cast %swap3A_196 : vector<1x16xf32> to vector<16xf32>
        %swap3A_198 = vector.shape_cast %mul3A_193 : vector<16xf32> to vector<1x16xf32>
        tpu.vector_store %arg12[%swap3A_194, %swap3A_195], %swap3A_198 {strides = array<i32>} : memref<128x128xf32, #tpu.memory_space<vmem>>, vector<1x16xf32>,
        %get3A_199 = arith.index_cast %scan3A_162 : i32 to index
        %get3A_200 = arith.constant 48 : index
        %get3A_201 = tpu.vector_load %arg11[%get3A_199, %get3A_200] {strides = array<i32>} : memref<128x128xf32, #tpu.memory_space<vmem>>, vector<1x16xf32>,
        %get3A_202 = vector.shape_cast %get3A_201 : vector<1x16xf32> to vector<16xf32>
        %mul3A_203 = vector.broadcast %squeeze3A : f32 to vector<16xf32>
        %mul3A_204 = arith.mulf %get3A_202, %mul3A_203 : vector<16xf32>
        %swap3A_205 = arith.index_cast %scan3A_162 : i32 to index
        %swap3A_206 = arith.constant 48 : index
        %swap3A_207 = tpu.vector_load %arg12[%swap3A_205, %swap3A_206] {strides = array<i32>} : memref<128x128xf32, #tpu.memory_space<vmem>>, vector<1x16xf32>,
        %swap3A_208 = vector.shape_cast %swap3A_207 : vector<1x16xf32> to vector<16xf32>
        %swap3A_209 = vector.shape_cast %mul3A_204 : vector<16xf32> to vector<1x16xf32>
        tpu.vector_store %arg12[%swap3A_205, %swap3A_206], %swap3A_209 {strides = array<i32>} : memref<128x128xf32, #tpu.memory_space<vmem>>, vector<1x16xf32>,
        %get3A_210 = arith.index_cast %scan3A_162 : i32 to index
        %get3A_211 = arith.constant 64 : index
        %get3A_212 = tpu.vector_load %arg11[%get3A_210, %get3A_211] {strides = array<i32>} : memref<128x128xf32, #tpu.memory_space<vmem>>, vector<1x16xf32>,
        %get3A_213 = vector.shape_cast %get3A_212 : vector<1x16xf32> to vector<16xf32>
        %mul3A_214 = vector.broadcast %squeeze3A : f32 to vector<16xf32>
        %mul3A_215 = arith.mulf %get3A_213, %mul3A_214 : vector<16xf32>
        %swap3A_216 = arith.index_cast %scan3A_162 : i32 to index
        %swap3A_217 = arith.constant 64 : index
        %swap3A_218 = tpu.vector_load %arg12[%swap3A_216, %swap3A_217] {strides = array<i32>} : memref<128x128xf32, #tpu.memory_space<vmem>>, vector<1x16xf32>,
        %swap3A_219 = vector.shape_cast %swap3A_218 : vector<1x16xf32> to vector<16xf32>
        %swap3A_220 = vector.shape_cast %mul3A_215 : vector<16xf32> to vector<1x16xf32>
        tpu.vector_store %arg12[%swap3A_216, %swap3A_217], %swap3A_220 {strides = array<i32>} : memref<128x128xf32, #tpu.memory_space<vmem>>, vector<1x16xf32>,
        %get3A_221 = arith.index_cast %scan3A_162 : i32 to index
        %get3A_222 = arith.constant 80 : index
        %get3A_223 = tpu.vector_load %arg11[%get3A_221, %get3A_222] {strides = array<i32>} : memref<128x128xf32, #tpu.memory_space<vmem>>, vector<1x16xf32>,
        %get3A_224 = vector.shape_cast %get3A_223 : vector<1x16xf32> to vector<16xf32>
        %mul3A_225 = vector.broadcast %squeeze3A : f32 to vector<16xf32>
        %mul3A_226 = arith.mulf %get3A_224, %mul3A_225 : vector<16xf32>
        %swap3A_227 = arith.index_cast %scan3A_162 : i32 to index
        %swap3A_228 = arith.constant 80 : index
        %swap3A_229 = tpu.vector_load %arg12[%swap3A_227, %swap3A_228] {strides = array<i32>} : memref<128x128xf32, #tpu.memory_space<vmem>>, vector<1x16xf32>,
        %swap3A_230 = vector.shape_cast %swap3A_229 : vector<1x16xf32> to vector<16xf32>
        %swap3A_231 = vector.shape_cast %mul3A_226 : vector<16xf32> to vector<1x16xf32>
        tpu.vector_store %arg12[%swap3A_227, %swap3A_228], %swap3A_231 {strides = array<i32>} : memref<128x128xf32, #tpu.memory_space<vmem>>, vector<1x16xf32>,
        %get3A_232 = arith.index_cast %scan3A_162 : i32 to index
        %get3A_233 = arith.constant 96 : index
        %get3A_234 = tpu.vector_load %arg11[%get3A_232, %get3A_233] {strides = array<i32>} : memref<128x128xf32, #tpu.memory_space<vmem>>, vector<1x16xf32>,
        %get3A_235 = vector.shape_cast %get3A_234 : vector<1x16xf32> to vector<16xf32>
        %mul3A_236 = vector.broadcast %squeeze3A : f32 to vector<16xf32>
        %mul3A_237 = arith.mulf %get3A_235, %mul3A_236 : vector<16xf32>
        %swap3A_238 = arith.index_cast %scan3A_162 : i32 to index
        %swap3A_239 = arith.constant 96 : index
        %swap3A_240 = tpu.vector_load %arg12[%swap3A_238, %swap3A_239] {strides = array<i32>} : memref<128x128xf32, #tpu.memory_space<vmem>>, vector<1x16xf32>,
        %swap3A_241 = vector.shape_cast %swap3A_240 : vector<1x16xf32> to vector<16xf32>
        %swap3A_242 = vector.shape_cast %mul3A_237 : vector<16xf32> to vector<1x16xf32>
        tpu.vector_store %arg12[%swap3A_238, %swap3A_239], %swap3A_242 {strides = array<i32>} : memref<128x128xf32, #tpu.memory_space<vmem>>, vector<1x16xf32>,
        %get3A_243 = arith.index_cast %scan3A_162 : i32 to index
        %get3A_244 = arith.constant 112 : index
        %get3A_245 = tpu.vector_load %arg11[%get3A_243, %get3A_244] {strides = array<i32>} : memref<128x128xf32, #tpu.memory_space<vmem>>, vector<1x16xf32>,
        %get3A_246 = vector.shape_cast %get3A_245 : vector<1x16xf32> to vector<16xf32>
        %mul3A_247 = vector.broadcast %squeeze3A : f32 to vector<16xf32>
        %mul3A_248 = arith.mulf %get3A_246, %mul3A_247 : vector<16xf32>
        %swap3A_249 = arith.index_cast %scan3A_162 : i32 to index
        %swap3A_250 = arith.constant 112 : index
        %swap3A_251 = tpu.vector_load %arg12[%swap3A_249, %swap3A_250] {strides = array<i32>} : memref<128x128xf32, #tpu.memory_space<vmem>>, vector<1x16xf32>,
        %swap3A_252 = vector.shape_cast %swap3A_251 : vector<1x16xf32> to vector<16xf32>
        %swap3A_253 = vector.shape_cast %mul3A_248 : vector<16xf32> to vector<1x16xf32>
        tpu.vector_store %arg12[%swap3A_249, %swap3A_250], %swap3A_253 {strides = array<i32>} : memref<128x128xf32, #tpu.memory_space<vmem>>, vector<1x16xf32>,
      }
      %scan3A_161 = arith.constant 128 : i32
      "tpu.region"() ({
        %run_scoped3A_162 = tpu.sem_alloc : memref<!tpu.dma_semaphore, #tpu.memory_space<semaphore_mem>>
        %dma_start3A = arith.constant 0 : i32
        %dma_start3A_163 = arith.constant 0 : i32
        %dma_start3A_164 = tpu.memref_slice %arg13[%dma_start3A, %dma_start3A_163] : memref<10112x128xf32, #tpu.memory_space<vmem_shared>> -> memref<10112x128xf32, #tpu.memory_space<vmem_shared>>
        tpu.enqueue_indirect_dma source(%arg12 : memref<128x128xf32, #tpu.memory_space<vmem>>) target(%dma_start3A_164 : memref<10112x128xf32, #tpu.memory_space<vmem_shared>>) offsets(%arg9 : memref<128xi32, #tpu.memory_space<vmem>>) semaphore(%run_scoped3A_162 : memref<!tpu.dma_semaphore, #tpu.memory_space<semaphore_mem>>) {add = true}
        %dma_wait3A = arith.constant 0 : i32
        %dma_wait3A_165 = arith.constant 0 : i32
        %dma_wait3A_166 = tpu.memref_slice %arg13[%dma_wait3A, %dma_wait3A_165] : memref<10112x128xf32, #tpu.memory_space<vmem_shared>> -> memref<10112x128xf32, #tpu.memory_space<vmem_shared>>
        tpu.wait_indirect_dma semaphore(%run_scoped3A_162 : memref<!tpu.dma_semaphore, #tpu.memory_space<semaphore_mem>>) src(%arg12 : memref<128x128xf32, #tpu.memory_space<vmem>>) dst(%dma_wait3A_166 : memref<10112x128xf32, #tpu.memory_space<vmem_shared>>)
        tpu.yield
      }) : () -> ()
    }
    %scan3A_140 = arith.constant 40 : i32
    %barrier3A_141 = arith.constant 0 : index
    tpu.barrier barrier_id(%barrier3A_141)
    %eq3A_142 = arith.constant 0 : i32
    %eq3A_143 = arith.cmpi eq, %arg1, %eq3A_142 : i32
    %convert_element_type3A_144 = arith.extui %eq3A_143 : i1 to i32
    %cond3A_145 = arith.constant 0 : i32
    %cond3A_146 = arith.cmpi ne, %convert_element_type3A_144, %cond3A_145 : i32
    scf.if %cond3A_146 {
      %run_scoped3A = arith.constant 7 : i32
      "tpu.region"() ({
        %run_scoped3A_148 = tpu.sem_alloc : memref<!tpu.dma_semaphore, #tpu.memory_space<semaphore_mem>>
        %dma_start3A = arith.constant 0 : i32
        %dma_start3A_149 = arith.constant 0 : i32
        %dma_start3A_150 = arith.constant 0 : i32
        %dma_start3A_151 = tpu.memref_slice %arg7[%arg0, %dma_start3A, %dma_start3A_149, %dma_start3A_150] : memref<2x8x10112x128xf32, #tpu.memory_space<hbm>> -> memref<1x8x10112x128xf32, #tpu.memory_space<hbm>>
        %dma_start3A_152 = tpu.memref_squeeze %dma_start3A_151 : memref<1x8x10112x128xf32, #tpu.memory_space<hbm>> -> memref<8x10112x128xf32, #tpu.memory_space<hbm>>
        %dma_start3A_153 = arith.constant 0 : i32
        %dma_start3A_154 = arith.constant 0 : i32
        %dma_start3A_155 = tpu.memref_slice %dma_start3A_152[%run_scoped3A, %dma_start3A_153, %dma_start3A_154] : memref<8x10112x128xf32, #tpu.memory_space<hbm>> -> memref<1x10112x128xf32, #tpu.memory_space<hbm>>
        %dma_start3A_156 = tpu.memref_squeeze %dma_start3A_155 : memref<1x10112x128xf32, #tpu.memory_space<hbm>> -> memref<10112x128xf32, #tpu.memory_space<hbm>>
        tpu.enqueue_dma source(%arg13 : memref<10112x128xf32, #tpu.memory_space<vmem_shared>>) target(%dma_start3A_156 : memref<10112x128xf32, #tpu.memory_space<hbm>>) target_semaphore(%run_scoped3A_148 : memref<!tpu.dma_semaphore, #tpu.memory_space<semaphore_mem>>)
        %dma_wait3A = arith.constant 0 : i32
        %dma_wait3A_157 = arith.constant 0 : i32
        %dma_wait3A_158 = arith.constant 0 : i32
        %dma_wait3A_159 = tpu.memref_slice %arg7[%arg0, %dma_wait3A, %dma_wait3A_157, %dma_wait3A_158] : memref<2x8x10112x128xf32, #tpu.memory_space<hbm>> -> memref<1x8x10112x128xf32, #tpu.memory_space<hbm>>
        %dma_wait3A_160 = tpu.memref_squeeze %dma_wait3A_159 : memref<1x8x10112x128xf32, #tpu.memory_space<hbm>> -> memref<8x10112x128xf32, #tpu.memory_space<hbm>>
        %dma_wait3A_161 = arith.constant 0 : i32
        %dma_wait3A_162 = arith.constant 0 : i32
        %dma_wait3A_163 = tpu.memref_slice %dma_wait3A_160[%run_scoped3A, %dma_wait3A_161, %dma_wait3A_162] : memref<8x10112x128xf32, #tpu.memory_space<hbm>> -> memref<1x10112x128xf32, #tpu.memory_space<hbm>>
        %dma_wait3A_164 = tpu.memref_squeeze %dma_wait3A_163 : memref<1x10112x128xf32, #tpu.memory_space<hbm>> -> memref<10112x128xf32, #tpu.memory_space<hbm>>
        tpu.wait_dma2 semaphore(%run_scoped3A_148 : memref<!tpu.dma_semaphore, #tpu.memory_space<semaphore_mem>>) src(%arg13 : memref<10112x128xf32, #tpu.memory_space<vmem_shared>>) dst(%dma_wait3A_164 : memref<10112x128xf32, #tpu.memory_space<hbm>>)
        tpu.yield
      }) : () -> ()
    } else {
    }
    %barrier3A_147 = arith.constant 0 : index
    tpu.barrier barrier_id(%barrier3A_147)
    return
  }
}

#map = affine_map<(d0, d1) -> (0)>
#map1 = affine_map<(d0, d1) -> (0, 0)>
#map2 = affine_map<(d0, d1) -> (0, 0, 0)>
module attributes {stable_mosaic.version = 14 : i64} {
  func.func @_s1_body(%arg0: i32, %arg1: i32, %arg2: memref<163840xi32, #tpu.memory_space<hbm>>, %arg3: memref<163840xi32, #tpu.memory_space<hbm>>, %arg4: memref<10112x128xf32, #tpu.memory_space<hbm>>, %arg5: memref<2621440xf32, #tpu.memory_space<hbm>>, %arg6: memref<10112x128xf32, #tpu.memory_space<hbm>>, %arg7: memref<2621440xf32, #tpu.memory_space<hbm>>, %arg8: memref<2x10112x128xf32, #tpu.memory_space<hbm>>, %arg9: memref<64xi32, #tpu.memory_space<vmem>>, %arg10: memref<64xi32, #tpu.memory_space<vmem>>, %arg11: memref<64x128xf32, #tpu.memory_space<vmem>>, %arg12: memref<64x128xf32, #tpu.memory_space<vmem>>, %arg13: memref<1024xf32, #tpu.memory_space<vmem>>, %arg14: memref<1024xf32, #tpu.memory_space<vmem>>, %arg15: memref<64x128xf32, #tpu.memory_space<vmem>>, %arg16: memref<10112x128xf32, #tpu.memory_space<vmem_shared>>) attributes {dimension_semantics = [#tpu.dimension_semantics<core_parallel>, #tpu.dimension_semantics<subcore_parallel>], iteration_bounds = array<i64: 2, 16>, scalar_prefetch = 0 : i64, scratch_operands = 8 : i64, tpu.core_type = #tpu.core_type<sc_vector_subcore>, window_params = [{transform_indices = #map}, {transform_indices = #map}, {transform_indices = #map1}, {transform_indices = #map}, {transform_indices = #map1}, {transform_indices = #map}, {transform_indices = #map2}]} {
    %mul3A = arith.constant 2 : i32
    %mul3A_0 = arith.muli %arg1, %mul3A : i32
    %add3A = arith.addi %mul3A_0, %arg0 : i32
    %eq3A = arith.constant 0 : i32
    %eq3A_1 = arith.cmpi eq, %arg1, %eq3A : i32
    %convert_element_type3A = arith.extui %eq3A_1 : i1 to i32
    %cond3A = arith.constant 0 : i32
    %cond3A_2 = arith.cmpi ne, %convert_element_type3A, %cond3A : i32
    scf.if %cond3A_2 {
      "tpu.region"() ({
        %run_scoped3A = tpu.sem_alloc : memref<!tpu.dma_semaphore, #tpu.memory_space<semaphore_mem>>
        tpu.enqueue_dma source(%arg6 : memref<10112x128xf32, #tpu.memory_space<hbm>>) target(%arg16 : memref<10112x128xf32, #tpu.memory_space<vmem_shared>>) target_semaphore(%run_scoped3A : memref<!tpu.dma_semaphore, #tpu.memory_space<semaphore_mem>>)
        tpu.wait_dma2 semaphore(%run_scoped3A : memref<!tpu.dma_semaphore, #tpu.memory_space<semaphore_mem>>) src(%arg6 : memref<10112x128xf32, #tpu.memory_space<hbm>>) dst(%arg16 : memref<10112x128xf32, #tpu.memory_space<vmem_shared>>)
        tpu.yield
      }) : () -> ()
    } else {
    }
    "tpu.region"() ({
      %run_scoped3A = tpu.sem_alloc : memref<!tpu.dma_semaphore, #tpu.memory_space<semaphore_mem>>
      %dma_start3A = arith.constant 0 : i32
      %dma_start3A_14 = arith.constant 0 : i32
      %dma_start3A_15 = tpu.memref_slice %arg6[%dma_start3A, %dma_start3A_14] : memref<10112x128xf32, #tpu.memory_space<hbm>> -> memref<64x128xf32, #tpu.memory_space<hbm>>
      %dma_start3A_16 = arith.constant 0 : i32
      %dma_start3A_17 = arith.constant 0 : i32
      %dma_start3A_18 = tpu.memref_slice %arg6[%dma_start3A_16, %dma_start3A_17] : memref<10112x128xf32, #tpu.memory_space<hbm>> -> memref<64x128xf32, #tpu.memory_space<hbm>>
      tpu.enqueue_dma source(%dma_start3A_18 : memref<64x128xf32, #tpu.memory_space<hbm>>) target(%arg15 : memref<64x128xf32, #tpu.memory_space<vmem>>) target_semaphore(%run_scoped3A : memref<!tpu.dma_semaphore, #tpu.memory_space<semaphore_mem>>)
      %dma_wait3A = arith.constant 0 : i32
      %dma_wait3A_19 = arith.constant 0 : i32
      %dma_wait3A_20 = tpu.memref_slice %arg6[%dma_wait3A, %dma_wait3A_19] : memref<10112x128xf32, #tpu.memory_space<hbm>> -> memref<64x128xf32, #tpu.memory_space<hbm>>
      %dma_wait3A_21 = arith.constant 0 : i32
      %dma_wait3A_22 = arith.constant 0 : i32
      %dma_wait3A_23 = tpu.memref_slice %arg6[%dma_wait3A_21, %dma_wait3A_22] : memref<10112x128xf32, #tpu.memory_space<hbm>> -> memref<64x128xf32, #tpu.memory_space<hbm>>
      tpu.wait_dma2 semaphore(%run_scoped3A : memref<!tpu.dma_semaphore, #tpu.memory_space<semaphore_mem>>) src(%dma_wait3A_23 : memref<64x128xf32, #tpu.memory_space<hbm>>) dst(%arg15 : memref<64x128xf32, #tpu.memory_space<vmem>>)
      tpu.yield
    }) : () -> ()
    %barrier3A = arith.constant 0 : index
    tpu.barrier barrier_id(%barrier3A)
    %scan3A = arith.constant 0 : i32
    %scan3A_3 = arith.constant 0 : i32
    %scan3A_4 = arith.constant 80 : i32
    %scan3A_5 = arith.addi %scan3A_3, %scan3A_4 : i32
    %scan3A_6 = arith.constant 1 : i32
    scf.for %scan3A_14 = %scan3A_3 to %scan3A_5 step %scan3A_6  : i32 {
      %mul3A_15 = arith.constant 80 : i32
      %mul3A_16 = arith.muli %add3A, %mul3A_15 : i32
      %add3A_17 = arith.addi %mul3A_16, %scan3A_14 : i32
      %mul3A_18 = arith.constant 64 : i32
      %mul3A_19 = arith.muli %add3A_17, %mul3A_18 : i32
      "tpu.region"() ({
        %run_scoped3A = tpu.sem_alloc : memref<!tpu.dma_semaphore, #tpu.memory_space<semaphore_mem>>
        %dma_start3A = tpu.memref_slice %arg2[%mul3A_19] : memref<163840xi32, #tpu.memory_space<hbm>> -> memref<64xi32, #tpu.memory_space<hbm>>
        %dma_start3A_30 = tpu.memref_slice %arg2[%mul3A_19] : memref<163840xi32, #tpu.memory_space<hbm>> -> memref<64xi32, #tpu.memory_space<hbm>>
        tpu.enqueue_dma source(%dma_start3A_30 : memref<64xi32, #tpu.memory_space<hbm>>) target(%arg9 : memref<64xi32, #tpu.memory_space<vmem>>) target_semaphore(%run_scoped3A : memref<!tpu.dma_semaphore, #tpu.memory_space<semaphore_mem>>)
        %dma_wait3A = tpu.memref_slice %arg2[%mul3A_19] : memref<163840xi32, #tpu.memory_space<hbm>> -> memref<64xi32, #tpu.memory_space<hbm>>
        %dma_wait3A_31 = tpu.memref_slice %arg2[%mul3A_19] : memref<163840xi32, #tpu.memory_space<hbm>> -> memref<64xi32, #tpu.memory_space<hbm>>
        tpu.wait_dma2 semaphore(%run_scoped3A : memref<!tpu.dma_semaphore, #tpu.memory_space<semaphore_mem>>) src(%dma_wait3A_31 : memref<64xi32, #tpu.memory_space<hbm>>) dst(%arg9 : memref<64xi32, #tpu.memory_space<vmem>>)
        tpu.yield
      }) : () -> ()
      "tpu.region"() ({
        %run_scoped3A = tpu.sem_alloc : memref<!tpu.dma_semaphore, #tpu.memory_space<semaphore_mem>>
        %dma_start3A = tpu.memref_slice %arg3[%mul3A_19] : memref<163840xi32, #tpu.memory_space<hbm>> -> memref<64xi32, #tpu.memory_space<hbm>>
        %dma_start3A_30 = tpu.memref_slice %arg3[%mul3A_19] : memref<163840xi32, #tpu.memory_space<hbm>> -> memref<64xi32, #tpu.memory_space<hbm>>
        tpu.enqueue_dma source(%dma_start3A_30 : memref<64xi32, #tpu.memory_space<hbm>>) target(%arg10 : memref<64xi32, #tpu.memory_space<vmem>>) target_semaphore(%run_scoped3A : memref<!tpu.dma_semaphore, #tpu.memory_space<semaphore_mem>>)
        %dma_wait3A = tpu.memref_slice %arg3[%mul3A_19] : memref<163840xi32, #tpu.memory_space<hbm>> -> memref<64xi32, #tpu.memory_space<hbm>>
        %dma_wait3A_31 = tpu.memref_slice %arg3[%mul3A_19] : memref<163840xi32, #tpu.memory_space<hbm>> -> memref<64xi32, #tpu.memory_space<hbm>>
        tpu.wait_dma2 semaphore(%run_scoped3A : memref<!tpu.dma_semaphore, #tpu.memory_space<semaphore_mem>>) src(%dma_wait3A_31 : memref<64xi32, #tpu.memory_space<hbm>>) dst(%arg10 : memref<64xi32, #tpu.memory_space<vmem>>)
        tpu.yield
      }) : () -> ()
      %mul3A_20 = arith.constant 16 : i32
      %mul3A_21 = arith.muli %mul3A_19, %mul3A_20 : i32
      "tpu.region"() ({
        %run_scoped3A = tpu.sem_alloc : memref<!tpu.dma_semaphore, #tpu.memory_space<semaphore_mem>>
        %dma_start3A = tpu.memref_slice %arg5[%mul3A_21] : memref<2621440xf32, #tpu.memory_space<hbm>> -> memref<1024xf32, #tpu.memory_space<hbm>>
        %dma_start3A_30 = tpu.memref_slice %arg5[%mul3A_21] : memref<2621440xf32, #tpu.memory_space<hbm>> -> memref<1024xf32, #tpu.memory_space<hbm>>
        tpu.enqueue_dma source(%dma_start3A_30 : memref<1024xf32, #tpu.memory_space<hbm>>) target(%arg13 : memref<1024xf32, #tpu.memory_space<vmem>>) target_semaphore(%run_scoped3A : memref<!tpu.dma_semaphore, #tpu.memory_space<semaphore_mem>>)
        %dma_wait3A = tpu.memref_slice %arg5[%mul3A_21] : memref<2621440xf32, #tpu.memory_space<hbm>> -> memref<1024xf32, #tpu.memory_space<hbm>>
        %dma_wait3A_31 = tpu.memref_slice %arg5[%mul3A_21] : memref<2621440xf32, #tpu.memory_space<hbm>> -> memref<1024xf32, #tpu.memory_space<hbm>>
        tpu.wait_dma2 semaphore(%run_scoped3A : memref<!tpu.dma_semaphore, #tpu.memory_space<semaphore_mem>>) src(%dma_wait3A_31 : memref<1024xf32, #tpu.memory_space<hbm>>) dst(%arg13 : memref<1024xf32, #tpu.memory_space<vmem>>)
        tpu.yield
      }) : () -> ()
      "tpu.region"() ({
        %run_scoped3A = tpu.sem_alloc : memref<!tpu.dma_semaphore, #tpu.memory_space<semaphore_mem>>
        %dma_start3A = arith.constant 0 : i32
        %dma_start3A_30 = arith.constant 0 : i32
        %dma_start3A_31 = tpu.memref_slice %arg4[%dma_start3A, %dma_start3A_30] : memref<10112x128xf32, #tpu.memory_space<hbm>> -> memref<10112x128xf32, #tpu.memory_space<hbm>>
        tpu.enqueue_indirect_dma source(%dma_start3A_31 : memref<10112x128xf32, #tpu.memory_space<hbm>>) target(%arg11 : memref<64x128xf32, #tpu.memory_space<vmem>>) offsets(%arg9 : memref<64xi32, #tpu.memory_space<vmem>>) semaphore(%run_scoped3A : memref<!tpu.dma_semaphore, #tpu.memory_space<semaphore_mem>>)
        %dma_wait3A = arith.constant 0 : i32
        %dma_wait3A_32 = arith.constant 0 : i32
        %dma_wait3A_33 = tpu.memref_slice %arg4[%dma_wait3A, %dma_wait3A_32] : memref<10112x128xf32, #tpu.memory_space<hbm>> -> memref<10112x128xf32, #tpu.memory_space<hbm>>
        tpu.wait_indirect_dma semaphore(%run_scoped3A : memref<!tpu.dma_semaphore, #tpu.memory_space<semaphore_mem>>) src(%dma_wait3A_33 : memref<10112x128xf32, #tpu.memory_space<hbm>>) dst(%arg11 : memref<64x128xf32, #tpu.memory_space<vmem>>)
        tpu.yield
      }) : () -> ()
      "tpu.region"() ({
        %run_scoped3A = tpu.sem_alloc : memref<!tpu.dma_semaphore, #tpu.memory_space<semaphore_mem>>
        %dma_start3A = arith.constant 0 : i32
        %dma_start3A_30 = arith.constant 0 : i32
        %dma_start3A_31 = tpu.memref_slice %arg4[%dma_start3A, %dma_start3A_30] : memref<10112x128xf32, #tpu.memory_space<hbm>> -> memref<10112x128xf32, #tpu.memory_space<hbm>>
        tpu.enqueue_indirect_dma source(%dma_start3A_31 : memref<10112x128xf32, #tpu.memory_space<hbm>>) target(%arg12 : memref<64x128xf32, #tpu.memory_space<vmem>>) offsets(%arg10 : memref<64xi32, #tpu.memory_space<vmem>>) semaphore(%run_scoped3A : memref<!tpu.dma_semaphore, #tpu.memory_space<semaphore_mem>>)
        %dma_wait3A = arith.constant 0 : i32
        %dma_wait3A_32 = arith.constant 0 : i32
        %dma_wait3A_33 = tpu.memref_slice %arg4[%dma_wait3A, %dma_wait3A_32] : memref<10112x128xf32, #tpu.memory_space<hbm>> -> memref<10112x128xf32, #tpu.memory_space<hbm>>
        tpu.wait_indirect_dma semaphore(%run_scoped3A : memref<!tpu.dma_semaphore, #tpu.memory_space<semaphore_mem>>) src(%dma_wait3A_33 : memref<10112x128xf32, #tpu.memory_space<hbm>>) dst(%arg12 : memref<64x128xf32, #tpu.memory_space<vmem>>)
        tpu.yield
      }) : () -> ()
      %scan3A_22 = arith.constant 0 : i32
      %scan3A_23 = arith.constant 0 : i32
      %scan3A_24 = arith.constant 64 : i32
      %scan3A_25 = arith.addi %scan3A_23, %scan3A_24 : i32
      %scan3A_26 = arith.constant 1 : i32
      scf.for %scan3A_30 = %scan3A_23 to %scan3A_25 step %scan3A_26  : i32 {
        %mul3A_31 = arith.constant 16 : i32
        %mul3A_32 = arith.muli %scan3A_30, %mul3A_31 : i32
        %get3A = arith.index_cast %mul3A_32 : i32 to index
        %get3A_33 = tpu.vector_load %arg13[%get3A] {strides = array<i32>} : memref<1024xf32, #tpu.memory_space<vmem>>, vector<16xf32>,
        %get3A_34 = vector.shape_cast %get3A_33 : vector<16xf32> to vector<16xf32>
        %get3A_35 = arith.index_cast %scan3A_30 : i32 to index
        %get3A_36 = arith.constant 0 : index
        %get3A_37 = tpu.vector_load %arg11[%get3A_35, %get3A_36] {strides = array<i32>} : memref<64x128xf32, #tpu.memory_space<vmem>>, vector<1x16xf32>,
        %get3A_38 = vector.shape_cast %get3A_37 : vector<1x16xf32> to vector<16xf32>
        %get3A_39 = arith.index_cast %scan3A_30 : i32 to index
        %get3A_40 = arith.constant 16 : index
        %get3A_41 = tpu.vector_load %arg12[%get3A_39, %get3A_40] {strides = array<i32>} : memref<64x128xf32, #tpu.memory_space<vmem>>, vector<1x16xf32>,
        %get3A_42 = vector.shape_cast %get3A_41 : vector<1x16xf32> to vector<16xf32>
        %add3A_43 = arith.addf %get3A_38, %get3A_42 : vector<16xf32>
        %add3A_44 = arith.addf %add3A_43, %get3A_34 : vector<16xf32>
        %gt3A = arith.constant 0.000000e+00 : f32
        %gt3A_45 = vector.broadcast %gt3A : f32 to vector<16xf32>
        %gt3A_46 = arith.cmpf ogt, %add3A_44, %gt3A_45 : vector<16xf32>
        %mul3A_47 = arith.constant 2.000000e-01 : f32
        %mul3A_48 = vector.broadcast %mul3A_47 : f32 to vector<16xf32>
        %mul3A_49 = arith.mulf %mul3A_48, %add3A_44 : vector<16xf32>
        %select_n3A = arith.select %gt3A_46, %add3A_44, %mul3A_49 : vector<16xi1>, vector<16xf32>
        %exp3A = math.exp %select_n3A : vector<16xf32>
        %mul3A_50 = arith.constant 16 : i32
        %mul3A_51 = arith.muli %scan3A_30, %mul3A_50 : i32
        %swap3A = arith.index_cast %mul3A_51 : i32 to index
        %swap3A_52 = tpu.vector_load %arg14[%swap3A] {strides = array<i32>} : memref<1024xf32, #tpu.memory_space<vmem>>, vector<16xf32>,
        %swap3A_53 = vector.shape_cast %swap3A_52 : vector<16xf32> to vector<16xf32>
        %swap3A_54 = vector.shape_cast %exp3A : vector<16xf32> to vector<16xf32>
        tpu.vector_store %arg14[%swap3A], %swap3A_54 {strides = array<i32>} : memref<1024xf32, #tpu.memory_space<vmem>>, vector<16xf32>,
        %swap3A_55 = arith.index_cast %scan3A_30 : i32 to index
        %swap3A_56 = arith.constant 0 : index
        %swap3A_57 = tpu.vector_load %arg15[%swap3A_55, %swap3A_56] {strides = array<i32>} : memref<64x128xf32, #tpu.memory_space<vmem>>, vector<1x16xf32>,
        %swap3A_58 = vector.shape_cast %swap3A_57 : vector<1x16xf32> to vector<16xf32>
        %swap3A_59 = vector.shape_cast %exp3A : vector<16xf32> to vector<1x16xf32>
        tpu.vector_store %arg15[%swap3A_55, %swap3A_56], %swap3A_59 {strides = array<i32>} : memref<64x128xf32, #tpu.memory_space<vmem>>, vector<1x16xf32>,
        %swap3A_60 = arith.index_cast %scan3A_30 : i32 to index
        %swap3A_61 = arith.constant 16 : index
        %swap3A_62 = tpu.vector_load %arg15[%swap3A_60, %swap3A_61] {strides = array<i32>} : memref<64x128xf32, #tpu.memory_space<vmem>>, vector<1x16xf32>,
        %swap3A_63 = vector.shape_cast %swap3A_62 : vector<1x16xf32> to vector<16xf32>
        %swap3A_64 = vector.shape_cast %get3A_34 : vector<16xf32> to vector<1x16xf32>
        tpu.vector_store %arg15[%swap3A_60, %swap3A_61], %swap3A_64 {strides = array<i32>} : memref<64x128xf32, #tpu.memory_space<vmem>>, vector<1x16xf32>,
      }
      %scan3A_27 = arith.constant 64 : i32
      "tpu.region"() ({
        %run_scoped3A = tpu.sem_alloc : memref<!tpu.dma_semaphore, #tpu.memory_space<semaphore_mem>>
        %dma_start3A = arith.constant 0 : i32
        %dma_start3A_30 = arith.constant 0 : i32
        %dma_start3A_31 = tpu.memref_slice %arg16[%dma_start3A, %dma_start3A_30] : memref<10112x128xf32, #tpu.memory_space<vmem_shared>> -> memref<10112x128xf32, #tpu.memory_space<vmem_shared>>
        tpu.enqueue_indirect_dma source(%arg15 : memref<64x128xf32, #tpu.memory_space<vmem>>) target(%dma_start3A_31 : memref<10112x128xf32, #tpu.memory_space<vmem_shared>>) offsets(%arg10 : memref<64xi32, #tpu.memory_space<vmem>>) semaphore(%run_scoped3A : memref<!tpu.dma_semaphore, #tpu.memory_space<semaphore_mem>>) {add = true}
        %dma_wait3A = arith.constant 0 : i32
        %dma_wait3A_32 = arith.constant 0 : i32
        %dma_wait3A_33 = tpu.memref_slice %arg16[%dma_wait3A, %dma_wait3A_32] : memref<10112x128xf32, #tpu.memory_space<vmem_shared>> -> memref<10112x128xf32, #tpu.memory_space<vmem_shared>>
        tpu.wait_indirect_dma semaphore(%run_scoped3A : memref<!tpu.dma_semaphore, #tpu.memory_space<semaphore_mem>>) src(%arg15 : memref<64x128xf32, #tpu.memory_space<vmem>>) dst(%dma_wait3A_33 : memref<10112x128xf32, #tpu.memory_space<vmem_shared>>)
        tpu.yield
      }) : () -> ()
      %mul3A_28 = arith.constant 16 : i32
      %mul3A_29 = arith.muli %mul3A_19, %mul3A_28 : i32
      "tpu.region"() ({
        %run_scoped3A = tpu.sem_alloc : memref<!tpu.dma_semaphore, #tpu.memory_space<semaphore_mem>>
        %dma_start3A = tpu.memref_slice %arg7[%mul3A_29] : memref<2621440xf32, #tpu.memory_space<hbm>> -> memref<1024xf32, #tpu.memory_space<hbm>>
        %dma_start3A_30 = tpu.memref_slice %arg7[%mul3A_29] : memref<2621440xf32, #tpu.memory_space<hbm>> -> memref<1024xf32, #tpu.memory_space<hbm>>
        tpu.enqueue_dma source(%arg14 : memref<1024xf32, #tpu.memory_space<vmem>>) target(%dma_start3A_30 : memref<1024xf32, #tpu.memory_space<hbm>>) target_semaphore(%run_scoped3A : memref<!tpu.dma_semaphore, #tpu.memory_space<semaphore_mem>>)
        %dma_wait3A = tpu.memref_slice %arg7[%mul3A_29] : memref<2621440xf32, #tpu.memory_space<hbm>> -> memref<1024xf32, #tpu.memory_space<hbm>>
        %dma_wait3A_31 = tpu.memref_slice %arg7[%mul3A_29] : memref<2621440xf32, #tpu.memory_space<hbm>> -> memref<1024xf32, #tpu.memory_space<hbm>>
        tpu.wait_dma2 semaphore(%run_scoped3A : memref<!tpu.dma_semaphore, #tpu.memory_space<semaphore_mem>>) src(%arg14 : memref<1024xf32, #tpu.memory_space<vmem>>) dst(%dma_wait3A_31 : memref<1024xf32, #tpu.memory_space<hbm>>)
        tpu.yield
      }) : () -> ()
    }
    %scan3A_7 = arith.constant 80 : i32
    %barrier3A_8 = arith.constant 0 : index
    tpu.barrier barrier_id(%barrier3A_8)
    %eq3A_9 = arith.constant 0 : i32
    %eq3A_10 = arith.cmpi eq, %arg1, %eq3A_9 : i32
    %convert_element_type3A_11 = arith.extui %eq3A_10 : i1 to i32
    %cond3A_12 = arith.constant 0 : i32
    %cond3A_13 = arith.cmpi ne, %convert_element_type3A_11, %cond3A_12 : i32
    scf.if %cond3A_13 {
      "tpu.region"() ({
        %run_scoped3A = tpu.sem_alloc : memref<!tpu.dma_semaphore, #tpu.memory_space<semaphore_mem>>
        %dma_start3A = arith.constant 0 : i32
        %dma_start3A_14 = arith.constant 0 : i32
        %dma_start3A_15 = tpu.memref_slice %arg8[%arg0, %dma_start3A, %dma_start3A_14] : memref<2x10112x128xf32, #tpu.memory_space<hbm>> -> memref<1x10112x128xf32, #tpu.memory_space<hbm>>
        %dma_start3A_16 = tpu.memref_squeeze %dma_start3A_15 : memref<1x10112x128xf32, #tpu.memory_space<hbm>> -> memref<10112x128xf32, #tpu.memory_space<hbm>>
        tpu.enqueue_dma source(%arg16 : memref<10112x128xf32, #tpu.memory_space<vmem_shared>>) target(%dma_start3A_16 : memref<10112x128xf32, #tpu.memory_space<hbm>>) target_semaphore(%run_scoped3A : memref<!tpu.dma_semaphore, #tpu.memory_space<semaphore_mem>>)
        %dma_wait3A = arith.constant 0 : i32
        %dma_wait3A_17 = arith.constant 0 : i32
        %dma_wait3A_18 = tpu.memref_slice %arg8[%arg0, %dma_wait3A, %dma_wait3A_17] : memref<2x10112x128xf32, #tpu.memory_space<hbm>> -> memref<1x10112x128xf32, #tpu.memory_space<hbm>>
        %dma_wait3A_19 = tpu.memref_squeeze %dma_wait3A_18 : memref<1x10112x128xf32, #tpu.memory_space<hbm>> -> memref<10112x128xf32, #tpu.memory_space<hbm>>
        tpu.wait_dma2 semaphore(%run_scoped3A : memref<!tpu.dma_semaphore, #tpu.memory_space<semaphore_mem>>) src(%arg16 : memref<10112x128xf32, #tpu.memory_space<vmem_shared>>) dst(%dma_wait3A_19 : memref<10112x128xf32, #tpu.memory_space<hbm>>)
        tpu.yield
      }) : () -> ()
    } else {
    }
    return
  }
}

module attributes {stable_mosaic.version = 14 : i64} {
  func.func @_k1b_body(%arg0: i32, %arg1: memref<1000x256xf32, #tpu.memory_space<vmem>>, %arg2: memref<256x128xf32, #tpu.memory_space<vmem>>, %arg3: memref<1000x128xf32, #tpu.memory_space<vmem>>) attributes {dimension_semantics = [#tpu.dimension_semantics<arbitrary>], iteration_bounds = array<i64: 10>, scalar_prefetch = 0 : i64, scratch_operands = 0 : i64, tpu.core_type = #tpu.core_type<tc>, window_params = [{transform_indices = @transform_0, window_bounds = array<i64: 1000, 256>}, {pipeline_mode = #tpu.pipeline_mode<synchronous>, transform_indices = @transform_1, window_bounds = array<i64: 256, 128>}, {transform_indices = @transform_2, window_bounds = array<i64: 1000, 128>}]} {
    %get3A = arith.constant 0 : index
    %get3A_0 = arith.constant 0 : index
    %get3A_1 = vector.load %arg1[%get3A, %get3A_0] : memref<1000x256xf32, #tpu.memory_space<vmem>>, vector<1000x256xf32>
    %get3A_2 = arith.constant 0 : index
    %get3A_3 = arith.constant 0 : index
    %get3A_4 = vector.load %arg2[%get3A_2, %get3A_3] : memref<256x128xf32, #tpu.memory_space<vmem>>, vector<256x128xf32>
    %dot_general3A = arith.constant dense<0.000000e+00> : vector<1000x128xf32>
    %dot_general3A_5 = tpu.matmul %get3A_1, %get3A_4, %dot_general3A {dimension_numbers = #tpu.dot_dimension_numbers<[1], [0], [0], [1], [0, 0, 1, 1], [], []>, transpose_lhs_hint = false} : vector<1000x256xf32>, vector<256x128xf32>, vector<1000x128xf32> -> vector<1000x128xf32>
    %swap3A = arith.constant 0 : index
    %swap3A_6 = arith.constant 0 : index
    %swap3A_7 = vector.load %arg3[%swap3A, %swap3A_6] : memref<1000x128xf32, #tpu.memory_space<vmem>>, vector<1000x128xf32>
    tpu.vector_store %arg3[%swap3A, %swap3A_6], %dot_general3A_5 {strides = array<i32>} : memref<1000x128xf32, #tpu.memory_space<vmem>>, vector<1000x128xf32>,
    return
  }
  func.func @transform_0(%arg0: i32) -> (i32, i32) {
    %c0_i32 = arith.constant 0 : i32
    %c0_i32_0 = arith.constant 0 : i32
    return %arg0, %c0_i32 : i32, i32
  }
  func.func @transform_1(%arg0: i32) -> (i32, i32) {
    %c0_i32 = arith.constant 0 : i32
    %c0_i32_0 = arith.constant 0 : i32
    %c0_i32_1 = arith.constant 0 : i32
    return %c0_i32, %c0_i32_0 : i32, i32
  }
  func.func @transform_2(%arg0: i32) -> (i32, i32) {
    %c0_i32 = arith.constant 0 : i32
    %c0_i32_0 = arith.constant 0 : i32
    return %arg0, %c0_i32 : i32, i32
  }
}

module attributes {stable_mosaic.version = 14 : i64} {
  func.func @_k2_body(%arg0: i32, %arg1: memref<2048x256xf32, #tpu.memory_space<vmem>>, %arg2: memref<256x16xf32, #tpu.memory_space<vmem>>, %arg3: memref<2048x16xf32, #tpu.memory_space<vmem>>) attributes {dimension_semantics = [#tpu.dimension_semantics<arbitrary>], iteration_bounds = array<i64: 80>, scalar_prefetch = 0 : i64, scratch_operands = 0 : i64, tpu.core_type = #tpu.core_type<tc>, window_params = [{transform_indices = @transform_0, window_bounds = array<i64: 2048, 256>}, {pipeline_mode = #tpu.pipeline_mode<synchronous>, transform_indices = @transform_1, window_bounds = array<i64: 256, 16>}, {transform_indices = @transform_2, window_bounds = array<i64: 2048, 16>}]} {
    %get3A = arith.constant 0 : index
    %get3A_0 = arith.constant 0 : index
    %get3A_1 = vector.load %arg1[%get3A, %get3A_0] : memref<2048x256xf32, #tpu.memory_space<vmem>>, vector<2048x256xf32>
    %get3A_2 = arith.constant 0 : index
    %get3A_3 = arith.constant 0 : index
    %get3A_4 = vector.load %arg2[%get3A_2, %get3A_3] : memref<256x16xf32, #tpu.memory_space<vmem>>, vector<256x16xf32>
    %dot_general3A = arith.constant dense<0.000000e+00> : vector<2048x16xf32>
    %dot_general3A_5 = tpu.matmul %get3A_1, %get3A_4, %dot_general3A {dimension_numbers = #tpu.dot_dimension_numbers<[1], [0], [0], [1], [0, 0, 1, 1], [], []>, transpose_lhs_hint = false} : vector<2048x256xf32>, vector<256x16xf32>, vector<2048x16xf32> -> vector<2048x16xf32>
    %iota3A = tpu.iota {dimensions = array<i32: 1>} : vector<2048x16xi32>
    %eq3A = arith.constant 4 : i32
    %eq3A_6 = vector.broadcast %eq3A : i32 to vector<2048x16xi32>
    %eq3A_7 = arith.cmpi eq, %iota3A, %eq3A_6 : vector<2048x16xi32>
    %jit3A = arith.constant 1.000000e+00 : f32
    %broadcast_in_dim3A = vector.broadcast %jit3A : f32 to vector<2048x16xf32>
    %select_n3A = arith.select %eq3A_7, %broadcast_in_dim3A, %dot_general3A_5 : vector<2048x16xi1>, vector<2048x16xf32>
    %swap3A = arith.constant 0 : index
    %swap3A_8 = arith.constant 0 : index
    %swap3A_9 = vector.load %arg3[%swap3A, %swap3A_8] : memref<2048x16xf32, #tpu.memory_space<vmem>>, vector<2048x16xf32>
    tpu.vector_store %arg3[%swap3A, %swap3A_8], %select_n3A {strides = array<i32>} : memref<2048x16xf32, #tpu.memory_space<vmem>>, vector<2048x16xf32>,
    return
  }
  func.func @transform_0(%arg0: i32) -> (i32, i32) {
    %c0_i32 = arith.constant 0 : i32
    %c0_i32_0 = arith.constant 0 : i32
    return %arg0, %c0_i32 : i32, i32
  }
  func.func @transform_1(%arg0: i32) -> (i32, i32) {
    %c0_i32 = arith.constant 0 : i32
    %c0_i32_0 = arith.constant 0 : i32
    %c0_i32_1 = arith.constant 0 : i32
    return %c0_i32, %c0_i32_0 : i32, i32
  }
  func.func @transform_2(%arg0: i32) -> (i32, i32) {
    %c0_i32 = arith.constant 0 : i32
    %c0_i32_0 = arith.constant 0 : i32
    return %arg0, %c0_i32 : i32, i32
  }
}

module attributes {stable_mosaic.version = 14 : i64} {
  func.func @_k1a_body(%arg0: i32, %arg1: i32, %arg2: i32, %arg3: memref<1000x256xf32, #tpu.memory_space<vmem>>, %arg4: memref<1x256x128xf32, #tpu.memory_space<vmem>>, %arg5: memref<1x1x1000x128xf32, #tpu.memory_space<vmem>>) attributes {dimension_semantics = [#tpu.dimension_semantics<arbitrary>, #tpu.dimension_semantics<arbitrary>, #tpu.dimension_semantics<arbitrary>], iteration_bounds = array<i64: 4, 2, 10>, scalar_prefetch = 0 : i64, scratch_operands = 0 : i64, tpu.core_type = #tpu.core_type<tc>, window_params = [{transform_indices = @transform_0, window_bounds = array<i64: 1000, 256>}, {transform_indices = @transform_1, window_bounds = array<i64: 1, 256, 128>}, {transform_indices = @transform_2, window_bounds = array<i64: 1, 1, 1000, 128>}]} {
    %get3A = arith.constant 0 : index
    %get3A_0 = arith.constant 0 : index
    %get3A_1 = vector.load %arg3[%get3A, %get3A_0] : memref<1000x256xf32, #tpu.memory_space<vmem>>, vector<1000x256xf32>
    %get3A_2 = arith.constant 0 : index
    %get3A_3 = arith.constant 0 : index
    %get3A_4 = arith.constant 0 : index
    %get3A_5 = vector.load %arg4[%get3A_2, %get3A_3, %get3A_4] : memref<1x256x128xf32, #tpu.memory_space<vmem>>, vector<1x256x128xf32>
    %get3A_6 = vector.shape_cast %get3A_5 : vector<1x256x128xf32> to vector<256x128xf32>
    %dot_general3A = arith.constant dense<0.000000e+00> : vector<1000x128xf32>
    %dot_general3A_7 = tpu.matmul %get3A_1, %get3A_6, %dot_general3A {dimension_numbers = #tpu.dot_dimension_numbers<[1], [0], [0], [1], [0, 0, 1, 1], [], []>, transpose_lhs_hint = false} : vector<1000x256xf32>, vector<256x128xf32>, vector<1000x128xf32> -> vector<1000x128xf32>
    %swap3A = arith.constant 0 : index
    %swap3A_8 = arith.constant 0 : index
    %swap3A_9 = arith.constant 0 : index
    %swap3A_10 = arith.constant 0 : index
    %swap3A_11 = vector.load %arg5[%swap3A, %swap3A_8, %swap3A_9, %swap3A_10] : memref<1x1x1000x128xf32, #tpu.memory_space<vmem>>, vector<1x1x1000x128xf32>
    %swap3A_12 = vector.shape_cast %swap3A_11 : vector<1x1x1000x128xf32> to vector<1000x128xf32>
    %swap3A_13 = vector.shape_cast %dot_general3A_7 : vector<1000x128xf32> to vector<1x1x1000x128xf32>
    tpu.vector_store %arg5[%swap3A, %swap3A_8, %swap3A_9, %swap3A_10], %swap3A_13 {strides = array<i32>} : memref<1x1x1000x128xf32, #tpu.memory_space<vmem>>, vector<1x1x1000x128xf32>,
    return
  }
  func.func @transform_0(%arg0: i32, %arg1: i32, %arg2: i32) -> (i32, i32) {
    %c0_i32 = arith.constant 0 : i32
    %c0_i32_0 = arith.constant 0 : i32
    return %arg2, %c0_i32 : i32, i32
  }
  func.func @transform_1(%arg0: i32, %arg1: i32, %arg2: i32) -> (i32, i32, i32) {
    %c0_i32 = arith.constant 0 : i32
    %c0_i32_0 = arith.constant 0 : i32
    return %arg0, %c0_i32, %arg1 : i32, i32, i32
  }
  func.func @transform_2(%arg0: i32, %arg1: i32, %arg2: i32) -> (i32, i32, i32, i32) {
    %c0_i32 = arith.constant 0 : i32
    %c0_i32_0 = arith.constant 0 : i32
    return %arg0, %arg1, %arg2, %c0_i32 : i32, i32, i32, i32
  }
}

module attributes {stable_mosaic.version = 14 : i64} {
  func.func @_k4_body(%arg0: i32, %arg1: memref<2x8x1000x128xf32, #tpu.memory_space<vmem>>, %arg2: memref<8x1000x128xf32, #tpu.memory_space<vmem>>, %arg3: memref<1000x128xf32, #tpu.memory_space<vmem>>, %arg4: memref<2x1000x128xf32, #tpu.memory_space<vmem>>, %arg5: memref<1024x256xf32, #tpu.memory_space<vmem>>, %arg6: memref<1x1024xf32, #tpu.memory_space<vmem>>, %arg7: memref<1x256xf32, #tpu.memory_space<vmem>>, %arg8: memref<1x256xf32, #tpu.memory_space<vmem>>, %arg9: memref<1x256xf32, #tpu.memory_space<vmem>>, %arg10: memref<1000x256xf32, #tpu.memory_space<vmem>>) attributes {dimension_semantics = [#tpu.dimension_semantics<arbitrary>], iteration_bounds = array<i64: 10>, scalar_prefetch = 0 : i64, scratch_operands = 0 : i64, tpu.core_type = #tpu.core_type<tc>, window_params = [{transform_indices = @transform_0, window_bounds = array<i64: 2, 8, 1000, 128>}, {transform_indices = @transform_1, window_bounds = array<i64: 8, 1000, 128>}, {transform_indices = @transform_2, window_bounds = array<i64: 1000, 128>}, {transform_indices = @transform_3, window_bounds = array<i64: 2, 1000, 128>}, {pipeline_mode = #tpu.pipeline_mode<synchronous>, transform_indices = @transform_4, window_bounds = array<i64: 1024, 256>}, {pipeline_mode = #tpu.pipeline_mode<synchronous>, transform_indices = @transform_5, window_bounds = array<i64: 1, 1024>}, {pipeline_mode = #tpu.pipeline_mode<synchronous>, transform_indices = @transform_6, window_bounds = array<i64: 1, 256>}, {pipeline_mode = #tpu.pipeline_mode<synchronous>, transform_indices = @transform_7, window_bounds = array<i64: 1, 256>}, {pipeline_mode = #tpu.pipeline_mode<synchronous>, transform_indices = @transform_8, window_bounds = array<i64: 1, 256>}, {transform_indices = @transform_9, window_bounds = array<i64: 1000, 256>}]} {
    %get3A = arith.constant 0 : index
    %get3A_0 = arith.constant 0 : index
    %get3A_1 = vector.load %arg3[%get3A, %get3A_0] : memref<1000x128xf32, #tpu.memory_space<vmem>>, vector<1000x4xf32>
    %get3A_2 = arith.constant 0 : index
    %get3A_3 = arith.constant 16 : index
    %get3A_4 = vector.load %arg3[%get3A_2, %get3A_3] : memref<1000x128xf32, #tpu.memory_space<vmem>>, vector<1000x4xf32>
    %get3A_5 = arith.constant 0 : index
    %get3A_6 = arith.constant 0 : index
    %get3A_7 = arith.constant 0 : index
    %get3A_8 = vector.load %arg4[%get3A_5, %get3A_6, %get3A_7] : memref<2x1000x128xf32, #tpu.memory_space<vmem>>, vector<1x1000x128xf32>
    %get3A_9 = vector.shape_cast %get3A_8 : vector<1x1000x128xf32> to vector<1000x128xf32>
    %get3A_10 = arith.constant 1 : index
    %get3A_11 = arith.constant 0 : index
    %get3A_12 = arith.constant 0 : index
    %get3A_13 = vector.load %arg4[%get3A_10, %get3A_11, %get3A_12] : memref<2x1000x128xf32, #tpu.memory_space<vmem>>, vector<1x1000x128xf32>
    %get3A_14 = vector.shape_cast %get3A_13 : vector<1x1000x128xf32> to vector<1000x128xf32>
    %add3A = arith.addf %get3A_9, %get3A_14 : vector<1000x128xf32>
    %slice3A = vector.extract_strided_slice %add3A {offsets = [0, 20], sizes = [1000, 1], strides = [1, 1]} : vector<1000x128xf32> to vector<1000x1xf32>
    %slice3A_15 = vector.extract_strided_slice %add3A {offsets = [0, 16], sizes = [1000, 4], strides = [1, 1]} : vector<1000x128xf32> to vector<1000x4xf32>
    %max3A = arith.constant 1.000000e+00 : f32
    %max3A_16 = vector.broadcast %max3A : f32 to vector<1000x1xf32>
    %max3A_17 = arith.maximumf %slice3A, %max3A_16 : vector<1000x1xf32>
    %div3A = vector.broadcast %max3A_17 : vector<1000x1xf32> to vector<1000x4xf32>
    %div3A_18 = arith.divf %slice3A_15, %div3A : vector<1000x4xf32>
    %add3A_19 = arith.addf %get3A_1, %get3A_4 : vector<1000x4xf32>
    %add3A_20 = arith.addf %add3A_19, %div3A_18 : vector<1000x4xf32>
    %gt3A = arith.constant 0.000000e+00 : f32
    %gt3A_21 = vector.broadcast %gt3A : f32 to vector<1000x4xf32>
    %gt3A_22 = arith.cmpf ogt, %add3A_20, %gt3A_21 : vector<1000x4xf32>
    %mul3A = arith.constant 2.000000e-01 : f32
    %mul3A_23 = vector.broadcast %mul3A : f32 to vector<1000x4xf32>
    %mul3A_24 = arith.mulf %mul3A_23, %add3A_20 : vector<1000x4xf32>
    %select_n3A = arith.select %gt3A_22, %add3A_20, %mul3A_24 : vector<1000x4xi1>, vector<1000x4xf32>
    %exp3A = math.exp %select_n3A : vector<1000x4xf32>
    %slice3A_25 = vector.extract_strided_slice %add3A {offsets = [0, 0], sizes = [1000, 4], strides = [1, 1]} : vector<1000x128xf32> to vector<1000x4xf32>
    %add3A_26 = arith.addf %slice3A_25, %exp3A : vector<1000x4xf32>
    %add3A_27 = arith.constant 1.000000e-16 : f32
    %add3A_28 = vector.broadcast %add3A_27 : f32 to vector<1000x4xf32>
    %add3A_29 = arith.addf %add3A_26, %add3A_28 : vector<1000x4xf32>
    %get3A_30 = arith.constant 0 : index
    %get3A_31 = arith.constant 0 : index
    %get3A_32 = arith.constant 0 : index
    %get3A_33 = arith.constant 0 : index
    %get3A_34 = vector.load %arg1[%get3A_30, %get3A_31, %get3A_32, %get3A_33] : memref<2x8x1000x128xf32, #tpu.memory_space<vmem>>, vector<1x8x1000x128xf32>
    %get3A_35 = vector.shape_cast %get3A_34 : vector<1x8x1000x128xf32> to vector<8x1000x128xf32>
    %get3A_36 = arith.constant 1 : index
    %get3A_37 = arith.constant 0 : index
    %get3A_38 = arith.constant 0 : index
    %get3A_39 = arith.constant 0 : index
    %get3A_40 = vector.load %arg1[%get3A_36, %get3A_37, %get3A_38, %get3A_39] : memref<2x8x1000x128xf32, #tpu.memory_space<vmem>>, vector<1x8x1000x128xf32>
    %get3A_41 = vector.shape_cast %get3A_40 : vector<1x8x1000x128xf32> to vector<8x1000x128xf32>
    %add3A_42 = arith.addf %get3A_35, %get3A_41 : vector<8x1000x128xf32>
    %slice3A_43 = vector.extract_strided_slice %add3A_42 {offsets = [0, 0, 0], sizes = [1, 1000, 128], strides = [1, 1, 1]} : vector<8x1000x128xf32> to vector<1x1000x128xf32>
    %squeeze3A = vector.shape_cast %slice3A_43 : vector<1x1000x128xf32> to vector<1000x128xf32>
    %slice3A_44 = vector.extract_strided_slice %add3A_42 {offsets = [1, 0, 0], sizes = [1, 1000, 128], strides = [1, 1, 1]} : vector<8x1000x128xf32> to vector<1x1000x128xf32>
    %squeeze3A_45 = vector.shape_cast %slice3A_44 : vector<1x1000x128xf32> to vector<1000x128xf32>
    %concatenate3A = tpu.concatenate %squeeze3A, %squeeze3A_45 in 1 : vector<1000x128xf32>, vector<1000x128xf32> -> vector<1000x256xf32>
    %get3A_46 = arith.constant 0 : index
    %get3A_47 = arith.constant 0 : index
    %get3A_48 = arith.constant 0 : index
    %get3A_49 = vector.load %arg2[%get3A_46, %get3A_47, %get3A_48] : memref<8x1000x128xf32, #tpu.memory_space<vmem>>, vector<1x1000x128xf32>
    %get3A_50 = vector.shape_cast %get3A_49 : vector<1x1000x128xf32> to vector<1000x128xf32>
    %get3A_51 = arith.constant 1 : index
    %get3A_52 = arith.constant 0 : index
    %get3A_53 = arith.constant 0 : index
    %get3A_54 = vector.load %arg2[%get3A_51, %get3A_52, %get3A_53] : memref<8x1000x128xf32, #tpu.memory_space<vmem>>, vector<1x1000x128xf32>
    %get3A_55 = vector.shape_cast %get3A_54 : vector<1x1000x128xf32> to vector<1000x128xf32>
    %concatenate3A_56 = tpu.concatenate %get3A_50, %get3A_55 in 1 : vector<1000x128xf32>, vector<1000x128xf32> -> vector<1000x256xf32>
    %slice3A_57 = vector.extract_strided_slice %exp3A {offsets = [0, 0], sizes = [1000, 1], strides = [1, 1]} : vector<1000x4xf32> to vector<1000x1xf32>
    %mul3A_58 = vector.broadcast %slice3A_57 : vector<1000x1xf32> to vector<1000x256xf32>
    %mul3A_59 = arith.mulf %mul3A_58, %concatenate3A_56 : vector<1000x256xf32>
    %add3A_60 = arith.addf %concatenate3A, %mul3A_59 : vector<1000x256xf32>
    %slice3A_61 = vector.extract_strided_slice %add3A_29 {offsets = [0, 0], sizes = [1000, 1], strides = [1, 1]} : vector<1000x4xf32> to vector<1000x1xf32>
    %div3A_62 = vector.broadcast %slice3A_61 : vector<1000x1xf32> to vector<1000x256xf32>
    %div3A_63 = arith.divf %add3A_60, %div3A_62 : vector<1000x256xf32>
    %slice3A_64 = vector.extract_strided_slice %add3A_42 {offsets = [2, 0, 0], sizes = [1, 1000, 128], strides = [1, 1, 1]} : vector<8x1000x128xf32> to vector<1x1000x128xf32>
    %squeeze3A_65 = vector.shape_cast %slice3A_64 : vector<1x1000x128xf32> to vector<1000x128xf32>
    %slice3A_66 = vector.extract_strided_slice %add3A_42 {offsets = [3, 0, 0], sizes = [1, 1000, 128], strides = [1, 1, 1]} : vector<8x1000x128xf32> to vector<1x1000x128xf32>
    %squeeze3A_67 = vector.shape_cast %slice3A_66 : vector<1x1000x128xf32> to vector<1000x128xf32>
    %concatenate3A_68 = tpu.concatenate %squeeze3A_65, %squeeze3A_67 in 1 : vector<1000x128xf32>, vector<1000x128xf32> -> vector<1000x256xf32>
    %get3A_69 = arith.constant 2 : index
    %get3A_70 = arith.constant 0 : index
    %get3A_71 = arith.constant 0 : index
    %get3A_72 = vector.load %arg2[%get3A_69, %get3A_70, %get3A_71] : memref<8x1000x128xf32, #tpu.memory_space<vmem>>, vector<1x1000x128xf32>
    %get3A_73 = vector.shape_cast %get3A_72 : vector<1x1000x128xf32> to vector<1000x128xf32>
    %get3A_74 = arith.constant 3 : index
    %get3A_75 = arith.constant 0 : index
    %get3A_76 = arith.constant 0 : index
    %get3A_77 = vector.load %arg2[%get3A_74, %get3A_75, %get3A_76] : memref<8x1000x128xf32, #tpu.memory_space<vmem>>, vector<1x1000x128xf32>
    %get3A_78 = vector.shape_cast %get3A_77 : vector<1x1000x128xf32> to vector<1000x128xf32>
    %concatenate3A_79 = tpu.concatenate %get3A_73, %get3A_78 in 1 : vector<1000x128xf32>, vector<1000x128xf32> -> vector<1000x256xf32>
    %slice3A_80 = vector.extract_strided_slice %exp3A {offsets = [0, 1], sizes = [1000, 1], strides = [1, 1]} : vector<1000x4xf32> to vector<1000x1xf32>
    %mul3A_81 = vector.broadcast %slice3A_80 : vector<1000x1xf32> to vector<1000x256xf32>
    %mul3A_82 = arith.mulf %mul3A_81, %concatenate3A_79 : vector<1000x256xf32>
    %add3A_83 = arith.addf %concatenate3A_68, %mul3A_82 : vector<1000x256xf32>
    %slice3A_84 = vector.extract_strided_slice %add3A_29 {offsets = [0, 1], sizes = [1000, 1], strides = [1, 1]} : vector<1000x4xf32> to vector<1000x1xf32>
    %div3A_85 = vector.broadcast %slice3A_84 : vector<1000x1xf32> to vector<1000x256xf32>
    %div3A_86 = arith.divf %add3A_83, %div3A_85 : vector<1000x256xf32>
    %slice3A_87 = vector.extract_strided_slice %add3A_42 {offsets = [4, 0, 0], sizes = [1, 1000, 128], strides = [1, 1, 1]} : vector<8x1000x128xf32> to vector<1x1000x128xf32>
    %squeeze3A_88 = vector.shape_cast %slice3A_87 : vector<1x1000x128xf32> to vector<1000x128xf32>
    %slice3A_89 = vector.extract_strided_slice %add3A_42 {offsets = [5, 0, 0], sizes = [1, 1000, 128], strides = [1, 1, 1]} : vector<8x1000x128xf32> to vector<1x1000x128xf32>
    %squeeze3A_90 = vector.shape_cast %slice3A_89 : vector<1x1000x128xf32> to vector<1000x128xf32>
    %concatenate3A_91 = tpu.concatenate %squeeze3A_88, %squeeze3A_90 in 1 : vector<1000x128xf32>, vector<1000x128xf32> -> vector<1000x256xf32>
    %get3A_92 = arith.constant 4 : index
    %get3A_93 = arith.constant 0 : index
    %get3A_94 = arith.constant 0 : index
    %get3A_95 = vector.load %arg2[%get3A_92, %get3A_93, %get3A_94] : memref<8x1000x128xf32, #tpu.memory_space<vmem>>, vector<1x1000x128xf32>
    %get3A_96 = vector.shape_cast %get3A_95 : vector<1x1000x128xf32> to vector<1000x128xf32>
    %get3A_97 = arith.constant 5 : index
    %get3A_98 = arith.constant 0 : index
    %get3A_99 = arith.constant 0 : index
    %get3A_100 = vector.load %arg2[%get3A_97, %get3A_98, %get3A_99] : memref<8x1000x128xf32, #tpu.memory_space<vmem>>, vector<1x1000x128xf32>
    %get3A_101 = vector.shape_cast %get3A_100 : vector<1x1000x128xf32> to vector<1000x128xf32>
    %concatenate3A_102 = tpu.concatenate %get3A_96, %get3A_101 in 1 : vector<1000x128xf32>, vector<1000x128xf32> -> vector<1000x256xf32>
    %slice3A_103 = vector.extract_strided_slice %exp3A {offsets = [0, 2], sizes = [1000, 1], strides = [1, 1]} : vector<1000x4xf32> to vector<1000x1xf32>
    %mul3A_104 = vector.broadcast %slice3A_103 : vector<1000x1xf32> to vector<1000x256xf32>
    %mul3A_105 = arith.mulf %mul3A_104, %concatenate3A_102 : vector<1000x256xf32>
    %add3A_106 = arith.addf %concatenate3A_91, %mul3A_105 : vector<1000x256xf32>
    %slice3A_107 = vector.extract_strided_slice %add3A_29 {offsets = [0, 2], sizes = [1000, 1], strides = [1, 1]} : vector<1000x4xf32> to vector<1000x1xf32>
    %div3A_108 = vector.broadcast %slice3A_107 : vector<1000x1xf32> to vector<1000x256xf32>
    %div3A_109 = arith.divf %add3A_106, %div3A_108 : vector<1000x256xf32>
    %slice3A_110 = vector.extract_strided_slice %add3A_42 {offsets = [6, 0, 0], sizes = [1, 1000, 128], strides = [1, 1, 1]} : vector<8x1000x128xf32> to vector<1x1000x128xf32>
    %squeeze3A_111 = vector.shape_cast %slice3A_110 : vector<1x1000x128xf32> to vector<1000x128xf32>
    %slice3A_112 = vector.extract_strided_slice %add3A_42 {offsets = [7, 0, 0], sizes = [1, 1000, 128], strides = [1, 1, 1]} : vector<8x1000x128xf32> to vector<1x1000x128xf32>
    %squeeze3A_113 = vector.shape_cast %slice3A_112 : vector<1x1000x128xf32> to vector<1000x128xf32>
    %concatenate3A_114 = tpu.concatenate %squeeze3A_111, %squeeze3A_113 in 1 : vector<1000x128xf32>, vector<1000x128xf32> -> vector<1000x256xf32>
    %get3A_115 = arith.constant 6 : index
    %get3A_116 = arith.constant 0 : index
    %get3A_117 = arith.constant 0 : index
    %get3A_118 = vector.load %arg2[%get3A_115, %get3A_116, %get3A_117] : memref<8x1000x128xf32, #tpu.memory_space<vmem>>, vector<1x1000x128xf32>
    %get3A_119 = vector.shape_cast %get3A_118 : vector<1x1000x128xf32> to vector<1000x128xf32>
    %get3A_120 = arith.constant 7 : index
    %get3A_121 = arith.constant 0 : index
    %get3A_122 = arith.constant 0 : index
    %get3A_123 = vector.load %arg2[%get3A_120, %get3A_121, %get3A_122] : memref<8x1000x128xf32, #tpu.memory_space<vmem>>, vector<1x1000x128xf32>
    %get3A_124 = vector.shape_cast %get3A_123 : vector<1x1000x128xf32> to vector<1000x128xf32>
    %concatenate3A_125 = tpu.concatenate %get3A_119, %get3A_124 in 1 : vector<1000x128xf32>, vector<1000x128xf32> -> vector<1000x256xf32>
    %slice3A_126 = vector.extract_strided_slice %exp3A {offsets = [0, 3], sizes = [1000, 1], strides = [1, 1]} : vector<1000x4xf32> to vector<1000x1xf32>
    %mul3A_127 = vector.broadcast %slice3A_126 : vector<1000x1xf32> to vector<1000x256xf32>
    %mul3A_128 = arith.mulf %mul3A_127, %concatenate3A_125 : vector<1000x256xf32>
    %add3A_129 = arith.addf %concatenate3A_114, %mul3A_128 : vector<1000x256xf32>
    %slice3A_130 = vector.extract_strided_slice %add3A_29 {offsets = [0, 3], sizes = [1000, 1], strides = [1, 1]} : vector<1000x4xf32> to vector<1000x1xf32>
    %div3A_131 = vector.broadcast %slice3A_130 : vector<1000x1xf32> to vector<1000x256xf32>
    %div3A_132 = arith.divf %add3A_129, %div3A_131 : vector<1000x256xf32>
    %concatenate3A_133 = tpu.concatenate %div3A_63, %div3A_86, %div3A_109, %div3A_132 in 1 : vector<1000x256xf32>, vector<1000x256xf32>, vector<1000x256xf32>, vector<1000x256xf32> -> vector<1000x1024xf32>
    %get3A_134 = arith.constant 0 : index
    %get3A_135 = arith.constant 0 : index
    %get3A_136 = vector.load %arg6[%get3A_134, %get3A_135] : memref<1x1024xf32, #tpu.memory_space<vmem>>, vector<1x1024xf32>
    %add3A_137 = vector.broadcast %get3A_136 : vector<1x1024xf32> to vector<1000x1024xf32>
    %add3A_138 = arith.addf %concatenate3A_133, %add3A_137 : vector<1000x1024xf32>
    %get3A_139 = arith.constant 0 : index
    %get3A_140 = arith.constant 0 : index
    %get3A_141 = vector.load %arg5[%get3A_139, %get3A_140] : memref<1024x256xf32, #tpu.memory_space<vmem>>, vector<1024x256xf32>
    %dot_general3A = arith.constant dense<0.000000e+00> : vector<1000x256xf32>
    %dot_general3A_142 = tpu.matmul %add3A_138, %get3A_141, %dot_general3A {dimension_numbers = #tpu.dot_dimension_numbers<[1], [0], [0], [1], [0, 0, 1, 1], [], []>, transpose_lhs_hint = false} : vector<1000x1024xf32>, vector<1024x256xf32>, vector<1000x256xf32> -> vector<1000x256xf32>
    %get3A_143 = arith.constant 0 : index
    %get3A_144 = arith.constant 0 : index
    %get3A_145 = vector.load %arg7[%get3A_143, %get3A_144] : memref<1x256xf32, #tpu.memory_space<vmem>>, vector<1x256xf32>
    %add3A_146 = vector.broadcast %get3A_145 : vector<1x256xf32> to vector<1000x256xf32>
    %add3A_147 = arith.addf %dot_general3A_142, %add3A_146 : vector<1000x256xf32>
    %reduce_sum3A = arith.constant dense<0.000000e+00> : vector<1000xf32>
    %reduce_sum3A_148 = vector.multi_reduction <add>, %add3A_147, %reduce_sum3A [1] : vector<1000x256xf32> to vector<1000xf32>
    %broadcast_in_dim3A = vector.shape_cast %reduce_sum3A_148 : vector<1000xf32> to vector<1000x1xf32>
    %div3A_149 = arith.constant 2.560000e+02 : f32
    %div3A_150 = vector.broadcast %div3A_149 : f32 to vector<1000x1xf32>
    %div3A_151 = arith.divf %broadcast_in_dim3A, %div3A_150 : vector<1000x1xf32>
    %sub3A = vector.broadcast %div3A_151 : vector<1000x1xf32> to vector<1000x256xf32>
    %sub3A_152 = arith.subf %add3A_147, %sub3A : vector<1000x256xf32>
    %integer_pow3A = arith.mulf %sub3A_152, %sub3A_152 : vector<1000x256xf32>
    %reduce_sum3A_153 = arith.constant dense<0.000000e+00> : vector<1000xf32>
    %reduce_sum3A_154 = vector.multi_reduction <add>, %integer_pow3A, %reduce_sum3A_153 [1] : vector<1000x256xf32> to vector<1000xf32>
    %broadcast_in_dim3A_155 = vector.shape_cast %reduce_sum3A_154 : vector<1000xf32> to vector<1000x1xf32>
    %div3A_156 = arith.constant 2.560000e+02 : f32
    %div3A_157 = vector.broadcast %div3A_156 : f32 to vector<1000x1xf32>
    %div3A_158 = arith.divf %broadcast_in_dim3A_155, %div3A_157 : vector<1000x1xf32>
    %sub3A_159 = vector.broadcast %div3A_151 : vector<1000x1xf32> to vector<1000x256xf32>
    %sub3A_160 = arith.subf %add3A_147, %sub3A_159 : vector<1000x256xf32>
    %add3A_161 = arith.constant 9.99999974E-6 : f32
    %add3A_162 = vector.broadcast %add3A_161 : f32 to vector<1000x1xf32>
    %add3A_163 = arith.addf %div3A_158, %add3A_162 : vector<1000x1xf32>
    %rsqrt3A = math.rsqrt %add3A_163 : vector<1000x1xf32>
    %mul3A_164 = vector.broadcast %rsqrt3A : vector<1000x1xf32> to vector<1000x256xf32>
    %mul3A_165 = arith.mulf %sub3A_160, %mul3A_164 : vector<1000x256xf32>
    %get3A_166 = arith.constant 0 : index
    %get3A_167 = arith.constant 0 : index
    %get3A_168 = vector.load %arg8[%get3A_166, %get3A_167] : memref<1x256xf32, #tpu.memory_space<vmem>>, vector<1x256xf32>
    %mul3A_169 = vector.broadcast %get3A_168 : vector<1x256xf32> to vector<1000x256xf32>
    %mul3A_170 = arith.mulf %mul3A_165, %mul3A_169 : vector<1000x256xf32>
    %get3A_171 = arith.constant 0 : index
    %get3A_172 = arith.constant 0 : index
    %get3A_173 = vector.load %arg9[%get3A_171, %get3A_172] : memref<1x256xf32, #tpu.memory_space<vmem>>, vector<1x256xf32>
    %add3A_174 = vector.broadcast %get3A_173 : vector<1x256xf32> to vector<1000x256xf32>
    %add3A_175 = arith.addf %mul3A_170, %add3A_174 : vector<1000x256xf32>
    %swap3A = arith.constant 0 : index
    %swap3A_176 = arith.constant 0 : index
    %swap3A_177 = vector.load %arg10[%swap3A, %swap3A_176] : memref<1000x256xf32, #tpu.memory_space<vmem>>, vector<1000x256xf32>
    tpu.vector_store %arg10[%swap3A, %swap3A_176], %add3A_175 {strides = array<i32>} : memref<1000x256xf32, #tpu.memory_space<vmem>>, vector<1000x256xf32>,
    return
  }
  func.func @transform_0(%arg0: i32) -> (i32, i32, i32, i32) {
    %c0_i32 = arith.constant 0 : i32
    %c0_i32_0 = arith.constant 0 : i32
    %c0_i32_1 = arith.constant 0 : i32
    %c0_i32_2 = arith.constant 0 : i32
    return %c0_i32, %c0_i32_0, %arg0, %c0_i32_1 : i32, i32, i32, i32
  }
  func.func @transform_1(%arg0: i32) -> (i32, i32, i32) {
    %c0_i32 = arith.constant 0 : i32
    %c0_i32_0 = arith.constant 0 : i32
    %c0_i32_1 = arith.constant 0 : i32
    return %c0_i32, %arg0, %c0_i32_0 : i32, i32, i32
  }
  func.func @transform_2(%arg0: i32) -> (i32, i32) {
    %c0_i32 = arith.constant 0 : i32
    %c0_i32_0 = arith.constant 0 : i32
    return %arg0, %c0_i32 : i32, i32
  }
  func.func @transform_3(%arg0: i32) -> (i32, i32, i32) {
    %c0_i32 = arith.constant 0 : i32
    %c0_i32_0 = arith.constant 0 : i32
    %c0_i32_1 = arith.constant 0 : i32
    return %c0_i32, %arg0, %c0_i32_0 : i32, i32, i32
  }
  func.func @transform_4(%arg0: i32) -> (i32, i32) {
    %c0_i32 = arith.constant 0 : i32
    %c0_i32_0 = arith.constant 0 : i32
    %c0_i32_1 = arith.constant 0 : i32
    return %c0_i32, %c0_i32_0 : i32, i32
  }
  func.func @transform_5(%arg0: i32) -> (i32, i32) {
    %c0_i32 = arith.constant 0 : i32
    %c0_i32_0 = arith.constant 0 : i32
    %c0_i32_1 = arith.constant 0 : i32
    return %c0_i32, %c0_i32_0 : i32, i32
  }
  func.func @transform_6(%arg0: i32) -> (i32, i32) {
    %c0_i32 = arith.constant 0 : i32
    %c0_i32_0 = arith.constant 0 : i32
    %c0_i32_1 = arith.constant 0 : i32
    return %c0_i32, %c0_i32_0 : i32, i32
  }
  func.func @transform_7(%arg0: i32) -> (i32, i32) {
    %c0_i32 = arith.constant 0 : i32
    %c0_i32_0 = arith.constant 0 : i32
    %c0_i32_1 = arith.constant 0 : i32
    return %c0_i32, %c0_i32_0 : i32, i32
  }
  func.func @transform_8(%arg0: i32) -> (i32, i32) {
    %c0_i32 = arith.constant 0 : i32
    %c0_i32_0 = arith.constant 0 : i32
    %c0_i32_1 = arith.constant 0 : i32
    return %c0_i32, %c0_i32_0 : i32, i32
  }
  func.func @transform_9(%arg0: i32) -> (i32, i32) {
    %c0_i32 = arith.constant 0 : i32
    %c0_i32_0 = arith.constant 0 : i32
    return %arg0, %c0_i32 : i32, i32
  }
}

</mosaic_0001>

<sc_bundles>
// kernel: kernel.11.cloned.1.call-start
scs
__scs_entry_jumppad:
0x0: {  	(pc) =	sbr.rel $0x88, $3  }
0x1: {  	(tag) =	ssettag $0x0;
	lr =	simm.s32 $0x1  }
0x2: {  	[smem:$0x3F94] =	sst lr;
	_ =	strace $0xD0000000  }
0x3: {  	_ = 	snop  }
0x4: {  	_ = 	snop  }
0x5: {  	_ = 	snop  }
0x6: {  	_ = 	snop  }
0x7: {  	_ = 	snop  }
__scs_overlays_trampoline_lowered:
0x8: {  	[smem:$0x3FA3] =	sst s0  }
0x9: {  	[smem:$0x3FA4] =	sst s1  }
0xa: {  	[smem:$0x3FA5] =	sst s2  }
0xb: {  	[smem:$0x3FA6] =	sst s3  }
0xc: {  	[smem:$0x3FA7] =	sst s4  }
0xd: {  	[smem:$0x3FA8] =	sst s5  }
0xe: {  	[smem:$0x3FA9] =	sst s6  }
0xf: {  	[smem:$0x3FAA] =	sst s7  }
0x10: {  	[smem:$0x3FAB] =	sst s8  }
0x11: {  	[smem:$0x3FAC] =	sst s9;
	s0 =	simm.s32 @!p0 $0x0  }
0x12: {  	s1 =	sld [smem:$0x3F92];
	s0 =	simm.s32 @p0 $0x1  }
0x13: {  	[smem:$0x3FAD] =	sst s0;
	s0 =	simm.s32 @!p1 $0x0  }
0x14: {  	s2 =	sld [smem:$0x3F91];
	s0 =	simm.s32 @p1 $0x1  }
0x15: {  	[smem:$0x3FAE] =	sst s0;
	s0 =	simm.s32 @!p2 $0x0  }
0x16: {  	s3 =	sld [smem:$0x3FDB];
	s0 =	simm.s32 @p2 $0x1  }
0x17: {  	s4 =	simm.s32 $0x1BF5;
	[smem:$0x3FB0] =	sst s0  }
0x18: {  	s0 =	sld [smem:$0x3F93];
	_ =	swait.ge [sflag:s4], $0x0  }
0x19: {  	s7 =	sld [smem:$0x3F94]  }
0x1a: {  	s8 =	sadd.s32 $0xFFFFE003, lr  }
0x1b: {  	s9 =	sadd.s32 $0xFFFFFEF7, lr;
	s5 =	simm.s32 $0xFFFFFFFF;
	p2 =	slt.u32 s8, $0xFFFFF086  }
0x1c: {  	p1 =	slt.u32 s9, $0xF7A;
	s5 =	simm.s32 @!p2 $0x0  }
0x1d: {  	s5 =	simm.s32 @p1 $0x1;
	p0 =	seq.s32 s7, s2  }
0x1e: {  	s7 =	smul.u32 @!p0 $0xF7A, s2;
	p2 =	seq.s32 @!p0 s5, $0x0  }
0x1f: {  	s9 =	smul.u32 $0xF7A, s1;
	s8 =	simm.s32 @!p0 $0x1BF5;
	p2 =	por !p2, p0  }
0x20: {  	[sflag:s8] =	ssyncset.s32 @!p0 $0xFFFFF086;
	s6 =	sadd.s32 @!p0 s3, s7;
	s7 =	simm.s32 @!p0 $0x108  }
0x21: {  	s3 =	sadd.s32 s3, s9;
	s6 =	sadd.s32 @!p0 $0x88, s6;
	s7 =	simm.s32 @p2 $0x1082  }
0x22: {  	[simem:s7], [sflag:s8] =	dma.local @!p0 [hbm:s6], $0xF7A  }
0x23: {  	s9 =	sor.u32 $0xD0000000, s2;
	s6 =	simm.s32 $0x108;
	_ =	swait.ge @!p0 [sflag:s8], $0x0  }
0x24: {  	s3 =	sadd.s32 $0x88, s3;
	s6 =	simm.s32 @!p1 $0x1082;
	[sflag:s4] =	ssyncset.s32 $0xFFFFF086  }
0x25: {  	[simem:s6], [sflag:s4] =	dma.local [hbm:s3], $0xF7A  }
0x26: {  	[smem:$0x3F94] =	sst s1;
	(tag) =	ssettag s2;
	_ =	strace s9  }
0x27: {  	s1 =	sld [smem:$0x3FA4]  }
0x28: {  	s2 =	sld [smem:$0x3FA5]  }
0x29: {  	s4 =	sld [smem:$0x3FA7]  }
0x2a: {  	p0 =	seq.s32 s5, $0x0;
	s5 =	sld [smem:$0x3FA8]  }
0x2b: {  	s6 =	sld [smem:$0x3FA9]  }
0x2c: {  	s7 =	sld [smem:$0x3FAA]  }
0x2d: {  	s3 =	simm.s32 $0x108;
	s8 =	sld [smem:$0x3FAB]  }
0x2e: {  	s3 =	simm.s32 @!p0 $0x1082;
	s9 =	sld [smem:$0x3FAC]  }
0x2f: {  	lr =	sadd.s32 s0, s3;
	s0 =	sld [smem:$0x3FA3]  }
0x30: {  	s3 =	sld [smem:$0x3FA6]  }
0x31: {  	[smem:$0x3FAF] =	sst s10  }
0x32: {  	s10 =	sld [smem:$0x3FAD];
	_ =	sdelay $0x3  }
0x33: {  	p0 =	seq.s32 s10, $0x1;
	s10 =	sld [smem:$0x3FAF];
	_ =	sdelay $0x3  }
0x34: {  	[smem:$0x3FAF] =	sst s10  }
0x35: {  	s10 =	sld [smem:$0x3FAE];
	_ =	sdelay $0x3  }
0x36: {  	p1 =	seq.s32 s10, $0x1;
	s10 =	sld [smem:$0x3FAF];
	_ =	sdelay $0x3  }
0x37: {  	[smem:$0x3FAF] =	sst s10  }
0x38: {  	s10 =	sld [smem:$0x3FB0]  }
0x39: {  	_ = 	snop;
	(pc) =	sbr.ind lr, $3  }
0x3a: {  	_ = 	snop  }
0x3b: {  	_ = 	snop  }
0x3c: {  	p2 =	seq.s32 s10, $0x1;
	s10 =	sld [smem:$0x3FAF]  }
0x3d: {  	_ =	shalt  }
0x3e: {  	_ =	shalt  }
0x3f: {  	_ =	shalt  }
0x40: {  	_ =	shalt  }
0x41: {  	_ =	shalt  }
0x42: {  	_ =	shalt  }
0x43: {  	_ =	shalt  }
0x44: {  	_ =	shalt  }
0x45: {  	_ =	shalt  }
0x46: {  	_ =	shalt  }
0x47: {  	_ =	shalt  }
0x48: {  	_ =	shalt  }
0x49: {  	_ =	shalt  }
0x4a: {  	_ =	shalt  }
0x4b: {  	_ =	shalt  }
0x4c: {  	_ =	shalt  }
0x4d: {  	_ =	shalt  }
0x4e: {  	_ =	shalt  }
0x4f: {  	_ =	shalt  }
0x50: {  	_ =	shalt  }
0x51: {  	_ =	shalt  }
0x52: {  	_ =	shalt  }
0x53: {  	_ =	shalt  }
0x54: {  	_ =	shalt  }
0x55: {  	_ =	shalt  }
0x56: {  	_ =	shalt  }
0x57: {  	_ =	shalt  }
0x58: {  	_ =	shalt  }
0x59: {  	_ =	shalt  }
0x5a: {  	_ =	shalt  }
0x5b: {  	_ =	shalt  }
0x5c: {  	_ =	shalt  }
0x5d: {  	_ =	shalt  }
0x5e: {  	_ =	shalt  }
0x5f: {  	_ =	shalt  }
0x60: {  	_ =	shalt  }
0x61: {  	_ =	shalt  }
0x62: {  	_ =	shalt  }
0x63: {  	_ =	shalt  }
0x64: {  	_ =	shalt  }
0x65: {  	_ =	shalt  }
0x66: {  	_ =	shalt  }
0x67: {  	_ =	shalt  }
0x68: {  	_ =	shalt  }
0x69: {  	_ =	shalt  }
0x6a: {  	_ =	shalt  }
0x6b: {  	_ =	shalt  }
0x6c: {  	_ =	shalt  }
0x6d: {  	_ =	shalt  }
0x6e: {  	_ =	shalt  }
0x6f: {  	_ =	shalt  }
0x70: {  	_ =	shalt  }
0x71: {  	_ =	shalt  }
0x72: {  	_ =	shalt  }
0x73: {  	_ =	shalt  }
0x74: {  	_ =	shalt  }
0x75: {  	_ =	shalt  }
0x76: {  	_ =	shalt  }
0x77: {  	_ =	shalt  }
0x78: {  	_ =	shalt  }
0x79: {  	_ =	shalt  }
0x7a: {  	_ =	shalt  }
0x7b: {  	_ =	shalt  }
0x7c: {  	_ =	shalt  }
0x7d: {  	_ =	shalt  }
0x7e: {  	_ =	shalt  }
0x7f: {  	_ =	shalt  }
0x80: {  	_ =	shalt  }
0x81: {  	_ =	shalt  }
0x82: {  	_ =	shalt  }
0x83: {  	_ =	shalt  }
0x84: {  	_ =	shalt  }
0x85: {  	_ =	shalt  }
0x86: {  	_ =	shalt  }
0x87: {  	_ =	shalt  }
.Lfunc_end0:
.L_simem_size_0:
called_computation.1_lowered:
.L_overlay_start_0:
0x88: {  	s2 =	sld [smem:$0x3FD9]  }
0x89: {  	s3 =	sld [smem:$0x3FFE];
	_ =	sdelay $0x1  }
0x8a: {  	s1 =	srdreg.scid  }
0x8b: {  	s0 =	sand.u32 $0x1, s1  }
0x8c: {  	s16 =	sshll.u32 s0, $0xA;
	s2 =	sadd.s32 s3, s2  }
0x8d: {  	s2 =	sadd.s32 s2, s16  }
0x8e: {  	[smem:$0x3FBB] =	sst s2  }
0x8f: {  	_ = 	snop  }
0x90: {  	(tm) =	ssettm $0x1  }
0x91: {  	s17 =	sld [smem:$0x3FFB];
	_ =	sdelay $0x3  }
0x92: {  	_ =	strace s17  }
0x93: {  	s2 =	sld [smem:$0x3FFC];
	_ =	sdelay $0x3  }
0x94: {  	_ =	strace s2  }
0x95: {  	s2 =	sld [smem:$0x3FFD];
	_ =	sdelay $0x3  }
0x96: {  	_ =	strace s2  }
0x97: {  	_ =	strace $0x8FFFFFFF  }
0x98: {  	s18 =	sld [smem:$0x3FDB];
	_ =	sdelay $0x1  }
0x99: {  	s19 =	simm.s32 $_scs_section_size  }
0x9a: {  	s4 =	simm.s32 $_size__tile_overlayer_lowered;
	s5 =	simm.s32 $_tile_overlayer_lowered  }
0x9b: {  	s22 =	simm.s32 $0x1BFF;
	s21 =	sshll.u32 s5, $0x1;
	s2 =	sadd.s32 s19, s18  }
0x9c: {  	s6 =	simm.s32 $0x0;
	s20 =	sshll.u32 s4, $0x1;
	s4 =	sadd.s32 s21, s2  }
0x9d: {  	[timem:s6], [sflag:s22] =	dma.local [hbm:s4], s20  }
0x9e: {  	_ =	swait.ge [sflag:s22], s20  }
0x9f: {  	s3 =	ssub.s32 $0x0, s20;
	[sflag:s22] =	ssyncset.done $0x0  }
0xa0: {  	[sflag:s22] =	ssyncadd.s32 s3;
	_ =	sdelay $0x1  }
0xa1: {  	s23 =	simm.s32 $0x1B8B  }
0xa2: {  	_ =	swait.ge [sflag:s23], $0x1  }
0xa3: {  	[sflag:s23] =	ssyncset.done $0x0  }
0xa4: {  	s25 =	simm.s32 $0x1B8E;
	s24 =	sld [smem:$0x3FFE];
	[sflag:s23] =	ssyncadd.s32 $0xFFFFFFFF  }
0xa5: {  	s26 =	simm.s32 $execute0_lowered;
	[smem:$0x3FD2] =	sst s25  }
0xa6: {  	s4 =	sshll.u32 s26, $0x1;
	_ =	strace $0x80000049;
	[dreg:$0x1] =	wrdreg $0xFFFFFFFF  }
0xa7: {  	s28 =	simm.s32 $_size_execute0_lowered;
	s2 =	sadd.s32 s2, s4;
	[dreg:$0x0] =	wrdreg $0x0  }
0xa8: {  	s4 =	sshll.u32 s28, $0x1;
	[dreg:$0x2] =	wrdreg s2  }
0xa9: {  	[dreg:$0x3] =	wrdreg s4  }
0xaa: {  	[dreg:$0x4] =	wrdreg $0xC0  }
0xab: {  	_ =	task [dreg:s6], $0x5FFFF  }
0xac: {  	[dreg:$0x1] =	wrdreg $0xFFFFFFFF  }
0xad: {  	[dreg:$0x0] =	wrdreg $0x60  }
0xae: {  	[dreg:$0x2] =	wrdreg s24  }
0xaf: {  	[dreg:$0x3] =	wrdreg $0x89000  }
0xb0: {  	[dreg:$0x4] =	wrdreg $0x9  }
0xb1: {  	_ =	task.clear_ibuf [dreg:s6], $0x5FFFF;
	_ =	strace $0x90000049  }
0xb2: {  	s29 =	simm.s32 $0x9;
	_ =	strace $0x8000004B  }
0xb3: {  	_ =	swait.ge [sflag:s29], $0x1  }
0xb4: {  	[sflag:s29] =	ssyncadd.s32 $0xFFFFFFFF  }
0xb5: {  	_ =	strace $0x9000004B  }
0xb6: {  	_ =	sfence  }
0xb7: {  	s30 =	sld [smem:$0x0];
	_ =	sdelay $0x2  }
0xb8: {  	s31 =	sshll.u32 s1, $0xD;
	s1 =	sshrl.u32 s1, $0x2  }
0xb9: {  	s3 =	sand.u32 $0x4000, s31;
	s1 =	sadd.s32 s1, s30  }
0xba: {  	s0 =	sor.u32 s3, s0;
	s1 =	sshll.u32 s1, $0x11  }
0xbb: {  	s0 =	sor.u32 s1, s0  }
0xbc: {  	s0 =	sadd.s32 $0x8F2B, s0  }
0xbd: {  	[sflag:s0] =	ssyncadd.remote.s32 $0x1  }
0xbe: {  	_ =	sfence.sel $0xFFFF  }
0xbf: {  	[dreg:$0x0] =	wrdreg $0xFFFFFFFF;
	(pc) =	sbr.abs _section_cstart, $3  }
0xc0: {  	[dreg:$0x1] =	wrdreg $0xFFFFFFFF  }
0xc1: {  	_ =	task.clear_ibuf [dreg:s6], $0x2FFFF;
	_ =	strace $0x9FFFFFFF  }
0xc2: {  	(tm) =	ssettm $0x7FFFFFFF  }
0xc3: {  	_ =	shalt  }
tec
execute0_lowered:
.L_overlay_start_1:
0x0: {  	(tag) =	ssettag $0x1  }
0x1: {  	s16 =	rddreg [dreg:$0x0]  }
0x2: {  	s1 =	rddreg [dreg:$0x1]  }
0x3: {  	s0 =	rddreg [dreg:$0x2];
	s2 =	simm.s32 $0x0  }
0x4: {  	s5 =	srdreg.scid;
	s17 =	stileid.u32;
	s19 =	simm.s32 $0x1  }
0x5: {  	s21 =	simm.s32 $0x900;
	s22 =	simm.s32 $0x4900;
	[smem:$0x7FF] =	sst s2  }
0x6: {  	s3 =	sadd.s32 $0x35600, s16;
	s9 =	sand.u32 $0x1, s5;
	s5 =	sadd.s32 $0x155E00, s16  }
0x7: {  	s4 =	sadd.s32 $0x8A600, s16;
	s6 =	sadd.s32 $0xB6E00, s16;
	s12 =	sadd.s32 $0x1CC600, s16  }
0x8: {  	s20 =	simm.s32 $0x80;
	s15 =	sadd.s32 $0x242E00, s16;
	_ =	strace $0x8000004A  }
0x9: {  	s8 =	smul.u32 $0x13C000, s9;
	s7 =	sshll.u32 s9, $0x4;
	s13 =	ssub.s32 $0x2, s9  }
0xa: {  	s10 =	sor.u32 s17, s7;
	s7 =	sadd.s32 $0x8F600, s16;
	s14 =	sshrl.u32 s13, $0x1  }
0xb: {  	s11 =	sadd.s32 s8, s16;
	s8 =	smul.u32 $0x28, s10;
	s10 =	sadd.s32 $0x17D600, s16  }
0xc: {  	s18 =	ssub.s32 s13, s14;
	s13 =	sadd.s32 $0x1F3E00, s16;
	s14 =	sadd.s32 $0x21B600, s16  }
0xd: {  	p0 =	sne.s32 s17, $0x0;
	s9 =	sadd.s32 $0x291E00, s11;
	s11 =	sadd.s32 $0x1A4E00, s16  }
0xe: {  	s16 =	sadd.s32 $0x26A600, s16;
	s17 =	smax.u32 s18, $0x1;
	s18 =	sshrl.u32 @!p0 s1, $0x3  }
.LBB2_1:
0xf: {  	s23 =	simm.s32 @!p0 $0x1C01  }
0x10: {  	[spmem:s18], [sflag:s23] =	dma.local @!p0 [hbm:s7], $0x27800  }
0x11: {  	s23 =	simm.s32 @!p0 $0x1  }
0x12: {  	_ =	swait.ge @!p0 [sflag:s23], $0x27800  }
0x13: {  	[sflag:s23] =	ssyncset.done @!p0 $0x0  }
0x14: {  	[sflag:s23] =	ssyncadd.s32 @!p0 $0xFFFD8800  }
0x15: {  	s23 =	simm.s32 $0x0;
	[bflag:$0x0] =	sbarrier.arrive $0xFFFF  }
.LBB2_2:
0x16: {  	s24 =	sadd.s32 s8, s23  }
0x17: {  	s25 =	sshll.u32 s24, $0x4  }
0x18: {  	s28 =	simm.s32 $0x0;
	s26 =	sadd.s32 s3, s25  }
0x19: {  	[tilespmem:s28], [sflag:$0x1] =	stream.linear.gather [hbm4b:s26+s28], $0x80, $0x38;
	[tilespmem:$0x1C500] =	vst v63  }
0x1a: {  	_ =	swait.ge [sflag:s19], $0x80  }
0x1b: {  	[sflag:s19] =	ssyncset.done $0x0  }
0x1c: {  	s25 =	sadd.s32 s4, s25;
	[sflag:s19] =	ssyncadd.s32 $0xFFFFFF80  }
0x1d: {  	[tilespmem:s20], [sflag:$0x1] =	stream.linear.gather [hbm4b:s25+s28], $0x80, $0x38;
	[tilespmem:$0x1C500] =	vst v63  }
0x1e: {  	_ =	swait.ge [sflag:s19], $0x80  }
0x1f: {  	s24 =	sshll.u32 s24, $0x8;
	[sflag:s19] =	ssyncset.done $0x0  }
0x20: {  	s24 =	sadd.s32 s6, s24;
	s25 =	simm.s32 $0x100;
	[sflag:s19] =	ssyncadd.s32 $0xFFFFFF80  }
0x21: {  	[tilespmem:s25], [sflag:$0x1] =	stream.linear.gather [hbm4b:s24+s28], $0x800, $0x38;
	[tilespmem:$0x1C500] =	vst v63  }
0x22: {  	_ =	swait.ge [sflag:s19], $0x800  }
0x23: {  	[sflag:s19] =	ssyncset.done $0x0  }
0x24: {  	[sflag:s19] =	ssyncadd.s32 $0xFFFFF800  }
0x25: {  	[tilespmem:s21], [sflag:$0x1] =	stream.indirect.gather [hbm4b:s5+s20], $0x80, s28, s20, $0xb8;
	[tilespmem:$0x1C500] =	vst v63  }
0x26: {  	_ =	swait.ge [sflag:s19], $0x4000  }
0x27: {  	[sflag:s19] =	ssyncset.done $0x0  }
0x28: {  	s24 =	simm.s32 $0x0;
	[sflag:s19] =	ssyncadd.s32 $0xFFFFC000  }
0x29: {  	v1 =	vld [tilespmem:s24+$0x900]  }
0x2a: {  	v2 =	vld [tilespmem:s24+$0x910]  }
0x2b: {  	v3 =	vld [tilespmem:s24+$0x920]  }
0x2c: {  	v4 =	vld [tilespmem:s24+$0x930]  }
0x2d: {  	s26 =	simm.s32 $0x200;
	v0 =	vld.msk [tilespmem:s25+$0x0 ss:$0x0], $0xffff  }
.LBB2_3:
0x2e: {  	p1 =	sne.s32 s26, $0xFE00;
	v5 =	vld [tilespmem:s24+$0x940]  }
0x2f: {  	v6 =	vld [tilespmem:s24+$0x950]  }
0x30: {  	v7 =	vld [tilespmem:s24+$0x960]  }
0x31: {  	v8 =	vld [tilespmem:s24+$0x970];
	_ =	sdelay $0x1  }
0x32: {  	v1 =	vmul.f32 v0, v1;
	v2 =	vmul.f32 v2, v0  }
0x33: {  	v3 =	vmul.f32 v3, v0;
	v4 =	vmul.f32 v4, v0  }
0x34: {  	v5 =	vmul.f32 v5, v0;
	v6 =	vmul.f32 v6, v0;
	[tilespmem:s24+$0x4900] =	vst v1  }
0x35: {  	v7 =	vmul.f32 v7, v0;
	[tilespmem:s24+$0x4910] =	vst v2;
	v0 =	vmul.f32 v8, v0  }
0x36: {  	[tilespmem:s24+$0x4920] =	vst v3  }
0x37: {  	s28 =	sshra.s32 s26, $0x2;
	[tilespmem:s24+$0x4930] =	vst v4  }
.Ltmp0:
0x38: {  	v1 =	vld [tilespmem:s28+$0x900];
	[tilespmem:s24+$0x4940] =	vst v5;
	(pc) =	sbr.rel @p1 .LBB2_3-.Ltmp0, $4  }
0x39: {  	v2 =	vld [tilespmem:s28+$0x910];
	[tilespmem:s24+$0x4950] =	vst v6  }
0x3a: {  	v3 =	vld [tilespmem:s28+$0x920];
	[tilespmem:s24+$0x4960] =	vst v7  }
0x3b: {  	s25 =	sadd.s32 $0x10, s25;
	v4 =	vld [tilespmem:s28+$0x930];
	[tilespmem:s24+$0x4970] =	vst v0;
	s24 =	smov.u32 s28  }
0x3c: {  	s26 =	sadd.s32 $0x200, s26;
	v0 =	vld.msk [tilespmem:s25+$0x0 ss:$0x0], $0xffff  }
0x3d: {  	_ =	sdelay $0x2  }
0x3e: {  	v5 =	vld [tilespmem:s24+$0x940]  }
0x3f: {  	v6 =	vld [tilespmem:s24+$0x950];
	v1 =	vmul.f32 v0, v1  }
0x40: {  	v7 =	vld [tilespmem:s24+$0x960];
	v2 =	vmul.f32 v2, v0  }
0x41: {  	v8 =	vld [tilespmem:s24+$0x970];
	v3 =	vmul.f32 v3, v0;
	[tilespmem:s24+$0x4900] =	vst v1  }
0x42: {  	v59 =	vmul.f32 v4, v0;
	[tilespmem:s24+$0x4910] =	vst v2  }
0x43: {  	v60 =	vmul.f32 v5, v0;
	[tilespmem:s24+$0x4920] =	vst v3  }
0x44: {  	v61 =	vmul.f32 v6, v0;
	[tilespmem:s24+$0x4930] =	vst v59  }
0x45: {  	v62 =	vmul.f32 v7, v0;
	[tilespmem:s24+$0x4940] =	vst v60  }
0x46: {  	s23 =	sadd.s32 $0x1, s23;
	v63 =	vmul.f32 v8, v0;
	[tilespmem:s24+$0x4950] =	vst v61  }
0x47: {  	p1 =	sne.s32 s23, $0x28;
	[tilespmem:s24+$0x4960] =	vst v62  }
.Ltmp1:
0x48: {  	[tilespmem:s24+$0x4970] =	vst v63;
	(pc) =	sbr.rel @p1 .LBB2_2-.Ltmp1, $4  }
0x49: {  	[spmem:s1] =	stream.indirect.scatter.add.f32 [tilespmem:s22], [sflag:$0x1], $0x80, s20, s20, $0xb8;
	[tilespmem:$0x1C500] =	vst v63  }
0x4a: {  	_ =	swait.ge [sflag:s19], $0x4000  }
0x4b: {  	[sflag:s19] =	ssyncset.done $0x0  }
0x4c: {  	[sflag:s19] =	ssyncadd.s32 $0xFFFFC000  }
0x4d: {  	[bflag:$0x0] =	sbarrier.arrive $0xFFFF  }
0x4e: {  	s23 =	simm.s32 @!p0 $0x1C01;
	s24 =	simm.s32 @!p0 $0x1;
	[bflag:$0x0] =	sbarrier.arrive @p0 $0xFFFF  }
0x4f: {  	[hbm:s9], [sflag:s23] =	dma.local @!p0 [spmem:s18], $0x27800  }
0x50: {  	_ =	swait.ge @!p0 [sflag:s24], $0x27800  }
0x51: {  	[sflag:s24] =	ssyncset.done @!p0 $0x0  }
0x52: {  	[sflag:s24] =	ssyncadd.s32 @!p0 $0xFFFD8800  }
0x53: {  	[bflag:$0x0] =	sbarrier.arrive @!p0 $0xFFFF  }
0x54: {  	[spmem:s18], [sflag:s23] =	dma.local @!p0 [hbm:s7], $0x27800  }
0x55: {  	_ =	swait.ge @!p0 [sflag:s24], $0x27800  }
0x56: {  	[sflag:s24] =	ssyncset.done @!p0 $0x0  }
0x57: {  	[sflag:s24] =	ssyncadd.s32 @!p0 $0xFFFD8800  }
0x58: {  	s23 =	simm.s32 $0x0;
	s24 =	simm.s32 $0x0;
	[bflag:$0x0] =	sbarrier.arrive $0xFFFF  }
.LBB2_6:
0x59: {  	s25 =	sadd.s32 s8, s24  }
0x5a: {  	s26 =	sshll.u32 s25, $0x4  }
0x5b: {  	s28 =	sadd.s32 s3, s26  }
0x5c: {  	[tilespmem:s23], [sflag:$0x1] =	stream.linear.gather [hbm4b:s28+s23], $0x80, $0x38;
	[tilespmem:$0x1C500] =	vst v63  }
0x5d: {  	_ =	swait.ge [sflag:s19], $0x80  }
0x5e: {  	[sflag:s19] =	ssyncset.done $0x0  }
0x5f: {  	s26 =	sadd.s32 s4, s26;
	[sflag:s19] =	ssyncadd.s32 $0xFFFFFF80  }
0x60: {  	[tilespmem:s20], [sflag:$0x1] =	stream.linear.gather [hbm4b:s26+s23], $0x80, $0x38;
	[tilespmem:$0x1C500] =	vst v63  }
0x61: {  	_ =	swait.ge [sflag:s19], $0x80  }
0x62: {  	s25 =	sshll.u32 s25, $0x8;
	[sflag:s19] =	ssyncset.done $0x0  }
0x63: {  	s25 =	sadd.s32 s6, s25;
	s26 =	simm.s32 $0x100;
	[sflag:s19] =	ssyncadd.s32 $0xFFFFFF80  }
0x64: {  	[tilespmem:s26], [sflag:$0x1] =	stream.linear.gather [hbm4b:s25+s23], $0x800, $0x38;
	[tilespmem:$0x1C500] =	vst v63  }
0x65: {  	_ =	swait.ge [sflag:s19], $0x800  }
0x66: {  	[sflag:s19] =	ssyncset.done $0x0  }
0x67: {  	[sflag:s19] =	ssyncadd.s32 $0xFFFFF800  }
0x68: {  	[tilespmem:s21], [sflag:$0x1] =	stream.indirect.gather [hbm4b:s10+s20], $0x80, s23, s20, $0xb8;
	[tilespmem:$0x1C500] =	vst v63  }
0x69: {  	_ =	swait.ge [sflag:s19], $0x4000  }
0x6a: {  	[sflag:s19] =	ssyncset.done $0x0  }
0x6b: {  	s25 =	simm.s32 $0x0;
	[sflag:s19] =	ssyncadd.s32 $0xFFFFC000  }
0x6c: {  	v1 =	vld [tilespmem:s25+$0x900]  }
0x6d: {  	v2 =	vld [tilespmem:s25+$0x910]  }
0x6e: {  	v3 =	vld [tilespmem:s25+$0x920]  }
0x6f: {  	v4 =	vld [tilespmem:s25+$0x930]  }
0x70: {  	s28 =	simm.s32 $0x200;
	v0 =	vld.msk [tilespmem:s26+$0x0 ss:$0x0], $0xffff  }
.LBB2_7:
0x71: {  	p1 =	sne.s32 s28, $0xFE00;
	v5 =	vld [tilespmem:s25+$0x940]  }
0x72: {  	v6 =	vld [tilespmem:s25+$0x950]  }
0x73: {  	v7 =	vld [tilespmem:s25+$0x960]  }
0x74: {  	v8 =	vld [tilespmem:s25+$0x970];
	_ =	sdelay $0x1  }
0x75: {  	v1 =	vmul.f32 v0, v1;
	v2 =	vmul.f32 v2, v0  }
0x76: {  	v3 =	vmul.f32 v3, v0;
	v4 =	vmul.f32 v4, v0  }
0x77: {  	v5 =	vmul.f32 v5, v0;
	v6 =	vmul.f32 v6, v0;
	[tilespmem:s25+$0x4900] =	vst v1  }
0x78: {  	v7 =	vmul.f32 v7, v0;
	[tilespmem:s25+$0x4910] =	vst v2;
	v0 =	vmul.f32 v8, v0  }
0x79: {  	[tilespmem:s25+$0x4920] =	vst v3  }
0x7a: {  	s29 =	sshra.s32 s28, $0x2;
	[tilespmem:s25+$0x4930] =	vst v4  }
.Ltmp2:
0x7b: {  	v1 =	vld [tilespmem:s29+$0x900];
	[tilespmem:s25+$0x4940] =	vst v5;
	(pc) =	sbr.rel @p1 .LBB2_7-.Ltmp2, $4  }
0x7c: {  	v2 =	vld [tilespmem:s29+$0x910];
	[tilespmem:s25+$0x4950] =	vst v6  }
0x7d: {  	v3 =	vld [tilespmem:s29+$0x920];
	[tilespmem:s25+$0x4960] =	vst v7  }
0x7e: {  	s26 =	sadd.s32 $0x10, s26;
	v4 =	vld [tilespmem:s29+$0x930];
	[tilespmem:s25+$0x4970] =	vst v0;
	s25 =	smov.u32 s29  }
0x7f: {  	s28 =	sadd.s32 $0x200, s28;
	v0 =	vld.msk [tilespmem:s26+$0x0 ss:$0x0], $0xffff  }
0x80: {  	_ =	sdelay $0x2  }
0x81: {  	v5 =	vld [tilespmem:s25+$0x940]  }
0x82: {  	v6 =	vld [tilespmem:s25+$0x950];
	v1 =	vmul.f32 v0, v1  }
0x83: {  	v7 =	vld [tilespmem:s25+$0x960];
	v2 =	vmul.f32 v2, v0  }
0x84: {  	v8 =	vld [tilespmem:s25+$0x970];
	v3 =	vmul.f32 v3, v0;
	[tilespmem:s25+$0x4900] =	vst v1  }
0x85: {  	v59 =	vmul.f32 v4, v0;
	[tilespmem:s25+$0x4910] =	vst v2  }
0x86: {  	v60 =	vmul.f32 v5, v0;
	[tilespmem:s25+$0x4920] =	vst v3  }
0x87: {  	v61 =	vmul.f32 v6, v0;
	[tilespmem:s25+$0x4930] =	vst v59  }
0x88: {  	v62 =	vmul.f32 v7, v0;
	[tilespmem:s25+$0x4940] =	vst v60  }
0x89: {  	s24 =	sadd.s32 $0x1, s24;
	v63 =	vmul.f32 v8, v0;
	[tilespmem:s25+$0x4950] =	vst v61  }
0x8a: {  	p1 =	sne.s32 s24, $0x28;
	[tilespmem:s25+$0x4960] =	vst v62  }
.Ltmp3:
0x8b: {  	[tilespmem:s25+$0x4970] =	vst v63;
	(pc) =	sbr.rel @p1 .LBB2_6-.Ltmp3, $4  }
0x8c: {  	[spmem:s1] =	stream.indirect.scatter.add.f32 [tilespmem:s22], [sflag:$0x1], $0x80, s20, s20, $0xb8;
	[tilespmem:$0x1C500] =	vst v63  }
0x8d: {  	_ =	swait.ge [sflag:s19], $0x4000  }
0x8e: {  	[sflag:s19] =	ssyncset.done $0x0  }
0x8f: {  	[sflag:s19] =	ssyncadd.s32 $0xFFFFC000  }
0x90: {  	[bflag:$0x0] =	sbarrier.arrive $0xFFFF  }
0x91: {  	s23 =	sadd.s32 @!p0 $0x27800, s9;
	s24 =	simm.s32 @!p0 $0x1C01;
	[bflag:$0x0] =	sbarrier.arrive @p0 $0xFFFF  }
0x92: {  	[hbm:s23], [sflag:s24] =	dma.local @!p0 [spmem:s18], $0x27800  }
0x93: {  	s23 =	simm.s32 @!p0 $0x1  }
0x94: {  	_ =	swait.ge @!p0 [sflag:s23], $0x27800  }
0x95: {  	[sflag:s23] =	ssyncset.done @!p0 $0x0  }
0x96: {  	[sflag:s23] =	ssyncadd.s32 @!p0 $0xFFFD8800  }
0x97: {  	[bflag:$0x0] =	sbarrier.arrive @!p0 $0xFFFF  }
0x98: {  	[spmem:s18], [sflag:s24] =	dma.local @!p0 [hbm:s7], $0x27800  }
0x99: {  	_ =	swait.ge @!p0 [sflag:s23], $0x27800  }
0x9a: {  	[sflag:s23] =	ssyncset.done @!p0 $0x0  }
0x9b: {  	[sflag:s23] =	ssyncadd.s32 @!p0 $0xFFFD8800  }
0x9c: {  	s24 =	simm.s32 $0x0;
	s23 =	simm.s32 $0x0;
	[bflag:$0x0] =	sbarrier.arrive $0xFFFF  }
.LBB2_10:
0x9d: {  	s25 =	sadd.s32 s8, s24  }
0x9e: {  	s26 =	sshll.u32 s25, $0x4  }
0x9f: {  	s28 =	sadd.s32 s3, s26  }
0xa0: {  	[tilespmem:s23], [sflag:$0x1] =	stream.linear.gather [hbm4b:s28+s23], $0x80, $0x38;
	[tilespmem:$0x1C500] =	vst v63  }
0xa1: {  	_ =	swait.ge [sflag:s19], $0x80  }
0xa2: {  	[sflag:s19] =	ssyncset.done $0x0  }
0xa3: {  	s26 =	sadd.s32 s4, s26;
	[sflag:s19] =	ssyncadd.s32 $0xFFFFFF80  }
0xa4: {  	[tilespmem:s20], [sflag:$0x1] =	stream.linear.gather [hbm4b:s26+s23], $0x80, $0x38;
	[tilespmem:$0x1C500] =	vst v63  }
0xa5: {  	_ =	swait.ge [sflag:s19], $0x80  }
0xa6: {  	s25 =	sshll.u32 s25, $0x8;
	[sflag:s19] =	ssyncset.done $0x0  }
0xa7: {  	s25 =	sadd.s32 s6, s25;
	s26 =	simm.s32 $0x100;
	[sflag:s19] =	ssyncadd.s32 $0xFFFFFF80  }
0xa8: {  	[tilespmem:s26], [sflag:$0x1] =	stream.linear.gather [hbm4b:s25+s23], $0x800, $0x38;
	[tilespmem:$0x1C500] =	vst v63  }
0xa9: {  	_ =	swait.ge [sflag:s19], $0x800  }
0xaa: {  	[sflag:s19] =	ssyncset.done $0x0  }
0xab: {  	[sflag:s19] =	ssyncadd.s32 $0xFFFFF800  }
0xac: {  	[tilespmem:s21], [sflag:$0x1] =	stream.indirect.gather [hbm4b:s11+s20], $0x80, s23, s20, $0xb8;
	[tilespmem:$0x1C500] =	vst v63  }
0xad: {  	_ =	swait.ge [sflag:s19], $0x4000  }
0xae: {  	[sflag:s19] =	ssyncset.done $0x0  }
0xaf: {  	s25 =	simm.s32 $0x0;
	[sflag:s19] =	ssyncadd.s32 $0xFFFFC000  }
0xb0: {  	v0 =	vld [tilespmem:s25+$0x900]  }
0xb1: {  	v1 =	vld [tilespmem:s25+$0x910]  }
0xb2: {  	v2 =	vld [tilespmem:s25+$0x920]  }
0xb3: {  	s28 =	simm.s32 $0x200;
	v3 =	vld [tilespmem:s26+$0x0]  }
.LBB2_11:
0xb4: {  	p1 =	sne.s32 s28, $0xFE00;
	v4 =	vld [tilespmem:s25+$0x930]  }
0xb5: {  	v5 =	vld [tilespmem:s25+$0x940]  }
0xb6: {  	v6 =	vld [tilespmem:s25+$0x950]  }
0xb7: {  	v7 =	vld [tilespmem:s25+$0x960]  }
0xb8: {  	v3 =	vbroadcast v3, $0x1;
	v8 =	vld [tilespmem:s25+$0x970];
	_ =	sdelay $0x1  }
0xb9: {  	v0 =	vmul.f32 v3, v0;
	v1 =	vmul.f32 v1, v3  }
0xba: {  	v2 =	vmul.f32 v2, v3;
	v4 =	vmul.f32 v4, v3  }
0xbb: {  	[tilespmem:s25+$0x4900] =	vst v0;
	v0 =	vmul.f32 v5, v3;
	v5 =	vmul.f32 v6, v3  }
0xbc: {  	v6 =	vmul.f32 v7, v3;
	[tilespmem:s25+$0x4910] =	vst v1;
	v3 =	vmul.f32 v8, v3  }
0xbd: {  	[tilespmem:s25+$0x4920] =	vst v2  }
0xbe: {  	[tilespmem:s25+$0x4930] =	vst v4  }
.Ltmp4:
0xbf: {  	s29 =	sshra.s32 s28, $0x2;
	[tilespmem:s25+$0x4940] =	vst v0;
	(pc) =	sbr.rel @p1 .LBB2_11-.Ltmp4, $4  }
0xc0: {  	v0 =	vld [tilespmem:s29+$0x900];
	[tilespmem:s25+$0x4950] =	vst v5  }
0xc1: {  	v1 =	vld [tilespmem:s29+$0x910];
	[tilespmem:s25+$0x4960] =	vst v6  }
0xc2: {  	s26 =	sadd.s32 $0x10, s26;
	v2 =	vld [tilespmem:s29+$0x920];
	[tilespmem:s25+$0x4970] =	vst v3;
	s25 =	smov.u32 s29  }
0xc3: {  	s28 =	sadd.s32 $0x200, s28;
	v3 =	vld [tilespmem:s26+$0x0]  }
0xc4: {  	_ =	sdelay $0x3  }
0xc5: {  	v4 =	vld [tilespmem:s25+$0x930];
	v3 =	vbroadcast v3, $0x1  }
0xc6: {  	v5 =	vld [tilespmem:s25+$0x940]  }
0xc7: {  	v6 =	vld [tilespmem:s25+$0x950];
	v0 =	vmul.f32 v3, v0  }
0xc8: {  	v7 =	vld [tilespmem:s25+$0x960];
	v1 =	vmul.f32 v1, v3  }
0xc9: {  	v8 =	vld [tilespmem:s25+$0x970];
	v2 =	vmul.f32 v2, v3;
	[tilespmem:s25+$0x4900] =	vst v0  }
0xca: {  	v59 =	vmul.f32 v4, v3;
	[tilespmem:s25+$0x4910] =	vst v1  }
0xcb: {  	v60 =	vmul.f32 v5, v3;
	[tilespmem:s25+$0x4920] =	vst v2  }
0xcc: {  	v61 =	vmul.f32 v6, v3;
	[tilespmem:s25+$0x4930] =	vst v59  }
0xcd: {  	v62 =	vmul.f32 v7, v3;
	[tilespmem:s25+$0x4940] =	vst v60  }
0xce: {  	s24 =	sadd.s32 $0x1, s24;
	v63 =	vmul.f32 v8, v3;
	[tilespmem:s25+$0x4950] =	vst v61  }
0xcf: {  	p1 =	sne.s32 s24, $0x28;
	[tilespmem:s25+$0x4960] =	vst v62  }
.Ltmp5:
0xd0: {  	[tilespmem:s25+$0x4970] =	vst v63;
	(pc) =	sbr.rel @p1 .LBB2_10-.Ltmp5, $4  }
0xd1: {  	[spmem:s1] =	stream.indirect.scatter.add.f32 [tilespmem:s22], [sflag:$0x1], $0x80, s20, s20, $0xb8;
	[tilespmem:$0x1C500] =	vst v63  }
0xd2: {  	_ =	swait.ge [sflag:s19], $0x4000  }
0xd3: {  	[sflag:s19] =	ssyncset.done $0x0  }
0xd4: {  	[sflag:s19] =	ssyncadd.s32 $0xFFFFC000  }
0xd5: {  	[bflag:$0x0] =	sbarrier.arrive $0xFFFF  }
0xd6: {  	s23 =	sadd.s32 @!p0 $0x4F000, s9;
	s24 =	simm.s32 @!p0 $0x1C01;
	[bflag:$0x0] =	sbarrier.arrive @p0 $0xFFFF  }
0xd7: {  	[hbm:s23], [sflag:s24] =	dma.local @!p0 [spmem:s18], $0x27800  }
0xd8: {  	s23 =	simm.s32 @!p0 $0x1  }
0xd9: {  	_ =	swait.ge @!p0 [sflag:s23], $0x27800  }
0xda: {  	[sflag:s23] =	ssyncset.done @!p0 $0x0  }
0xdb: {  	[sflag:s23] =	ssyncadd.s32 @!p0 $0xFFFD8800  }
0xdc: {  	[bflag:$0x0] =	sbarrier.arrive @!p0 $0xFFFF  }
0xdd: {  	[spmem:s18], [sflag:s24] =	dma.local @!p0 [hbm:s7], $0x27800  }
0xde: {  	_ =	swait.ge @!p0 [sflag:s23], $0x27800  }
0xdf: {  	[sflag:s23] =	ssyncset.done @!p0 $0x0  }
0xe0: {  	[sflag:s23] =	ssyncadd.s32 @!p0 $0xFFFD8800  }
0xe1: {  	s24 =	simm.s32 $0x0;
	s23 =	simm.s32 $0x0;
	[bflag:$0x0] =	sbarrier.arrive $0xFFFF  }
.LBB2_14:
0xe2: {  	s25 =	sadd.s32 s8, s24  }
0xe3: {  	s26 =	sshll.u32 s25, $0x4  }
0xe4: {  	s28 =	sadd.s32 s3, s26  }
0xe5: {  	[tilespmem:s23], [sflag:$0x1] =	stream.linear.gather [hbm4b:s28+s23], $0x80, $0x38;
	[tilespmem:$0x1C500] =	vst v63  }
0xe6: {  	_ =	swait.ge [sflag:s19], $0x80  }
0xe7: {  	[sflag:s19] =	ssyncset.done $0x0  }
0xe8: {  	s26 =	sadd.s32 s4, s26;
	[sflag:s19] =	ssyncadd.s32 $0xFFFFFF80  }
0xe9: {  	[tilespmem:s20], [sflag:$0x1] =	stream.linear.gather [hbm4b:s26+s23], $0x80, $0x38;
	[tilespmem:$0x1C500] =	vst v63  }
0xea: {  	_ =	swait.ge [sflag:s19], $0x80  }
0xeb: {  	s25 =	sshll.u32 s25, $0x8;
	[sflag:s19] =	ssyncset.done $0x0  }
0xec: {  	s25 =	sadd.s32 s6, s25;
	s26 =	simm.s32 $0x100;
	[sflag:s19] =	ssyncadd.s32 $0xFFFFFF80  }
0xed: {  	[tilespmem:s26], [sflag:$0x1] =	stream.linear.gather [hbm4b:s25+s23], $0x800, $0x38;
	[tilespmem:$0x1C500] =	vst v63  }
0xee: {  	_ =	swait.ge [sflag:s19], $0x800  }
0xef: {  	[sflag:s19] =	ssyncset.done $0x0  }
0xf0: {  	[sflag:s19] =	ssyncadd.s32 $0xFFFFF800  }
0xf1: {  	[tilespmem:s21], [sflag:$0x1] =	stream.indirect.gather [hbm4b:s12+s20], $0x80, s23, s20, $0xb8;
	[tilespmem:$0x1C500] =	vst v63  }
0xf2: {  	_ =	swait.ge [sflag:s19], $0x4000  }
0xf3: {  	[sflag:s19] =	ssyncset.done $0x0  }
0xf4: {  	s25 =	simm.s32 $0x0;
	[sflag:s19] =	ssyncadd.s32 $0xFFFFC000  }
0xf5: {  	v0 =	vld [tilespmem:s25+$0x900]  }
0xf6: {  	v1 =	vld [tilespmem:s25+$0x910]  }
0xf7: {  	v2 =	vld [tilespmem:s25+$0x920]  }
0xf8: {  	s28 =	simm.s32 $0x200;
	v3 =	vld [tilespmem:s26+$0x0]  }
.LBB2_15:
0xf9: {  	p1 =	sne.s32 s28, $0xFE00;
	v4 =	vld [tilespmem:s25+$0x930]  }
0xfa: {  	v5 =	vld [tilespmem:s25+$0x940]  }
0xfb: {  	v6 =	vld [tilespmem:s25+$0x950]  }
0xfc: {  	v7 =	vld [tilespmem:s25+$0x960]  }
0xfd: {  	v3 =	vbroadcast v3, $0x1;
	v8 =	vld [tilespmem:s25+$0x970];
	_ =	sdelay $0x1  }
0xfe: {  	v0 =	vmul.f32 v3, v0;
	v1 =	vmul.f32 v1, v3  }
0xff: {  	v2 =	vmul.f32 v2, v3;
	v4 =	vmul.f32 v4, v3  }
0x100: {  	[tilespmem:s25+$0x4900] =	vst v0;
	v0 =	vmul.f32 v5, v3;
	v5 =	vmul.f32 v6, v3  }
0x101: {  	v6 =	vmul.f32 v7, v3;
	[tilespmem:s25+$0x4910] =	vst v1;
	v3 =	vmul.f32 v8, v3  }
0x102: {  	[tilespmem:s25+$0x4920] =	vst v2  }
0x103: {  	[tilespmem:s25+$0x4930] =	vst v4  }
.Ltmp6:
0x104: {  	s29 =	sshra.s32 s28, $0x2;
	[tilespmem:s25+$0x4940] =	vst v0;
	(pc) =	sbr.rel @p1 .LBB2_15-.Ltmp6, $4  }
0x105: {  	v0 =	vld [tilespmem:s29+$0x900];
	[tilespmem:s25+$0x4950] =	vst v5  }
0x106: {  	v1 =	vld [tilespmem:s29+$0x910];
	[tilespmem:s25+$0x4960] =	vst v6  }
0x107: {  	s26 =	sadd.s32 $0x10, s26;
	v2 =	vld [tilespmem:s29+$0x920];
	[tilespmem:s25+$0x4970] =	vst v3;
	s25 =	smov.u32 s29  }
0x108: {  	s28 =	sadd.s32 $0x200, s28;
	v3 =	vld [tilespmem:s26+$0x0]  }
0x109: {  	_ =	sdelay $0x3  }
0x10a: {  	v4 =	vld [tilespmem:s25+$0x930];
	v3 =	vbroadcast v3, $0x1  }
0x10b: {  	v5 =	vld [tilespmem:s25+$0x940]  }
0x10c: {  	v6 =	vld [tilespmem:s25+$0x950];
	v0 =	vmul.f32 v3, v0  }
0x10d: {  	v7 =	vld [tilespmem:s25+$0x960];
	v1 =	vmul.f32 v1, v3  }
0x10e: {  	v8 =	vld [tilespmem:s25+$0x970];
	v2 =	vmul.f32 v2, v3;
	[tilespmem:s25+$0x4900] =	vst v0  }
0x10f: {  	v59 =	vmul.f32 v4, v3;
	[tilespmem:s25+$0x4910] =	vst v1  }
0x110: {  	v60 =	vmul.f32 v5, v3;
	[tilespmem:s25+$0x4920] =	vst v2  }
0x111: {  	v61 =	vmul.f32 v6, v3;
	[tilespmem:s25+$0x4930] =	vst v59  }
0x112: {  	v62 =	vmul.f32 v7, v3;
	[tilespmem:s25+$0x4940] =	vst v60  }
0x113: {  	s24 =	sadd.s32 $0x1, s24;
	v63 =	vmul.f32 v8, v3;
	[tilespmem:s25+$0x4950] =	vst v61  }
0x114: {  	p1 =	sne.s32 s24, $0x28;
	[tilespmem:s25+$0x4960] =	vst v62  }
.Ltmp7:
0x115: {  	[tilespmem:s25+$0x4970] =	vst v63;
	(pc) =	sbr.rel @p1 .LBB2_14-.Ltmp7, $4  }
0x116: {  	[spmem:s1] =	stream.indirect.scatter.add.f32 [tilespmem:s22], [sflag:$0x1], $0x80, s20, s20, $0xb8;
	[tilespmem:$0x1C500] =	vst v63  }
0x117: {  	_ =	swait.ge [sflag:s19], $0x4000  }
0x118: {  	[sflag:s19] =	ssyncset.done $0x0  }
0x119: {  	[sflag:s19] =	ssyncadd.s32 $0xFFFFC000  }
0x11a: {  	[bflag:$0x0] =	sbarrier.arrive $0xFFFF  }
0x11b: {  	s23 =	sadd.s32 @!p0 $0x76800, s9;
	s24 =	simm.s32 @!p0 $0x1C01;
	[bflag:$0x0] =	sbarrier.arrive @p0 $0xFFFF  }
0x11c: {  	[hbm:s23], [sflag:s24] =	dma.local @!p0 [spmem:s18], $0x27800  }
0x11d: {  	s23 =	simm.s32 @!p0 $0x1  }
0x11e: {  	_ =	swait.ge @!p0 [sflag:s23], $0x27800  }
0x11f: {  	[sflag:s23] =	ssyncset.done @!p0 $0x0  }
0x120: {  	[sflag:s23] =	ssyncadd.s32 @!p0 $0xFFFD8800  }
0x121: {  	[bflag:$0x0] =	sbarrier.arrive @!p0 $0xFFFF  }
0x122: {  	[spmem:s18], [sflag:s24] =	dma.local @!p0 [hbm:s7], $0x27800  }
0x123: {  	_ =	swait.ge @!p0 [sflag:s23], $0x27800  }
0x124: {  	[sflag:s23] =	ssyncset.done @!p0 $0x0  }
0x125: {  	[sflag:s23] =	ssyncadd.s32 @!p0 $0xFFFD8800  }
0x126: {  	s24 =	simm.s32 $0x0;
	s23 =	simm.s32 $0x0;
	[bflag:$0x0] =	sbarrier.arrive $0xFFFF  }
.LBB2_18:
0x127: {  	s25 =	sadd.s32 s8, s24  }
0x128: {  	s26 =	sshll.u32 s25, $0x4  }
0x129: {  	s28 =	sadd.s32 s3, s26  }
0x12a: {  	[tilespmem:s23], [sflag:$0x1] =	stream.linear.gather [hbm4b:s28+s23], $0x80, $0x38;
	[tilespmem:$0x1C500] =	vst v63  }
0x12b: {  	_ =	swait.ge [sflag:s19], $0x80  }
0x12c: {  	[sflag:s19] =	ssyncset.done $0x0  }
0x12d: {  	s26 =	sadd.s32 s4, s26;
	[sflag:s19] =	ssyncadd.s32 $0xFFFFFF80  }
0x12e: {  	[tilespmem:s20], [sflag:$0x1] =	stream.linear.gather [hbm4b:s26+s23], $0x80, $0x38;
	[tilespmem:$0x1C500] =	vst v63  }
0x12f: {  	_ =	swait.ge [sflag:s19], $0x80  }
0x130: {  	s25 =	sshll.u32 s25, $0x8;
	[sflag:s19] =	ssyncset.done $0x0  }
0x131: {  	s25 =	sadd.s32 s6, s25;
	s26 =	simm.s32 $0x100;
	[sflag:s19] =	ssyncadd.s32 $0xFFFFFF80  }
0x132: {  	[tilespmem:s26], [sflag:$0x1] =	stream.linear.gather [hbm4b:s25+s23], $0x800, $0x38;
	[tilespmem:$0x1C500] =	vst v63  }
0x133: {  	_ =	swait.ge [sflag:s19], $0x800  }
0x134: {  	[sflag:s19] =	ssyncset.done $0x0  }
0x135: {  	[sflag:s19] =	ssyncadd.s32 $0xFFFFF800  }
0x136: {  	[tilespmem:s21], [sflag:$0x1] =	stream.indirect.gather [hbm4b:s13+s20], $0x80, s23, s20, $0xb8;
	[tilespmem:$0x1C500] =	vst v63  }
0x137: {  	_ =	swait.ge [sflag:s19], $0x4000  }
0x138: {  	[sflag:s19] =	ssyncset.done $0x0  }
0x139: {  	s25 =	simm.s32 $0x0;
	[sflag:s19] =	ssyncadd.s32 $0xFFFFC000  }
0x13a: {  	v0 =	vld [tilespmem:s25+$0x900]  }
0x13b: {  	v1 =	vld [tilespmem:s25+$0x910]  }
0x13c: {  	v2 =	vld [tilespmem:s25+$0x920]  }
0x13d: {  	s28 =	simm.s32 $0x200;
	v3 =	vld [tilespmem:s26+$0x0]  }
.LBB2_19:
0x13e: {  	p1 =	sne.s32 s28, $0xFE00;
	v4 =	vld [tilespmem:s25+$0x930]  }
0x13f: {  	v5 =	vld [tilespmem:s25+$0x940]  }
0x140: {  	v6 =	vld [tilespmem:s25+$0x950]  }
0x141: {  	v7 =	vld [tilespmem:s25+$0x960]  }
0x142: {  	v3 =	vbroadcast v3, $0x2;
	v8 =	vld [tilespmem:s25+$0x970];
	_ =	sdelay $0x1  }
0x143: {  	v0 =	vmul.f32 v3, v0;
	v1 =	vmul.f32 v1, v3  }
0x144: {  	v2 =	vmul.f32 v2, v3;
	v4 =	vmul.f32 v4, v3  }
0x145: {  	[tilespmem:s25+$0x4900] =	vst v0;
	v0 =	vmul.f32 v5, v3;
	v5 =	vmul.f32 v6, v3  }
0x146: {  	v6 =	vmul.f32 v7, v3;
	[tilespmem:s25+$0x4910] =	vst v1;
	v3 =	vmul.f32 v8, v3  }
0x147: {  	[tilespmem:s25+$0x4920] =	vst v2  }
0x148: {  	[tilespmem:s25+$0x4930] =	vst v4  }
.Ltmp8:
0x149: {  	s29 =	sshra.s32 s28, $0x2;
	[tilespmem:s25+$0x4940] =	vst v0;
	(pc) =	sbr.rel @p1 .LBB2_19-.Ltmp8, $4  }
0x14a: {  	v0 =	vld [tilespmem:s29+$0x900];
	[tilespmem:s25+$0x4950] =	vst v5  }
0x14b: {  	v1 =	vld [tilespmem:s29+$0x910];
	[tilespmem:s25+$0x4960] =	vst v6  }
0x14c: {  	s26 =	sadd.s32 $0x10, s26;
	v2 =	vld [tilespmem:s29+$0x920];
	[tilespmem:s25+$0x4970] =	vst v3;
	s25 =	smov.u32 s29  }
0x14d: {  	s28 =	sadd.s32 $0x200, s28;
	v3 =	vld [tilespmem:s26+$0x0]  }
0x14e: {  	_ =	sdelay $0x3  }
0x14f: {  	v4 =	vld [tilespmem:s25+$0x930];
	v3 =	vbroadcast v3, $0x2  }
0x150: {  	v5 =	vld [tilespmem:s25+$0x940]  }
0x151: {  	v6 =	vld [tilespmem:s25+$0x950];
	v0 =	vmul.f32 v3, v0  }
0x152: {  	v7 =	vld [tilespmem:s25+$0x960];
	v1 =	vmul.f32 v1, v3  }
0x153: {  	v8 =	vld [tilespmem:s25+$0x970];
	v2 =	vmul.f32 v2, v3;
	[tilespmem:s25+$0x4900] =	vst v0  }
0x154: {  	v59 =	vmul.f32 v4, v3;
	[tilespmem:s25+$0x4910] =	vst v1  }
0x155: {  	v60 =	vmul.f32 v5, v3;
	[tilespmem:s25+$0x4920] =	vst v2  }
0x156: {  	v61 =	vmul.f32 v6, v3;
	[tilespmem:s25+$0x4930] =	vst v59  }
0x157: {  	v62 =	vmul.f32 v7, v3;
	[tilespmem:s25+$0x4940] =	vst v60  }
0x158: {  	s24 =	sadd.s32 $0x1, s24;
	v63 =	vmul.f32 v8, v3;
	[tilespmem:s25+$0x4950] =	vst v61  }
0x159: {  	p1 =	sne.s32 s24, $0x28;
	[tilespmem:s25+$0x4960] =	vst v62  }
.Ltmp9:
0x15a: {  	[tilespmem:s25+$0x4970] =	vst v63;
	(pc) =	sbr.rel @p1 .LBB2_18-.Ltmp9, $4  }
0x15b: {  	[spmem:s1] =	stream.indirect.scatter.add.f32 [tilespmem:s22], [sflag:$0x1], $0x80, s20, s20, $0xb8;
	[tilespmem:$0x1C500] =	vst v63  }
0x15c: {  	_ =	swait.ge [sflag:s19], $0x4000  }
0x15d: {  	[sflag:s19] =	ssyncset.done $0x0  }
0x15e: {  	[sflag:s19] =	ssyncadd.s32 $0xFFFFC000  }
0x15f: {  	[bflag:$0x0] =	sbarrier.arrive $0xFFFF  }
0x160: {  	s23 =	sadd.s32 @!p0 $0x9E000, s9;
	s24 =	simm.s32 @!p0 $0x1C01;
	[bflag:$0x0] =	sbarrier.arrive @p0 $0xFFFF  }
0x161: {  	[hbm:s23], [sflag:s24] =	dma.local @!p0 [spmem:s18], $0x27800  }
0x162: {  	s23 =	simm.s32 @!p0 $0x1  }
0x163: {  	_ =	swait.ge @!p0 [sflag:s23], $0x27800  }
0x164: {  	[sflag:s23] =	ssyncset.done @!p0 $0x0  }
0x165: {  	[sflag:s23] =	ssyncadd.s32 @!p0 $0xFFFD8800  }
0x166: {  	[bflag:$0x0] =	sbarrier.arrive @!p0 $0xFFFF  }
0x167: {  	[spmem:s18], [sflag:s24] =	dma.local @!p0 [hbm:s7], $0x27800  }
0x168: {  	_ =	swait.ge @!p0 [sflag:s23], $0x27800  }
0x169: {  	[sflag:s23] =	ssyncset.done @!p0 $0x0  }
0x16a: {  	[sflag:s23] =	ssyncadd.s32 @!p0 $0xFFFD8800  }
0x16b: {  	s24 =	simm.s32 $0x0;
	s23 =	simm.s32 $0x0;
	[bflag:$0x0] =	sbarrier.arrive $0xFFFF  }
.LBB2_22:
0x16c: {  	s25 =	sadd.s32 s8, s24  }
0x16d: {  	s26 =	sshll.u32 s25, $0x4  }
0x16e: {  	s28 =	sadd.s32 s3, s26  }
0x16f: {  	[tilespmem:s23], [sflag:$0x1] =	stream.linear.gather [hbm4b:s28+s23], $0x80, $0x38;
	[tilespmem:$0x1C500] =	vst v63  }
0x170: {  	_ =	swait.ge [sflag:s19], $0x80  }
0x171: {  	[sflag:s19] =	ssyncset.done $0x0  }
0x172: {  	s26 =	sadd.s32 s4, s26;
	[sflag:s19] =	ssyncadd.s32 $0xFFFFFF80  }
0x173: {  	[tilespmem:s20], [sflag:$0x1] =	stream.linear.gather [hbm4b:s26+s23], $0x80, $0x38;
	[tilespmem:$0x1C500] =	vst v63  }
0x174: {  	_ =	swait.ge [sflag:s19], $0x80  }
0x175: {  	s25 =	sshll.u32 s25, $0x8;
	[sflag:s19] =	ssyncset.done $0x0  }
0x176: {  	s25 =	sadd.s32 s6, s25;
	s26 =	simm.s32 $0x100;
	[sflag:s19] =	ssyncadd.s32 $0xFFFFFF80  }
0x177: {  	[tilespmem:s26], [sflag:$0x1] =	stream.linear.gather [hbm4b:s25+s23], $0x800, $0x38;
	[tilespmem:$0x1C500] =	vst v63  }
0x178: {  	_ =	swait.ge [sflag:s19], $0x800  }
0x179: {  	[sflag:s19] =	ssyncset.done $0x0  }
0x17a: {  	[sflag:s19] =	ssyncadd.s32 $0xFFFFF800  }
0x17b: {  	[tilespmem:s21], [sflag:$0x1] =	stream.indirect.gather [hbm4b:s14+s20], $0x80, s23, s20, $0xb8;
	[tilespmem:$0x1C500] =	vst v63  }
0x17c: {  	_ =	swait.ge [sflag:s19], $0x4000  }
0x17d: {  	[sflag:s19] =	ssyncset.done $0x0  }
0x17e: {  	s25 =	simm.s32 $0x0;
	[sflag:s19] =	ssyncadd.s32 $0xFFFFC000  }
0x17f: {  	v0 =	vld [tilespmem:s25+$0x900]  }
0x180: {  	v1 =	vld [tilespmem:s25+$0x910]  }
0x181: {  	v2 =	vld [tilespmem:s25+$0x920]  }
0x182: {  	s28 =	simm.s32 $0x200;
	v3 =	vld [tilespmem:s26+$0x0]  }
.LBB2_23:
0x183: {  	p1 =	sne.s32 s28, $0xFE00;
	v4 =	vld [tilespmem:s25+$0x930]  }
0x184: {  	v5 =	vld [tilespmem:s25+$0x940]  }
0x185: {  	v6 =	vld [tilespmem:s25+$0x950]  }
0x186: {  	v7 =	vld [tilespmem:s25+$0x960]  }
0x187: {  	v3 =	vbroadcast v3, $0x2;
	v8 =	vld [tilespmem:s25+$0x970];
	_ =	sdelay $0x1  }
0x188: {  	v0 =	vmul.f32 v3, v0;
	v1 =	vmul.f32 v1, v3  }
0x189: {  	v2 =	vmul.f32 v2, v3;
	v4 =	vmul.f32 v4, v3  }
0x18a: {  	[tilespmem:s25+$0x4900] =	vst v0;
	v0 =	vmul.f32 v5, v3;
	v5 =	vmul.f32 v6, v3  }
0x18b: {  	v6 =	vmul.f32 v7, v3;
	[tilespmem:s25+$0x4910] =	vst v1;
	v3 =	vmul.f32 v8, v3  }
0x18c: {  	[tilespmem:s25+$0x4920] =	vst v2  }
0x18d: {  	[tilespmem:s25+$0x4930] =	vst v4  }
.Ltmp10:
0x18e: {  	s29 =	sshra.s32 s28, $0x2;
	[tilespmem:s25+$0x4940] =	vst v0;
	(pc) =	sbr.rel @p1 .LBB2_23-.Ltmp10, $4  }
0x18f: {  	v0 =	vld [tilespmem:s29+$0x900];
	[tilespmem:s25+$0x4950] =	vst v5  }
0x190: {  	v1 =	vld [tilespmem:s29+$0x910];
	[tilespmem:s25+$0x4960] =	vst v6  }
0x191: {  	s26 =	sadd.s32 $0x10, s26;
	v2 =	vld [tilespmem:s29+$0x920];
	[tilespmem:s25+$0x4970] =	vst v3;
	s25 =	smov.u32 s29  }
0x192: {  	s28 =	sadd.s32 $0x200, s28;
	v3 =	vld [tilespmem:s26+$0x0]  }
0x193: {  	_ =	sdelay $0x3  }
0x194: {  	v4 =	vld [tilespmem:s25+$0x930];
	v3 =	vbroadcast v3, $0x2  }
0x195: {  	v5 =	vld [tilespmem:s25+$0x940]  }
0x196: {  	v6 =	vld [tilespmem:s25+$0x950];
	v0 =	vmul.f32 v3, v0  }
0x197: {  	v7 =	vld [tilespmem:s25+$0x960];
	v1 =	vmul.f32 v1, v3  }
0x198: {  	v8 =	vld [tilespmem:s25+$0x970];
	v2 =	vmul.f32 v2, v3;
	[tilespmem:s25+$0x4900] =	vst v0  }
0x199: {  	v59 =	vmul.f32 v4, v3;
	[tilespmem:s25+$0x4910] =	vst v1  }
0x19a: {  	v60 =	vmul.f32 v5, v3;
	[tilespmem:s25+$0x4920] =	vst v2  }
0x19b: {  	v61 =	vmul.f32 v6, v3;
	[tilespmem:s25+$0x4930] =	vst v59  }
0x19c: {  	v62 =	vmul.f32 v7, v3;
	[tilespmem:s25+$0x4940] =	vst v60  }
0x19d: {  	s24 =	sadd.s32 $0x1, s24;
	v63 =	vmul.f32 v8, v3;
	[tilespmem:s25+$0x4950] =	vst v61  }
0x19e: {  	p1 =	sne.s32 s24, $0x28;
	[tilespmem:s25+$0x4960] =	vst v62  }
.Ltmp11:
0x19f: {  	[tilespmem:s25+$0x4970] =	vst v63;
	(pc) =	sbr.rel @p1 .LBB2_22-.Ltmp11, $4  }
0x1a0: {  	[spmem:s1] =	stream.indirect.scatter.add.f32 [tilespmem:s22], [sflag:$0x1], $0x80, s20, s20, $0xb8;
	[tilespmem:$0x1C500] =	vst v63  }
0x1a1: {  	_ =	swait.ge [sflag:s19], $0x4000  }
0x1a2: {  	[sflag:s19] =	ssyncset.done $0x0  }
0x1a3: {  	[sflag:s19] =	ssyncadd.s32 $0xFFFFC000  }
0x1a4: {  	[bflag:$0x0] =	sbarrier.arrive $0xFFFF  }
0x1a5: {  	s23 =	sadd.s32 @!p0 $0xC5800, s9;
	s24 =	simm.s32 @!p0 $0x1C01;
	[bflag:$0x0] =	sbarrier.arrive @p0 $0xFFFF  }
0x1a6: {  	[hbm:s23], [sflag:s24] =	dma.local @!p0 [spmem:s18], $0x27800  }
0x1a7: {  	s23 =	simm.s32 @!p0 $0x1  }
0x1a8: {  	_ =	swait.ge @!p0 [sflag:s23], $0x27800  }
0x1a9: {  	[sflag:s23] =	ssyncset.done @!p0 $0x0  }
0x1aa: {  	[sflag:s23] =	ssyncadd.s32 @!p0 $0xFFFD8800  }
0x1ab: {  	[bflag:$0x0] =	sbarrier.arrive @!p0 $0xFFFF  }
0x1ac: {  	[spmem:s18], [sflag:s24] =	dma.local @!p0 [hbm:s7], $0x27800  }
0x1ad: {  	_ =	swait.ge @!p0 [sflag:s23], $0x27800  }
0x1ae: {  	[sflag:s23] =	ssyncset.done @!p0 $0x0  }
0x1af: {  	[sflag:s23] =	ssyncadd.s32 @!p0 $0xFFFD8800  }
0x1b0: {  	s24 =	simm.s32 $0x0;
	s23 =	simm.s32 $0x0;
	[bflag:$0x0] =	sbarrier.arrive $0xFFFF  }
.LBB2_26:
0x1b1: {  	s25 =	sadd.s32 s8, s24  }
0x1b2: {  	s26 =	sshll.u32 s25, $0x4  }
0x1b3: {  	s28 =	sadd.s32 s3, s26  }
0x1b4: {  	[tilespmem:s23], [sflag:$0x1] =	stream.linear.gather [hbm4b:s28+s23], $0x80, $0x38;
	[tilespmem:$0x1C500] =	vst v63  }
0x1b5: {  	_ =	swait.ge [sflag:s19], $0x80  }
0x1b6: {  	[sflag:s19] =	ssyncset.done $0x0  }
0x1b7: {  	s26 =	sadd.s32 s4, s26;
	[sflag:s19] =	ssyncadd.s32 $0xFFFFFF80  }
0x1b8: {  	[tilespmem:s20], [sflag:$0x1] =	stream.linear.gather [hbm4b:s26+s23], $0x80, $0x38;
	[tilespmem:$0x1C500] =	vst v63  }
0x1b9: {  	_ =	swait.ge [sflag:s19], $0x80  }
0x1ba: {  	s25 =	sshll.u32 s25, $0x8;
	[sflag:s19] =	ssyncset.done $0x0  }
0x1bb: {  	s25 =	sadd.s32 s6, s25;
	s26 =	simm.s32 $0x100;
	[sflag:s19] =	ssyncadd.s32 $0xFFFFFF80  }
0x1bc: {  	[tilespmem:s26], [sflag:$0x1] =	stream.linear.gather [hbm4b:s25+s23], $0x800, $0x38;
	[tilespmem:$0x1C500] =	vst v63  }
0x1bd: {  	_ =	swait.ge [sflag:s19], $0x800  }
0x1be: {  	[sflag:s19] =	ssyncset.done $0x0  }
0x1bf: {  	[sflag:s19] =	ssyncadd.s32 $0xFFFFF800  }
0x1c0: {  	[tilespmem:s21], [sflag:$0x1] =	stream.indirect.gather [hbm4b:s15+s20], $0x80, s23, s20, $0xb8;
	[tilespmem:$0x1C500] =	vst v63  }
0x1c1: {  	_ =	swait.ge [sflag:s19], $0x4000  }
0x1c2: {  	[sflag:s19] =	ssyncset.done $0x0  }
0x1c3: {  	s25 =	simm.s32 $0x0;
	[sflag:s19] =	ssyncadd.s32 $0xFFFFC000  }
0x1c4: {  	v0 =	vld [tilespmem:s25+$0x900]  }
0x1c5: {  	v1 =	vld [tilespmem:s25+$0x910]  }
0x1c6: {  	v2 =	vld [tilespmem:s25+$0x920]  }
0x1c7: {  	s28 =	simm.s32 $0x200;
	v3 =	vld [tilespmem:s26+$0x0]  }
.LBB2_27:
0x1c8: {  	p1 =	sne.s32 s28, $0xFE00;
	v4 =	vld [tilespmem:s25+$0x930]  }
0x1c9: {  	v5 =	vld [tilespmem:s25+$0x940]  }
0x1ca: {  	v6 =	vld [tilespmem:s25+$0x950]  }
0x1cb: {  	v7 =	vld [tilespmem:s25+$0x960]  }
0x1cc: {  	v3 =	vbroadcast v3, $0x3;
	v8 =	vld [tilespmem:s25+$0x970];
	_ =	sdelay $0x1  }
0x1cd: {  	v0 =	vmul.f32 v3, v0;
	v1 =	vmul.f32 v1, v3  }
0x1ce: {  	v2 =	vmul.f32 v2, v3;
	v4 =	vmul.f32 v4, v3  }
0x1cf: {  	[tilespmem:s25+$0x4900] =	vst v0;
	v0 =	vmul.f32 v5, v3;
	v5 =	vmul.f32 v6, v3  }
0x1d0: {  	v6 =	vmul.f32 v7, v3;
	[tilespmem:s25+$0x4910] =	vst v1;
	v3 =	vmul.f32 v8, v3  }
0x1d1: {  	[tilespmem:s25+$0x4920] =	vst v2  }
0x1d2: {  	[tilespmem:s25+$0x4930] =	vst v4  }
.Ltmp12:
0x1d3: {  	s29 =	sshra.s32 s28, $0x2;
	[tilespmem:s25+$0x4940] =	vst v0;
	(pc) =	sbr.rel @p1 .LBB2_27-.Ltmp12, $4  }
0x1d4: {  	v0 =	vld [tilespmem:s29+$0x900];
	[tilespmem:s25+$0x4950] =	vst v5  }
0x1d5: {  	v1 =	vld [tilespmem:s29+$0x910];
	[tilespmem:s25+$0x4960] =	vst v6  }
0x1d6: {  	s26 =	sadd.s32 $0x10, s26;
	v2 =	vld [tilespmem:s29+$0x920];
	[tilespmem:s25+$0x4970] =	vst v3;
	s25 =	smov.u32 s29  }
0x1d7: {  	s28 =	sadd.s32 $0x200, s28;
	v3 =	vld [tilespmem:s26+$0x0]  }
0x1d8: {  	_ =	sdelay $0x3  }
0x1d9: {  	v4 =	vld [tilespmem:s25+$0x930];
	v3 =	vbroadcast v3, $0x3  }
0x1da: {  	v5 =	vld [tilespmem:s25+$0x940]  }
0x1db: {  	v6 =	vld [tilespmem:s25+$0x950];
	v0 =	vmul.f32 v3, v0  }
0x1dc: {  	v7 =	vld [tilespmem:s25+$0x960];
	v1 =	vmul.f32 v1, v3  }
0x1dd: {  	v8 =	vld [tilespmem:s25+$0x970];
	v2 =	vmul.f32 v2, v3;
	[tilespmem:s25+$0x4900] =	vst v0  }
0x1de: {  	v59 =	vmul.f32 v4, v3;
	[tilespmem:s25+$0x4910] =	vst v1  }
0x1df: {  	v60 =	vmul.f32 v5, v3;
	[tilespmem:s25+$0x4920] =	vst v2  }
0x1e0: {  	v61 =	vmul.f32 v6, v3;
	[tilespmem:s25+$0x4930] =	vst v59  }
0x1e1: {  	v62 =	vmul.f32 v7, v3;
	[tilespmem:s25+$0x4940] =	vst v60  }
0x1e2: {  	s24 =	sadd.s32 $0x1, s24;
	v63 =	vmul.f32 v8, v3;
	[tilespmem:s25+$0x4950] =	vst v61  }
0x1e3: {  	p1 =	sne.s32 s24, $0x28;
	[tilespmem:s25+$0x4960] =	vst v62  }
.Ltmp13:
0x1e4: {  	[tilespmem:s25+$0x4970] =	vst v63;
	(pc) =	sbr.rel @p1 .LBB2_26-.Ltmp13, $4  }
0x1e5: {  	[spmem:s1] =	stream.indirect.scatter.add.f32 [tilespmem:s22], [sflag:$0x1], $0x80, s20, s20, $0xb8;
	[tilespmem:$0x1C500] =	vst v63  }
0x1e6: {  	_ =	swait.ge [sflag:s19], $0x4000  }
0x1e7: {  	[sflag:s19] =	ssyncset.done $0x0  }
0x1e8: {  	[sflag:s19] =	ssyncadd.s32 $0xFFFFC000  }
0x1e9: {  	[bflag:$0x0] =	sbarrier.arrive $0xFFFF  }
0x1ea: {  	s23 =	sadd.s32 @!p0 $0xED000, s9;
	s24 =	simm.s32 @!p0 $0x1C01;
	[bflag:$0x0] =	sbarrier.arrive @p0 $0xFFFF  }
0x1eb: {  	[hbm:s23], [sflag:s24] =	dma.local @!p0 [spmem:s18], $0x27800  }
0x1ec: {  	s23 =	simm.s32 @!p0 $0x1  }
0x1ed: {  	_ =	swait.ge @!p0 [sflag:s23], $0x27800  }
0x1ee: {  	[sflag:s23] =	ssyncset.done @!p0 $0x0  }
0x1ef: {  	[sflag:s23] =	ssyncadd.s32 @!p0 $0xFFFD8800  }
0x1f0: {  	[bflag:$0x0] =	sbarrier.arrive @!p0 $0xFFFF  }
0x1f1: {  	[spmem:s18], [sflag:s24] =	dma.local @!p0 [hbm:s7], $0x27800  }
0x1f2: {  	_ =	swait.ge @!p0 [sflag:s23], $0x27800  }
0x1f3: {  	[sflag:s23] =	ssyncset.done @!p0 $0x0  }
0x1f4: {  	[sflag:s23] =	ssyncadd.s32 @!p0 $0xFFFD8800  }
0x1f5: {  	s24 =	simm.s32 $0x0;
	s23 =	simm.s32 $0x0;
	[bflag:$0x0] =	sbarrier.arrive $0xFFFF  }
.LBB2_30:
0x1f6: {  	s25 =	sadd.s32 s8, s24  }
0x1f7: {  	s26 =	sshll.u32 s25, $0x4  }
0x1f8: {  	s28 =	sadd.s32 s3, s26  }
0x1f9: {  	[tilespmem:s23], [sflag:$0x1] =	stream.linear.gather [hbm4b:s28+s23], $0x80, $0x38;
	[tilespmem:$0x1C500] =	vst v63  }
0x1fa: {  	_ =	swait.ge [sflag:s19], $0x80  }
0x1fb: {  	[sflag:s19] =	ssyncset.done $0x0  }
0x1fc: {  	s26 =	sadd.s32 s4, s26;
	[sflag:s19] =	ssyncadd.s32 $0xFFFFFF80  }
0x1fd: {  	[tilespmem:s20], [sflag:$0x1] =	stream.linear.gather [hbm4b:s26+s23], $0x80, $0x38;
	[tilespmem:$0x1C500] =	vst v63  }
0x1fe: {  	_ =	swait.ge [sflag:s19], $0x80  }
0x1ff: {  	s25 =	sshll.u32 s25, $0x8;
	[sflag:s19] =	ssyncset.done $0x0  }
0x200: {  	s25 =	sadd.s32 s6, s25;
	s26 =	simm.s32 $0x100;
	[sflag:s19] =	ssyncadd.s32 $0xFFFFFF80  }
0x201: {  	[tilespmem:s26], [sflag:$0x1] =	stream.linear.gather [hbm4b:s25+s23], $0x800, $0x38;
	[tilespmem:$0x1C500] =	vst v63  }
0x202: {  	_ =	swait.ge [sflag:s19], $0x800  }
0x203: {  	[sflag:s19] =	ssyncset.done $0x0  }
0x204: {  	[sflag:s19] =	ssyncadd.s32 $0xFFFFF800  }
0x205: {  	[tilespmem:s21], [sflag:$0x1] =	stream.indirect.gather [hbm4b:s16+s20], $0x80, s23, s20, $0xb8;
	[tilespmem:$0x1C500] =	vst v63  }
0x206: {  	_ =	swait.ge [sflag:s19], $0x4000  }
0x207: {  	[sflag:s19] =	ssyncset.done $0x0  }
0x208: {  	s25 =	simm.s32 $0x0;
	[sflag:s19] =	ssyncadd.s32 $0xFFFFC000  }
0x209: {  	v0 =	vld [tilespmem:s25+$0x900]  }
0x20a: {  	v1 =	vld [tilespmem:s25+$0x910]  }
0x20b: {  	v2 =	vld [tilespmem:s25+$0x920]  }
0x20c: {  	s28 =	simm.s32 $0x200;
	v3 =	vld [tilespmem:s26+$0x0]  }
.LBB2_31:
0x20d: {  	p1 =	sne.s32 s28, $0xFE00;
	v4 =	vld [tilespmem:s25+$0x930]  }
0x20e: {  	v5 =	vld [tilespmem:s25+$0x940]  }
0x20f: {  	v6 =	vld [tilespmem:s25+$0x950]  }
0x210: {  	v7 =	vld [tilespmem:s25+$0x960]  }
0x211: {  	v3 =	vbroadcast v3, $0x3;
	v8 =	vld [tilespmem:s25+$0x970];
	_ =	sdelay $0x1  }
0x212: {  	v0 =	vmul.f32 v3, v0;
	v1 =	vmul.f32 v1, v3  }
0x213: {  	v2 =	vmul.f32 v2, v3;
	v4 =	vmul.f32 v4, v3  }
0x214: {  	[tilespmem:s25+$0x4900] =	vst v0;
	v0 =	vmul.f32 v5, v3;
	v5 =	vmul.f32 v6, v3  }
0x215: {  	v6 =	vmul.f32 v7, v3;
	[tilespmem:s25+$0x4910] =	vst v1;
	v3 =	vmul.f32 v8, v3  }
0x216: {  	[tilespmem:s25+$0x4920] =	vst v2  }
0x217: {  	[tilespmem:s25+$0x4930] =	vst v4  }
.Ltmp14:
0x218: {  	s29 =	sshra.s32 s28, $0x2;
	[tilespmem:s25+$0x4940] =	vst v0;
	(pc) =	sbr.rel @p1 .LBB2_31-.Ltmp14, $4  }
0x219: {  	v0 =	vld [tilespmem:s29+$0x900];
	[tilespmem:s25+$0x4950] =	vst v5  }
0x21a: {  	v1 =	vld [tilespmem:s29+$0x910];
	[tilespmem:s25+$0x4960] =	vst v6  }
0x21b: {  	s26 =	sadd.s32 $0x10, s26;
	v2 =	vld [tilespmem:s29+$0x920];
	[tilespmem:s25+$0x4970] =	vst v3;
	s25 =	smov.u32 s29  }
0x21c: {  	s28 =	sadd.s32 $0x200, s28;
	v3 =	vld [tilespmem:s26+$0x0]  }
0x21d: {  	_ =	sdelay $0x3  }
0x21e: {  	v4 =	vld [tilespmem:s25+$0x930];
	v3 =	vbroadcast v3, $0x3  }
0x21f: {  	v5 =	vld [tilespmem:s25+$0x940]  }
0x220: {  	v6 =	vld [tilespmem:s25+$0x950];
	v0 =	vmul.f32 v3, v0  }
0x221: {  	v7 =	vld [tilespmem:s25+$0x960];
	v1 =	vmul.f32 v1, v3  }
0x222: {  	v8 =	vld [tilespmem:s25+$0x970];
	v2 =	vmul.f32 v2, v3;
	[tilespmem:s25+$0x4900] =	vst v0  }
0x223: {  	v59 =	vmul.f32 v4, v3;
	[tilespmem:s25+$0x4910] =	vst v1  }
0x224: {  	v60 =	vmul.f32 v5, v3;
	[tilespmem:s25+$0x4920] =	vst v2  }
0x225: {  	v61 =	vmul.f32 v6, v3;
	[tilespmem:s25+$0x4930] =	vst v59  }
0x226: {  	v62 =	vmul.f32 v7, v3;
	[tilespmem:s25+$0x4940] =	vst v60  }
0x227: {  	s24 =	sadd.s32 $0x1, s24;
	v63 =	vmul.f32 v8, v3;
	[tilespmem:s25+$0x4950] =	vst v61  }
0x228: {  	p1 =	sne.s32 s24, $0x28;
	[tilespmem:s25+$0x4960] =	vst v62  }
.Ltmp15:
0x229: {  	[tilespmem:s25+$0x4970] =	vst v63;
	(pc) =	sbr.rel @p1 .LBB2_30-.Ltmp15, $4  }
0x22a: {  	[spmem:s1] =	stream.indirect.scatter.add.f32 [tilespmem:s22], [sflag:$0x1], $0x80, s20, s20, $0xb8;
	[tilespmem:$0x1C500] =	vst v63  }
0x22b: {  	_ =	swait.ge [sflag:s19], $0x4000  }
0x22c: {  	[sflag:s19] =	ssyncset.done $0x0  }
0x22d: {  	[sflag:s19] =	ssyncadd.s32 $0xFFFFC000  }
0x22e: {  	[bflag:$0x0] =	sbarrier.arrive $0xFFFF  }
0x22f: {  	s23 =	sadd.s32 @!p0 $0x114800, s9;
	s24 =	simm.s32 @!p0 $0x1C01;
	s2 =	sadd.s32 $0x1, s2  }
0x230: {  	[hbm:s23], [sflag:s24] =	dma.local @!p0 [spmem:s18], $0x27800  }
0x231: {  	s23 =	simm.s32 @!p0 $0x1;
	p1 =	sne.s32 s2, s17  }
.Ltmp16:
0x232: {  	_ =	swait.ge @!p0 [sflag:s23], $0x27800;
	(pc) =	sbr.rel @p1 .LBB2_1-.Ltmp16, $3  }
0x233: {  	[sflag:s23] =	ssyncset.done @!p0 $0x0  }
0x234: {  	[sflag:s23] =	ssyncadd.s32 @!p0 $0xFFFD8800  }
0x235: {  	[bflag:$0x0] =	sbarrier.arrive $0xFFFF;
	_ =	sdelay $0x1  }
0x236: {  	_ =	sfence.sel $0x180000  }
0x237: {  	[bflag:$0x0] =	sbarrier.arrive $0xFFFF  }
0x238: {  	_ =	strace $0x9000004A  }
0x239: {  	s0 =	sadd.s32 @!p0 $0x100000, s0;
	[bflag:$0x2] =	sbarrier.arrive $0xFFFF  }
0x23a: {  	[sflag:s0] =	ssyncadd.tile.s32 @!p0 $0x1;
	_ =	shalt  }
.Lfunc_end2:
_tile_overlayer_lowered:
.L_overlay_start_2:
0x23b: {  	(tag) =	ssettag $0x2  }
0x23c: {  	s0 =	rddreg [dreg:$0x0];
	s2 =	stileid.u32  }
0x23d: {  	s1 =	rddreg [dreg:$0x1];
	p0 =	sne.s32 s2, $0x0  }
0x23e: {  	s3 =	rddreg [dreg:$0x2];
	[bflag:$0x3] =	sbarrier.arrive $0xFFFF;
	s2 =	simm.s32 @!p0 $0x1C01  }
0x23f: {  	[timem:s3], [sflag:s2] =	dma.local @!p0 [hbm:s0], s1  }
0x240: {  	s0 =	simm.s32 @!p0 $0x1  }
0x241: {  	_ =	swait.ge @!p0 [sflag:s0], s1  }
0x242: {  	s1 =	ssub.s32 @!p0 $0x0, s1;
	[sflag:s0] =	ssyncset.done @!p0 $0x0  }
0x243: {  	[sflag:s0] =	ssyncadd.s32 @!p0 s1  }
0x244: {  	[bflag:$0x3] =	sbarrier.arrive $0xFFFF  }
0x245: {  	_ =	shalt  }

// kernel: kernel.8.cloned.1.call-start
scs
__scs_entry_jumppad:
0x0: {  	(pc) =	sbr.rel $0x88, $3  }
0x1: {  	(tag) =	ssettag $0x0;
	lr =	simm.s32 $0x1  }
0x2: {  	[smem:$0x3F94] =	sst lr;
	_ =	strace $0xD0000000  }
0x3: {  	_ = 	snop  }
0x4: {  	_ = 	snop  }
0x5: {  	_ = 	snop  }
0x6: {  	_ = 	snop  }
0x7: {  	_ = 	snop  }
__scs_overlays_trampoline_lowered:
0x8: {  	[smem:$0x3FA3] =	sst s0  }
0x9: {  	[smem:$0x3FA4] =	sst s1  }
0xa: {  	[smem:$0x3FA5] =	sst s2  }
0xb: {  	[smem:$0x3FA6] =	sst s3  }
0xc: {  	[smem:$0x3FA7] =	sst s4  }
0xd: {  	[smem:$0x3FA8] =	sst s5  }
0xe: {  	[smem:$0x3FA9] =	sst s6  }
0xf: {  	[smem:$0x3FAA] =	sst s7  }
0x10: {  	[smem:$0x3FAB] =	sst s8  }
0x11: {  	[smem:$0x3FAC] =	sst s9;
	s0 =	simm.s32 @!p0 $0x0  }
0x12: {  	s1 =	sld [smem:$0x3F92];
	s0 =	simm.s32 @p0 $0x1  }
0x13: {  	[smem:$0x3FAD] =	sst s0;
	s0 =	simm.s32 @!p1 $0x0  }
0x14: {  	s2 =	sld [smem:$0x3F91];
	s0 =	simm.s32 @p1 $0x1  }
0x15: {  	[smem:$0x3FAE] =	sst s0;
	s0 =	simm.s32 @!p2 $0x0  }
0x16: {  	s3 =	sld [smem:$0x3FDB];
	s0 =	simm.s32 @p2 $0x1  }
0x17: {  	s4 =	simm.s32 $0x1BF5;
	[smem:$0x3FB0] =	sst s0  }
0x18: {  	s0 =	sld [smem:$0x3F93];
	_ =	swait.ge [sflag:s4], $0x0  }
0x19: {  	s7 =	sld [smem:$0x3F94]  }
0x1a: {  	s8 =	sadd.s32 $0xFFFFE003, lr  }
0x1b: {  	s9 =	sadd.s32 $0xFFFFFEF7, lr;
	s5 =	simm.s32 $0xFFFFFFFF;
	p2 =	slt.u32 s8, $0xFFFFF086  }
0x1c: {  	p1 =	slt.u32 s9, $0xF7A;
	s5 =	simm.s32 @!p2 $0x0  }
0x1d: {  	s5 =	simm.s32 @p1 $0x1;
	p0 =	seq.s32 s7, s2  }
0x1e: {  	s7 =	smul.u32 @!p0 $0xF7A, s2;
	p2 =	seq.s32 @!p0 s5, $0x0  }
0x1f: {  	s9 =	smul.u32 $0xF7A, s1;
	s8 =	simm.s32 @!p0 $0x1BF5;
	p2 =	por !p2, p0  }
0x20: {  	[sflag:s8] =	ssyncset.s32 @!p0 $0xFFFFF086;
	s6 =	sadd.s32 @!p0 s3, s7;
	s7 =	simm.s32 @!p0 $0x108  }
0x21: {  	s3 =	sadd.s32 s3, s9;
	s6 =	sadd.s32 @!p0 $0x88, s6;
	s7 =	simm.s32 @p2 $0x1082  }
0x22: {  	[simem:s7], [sflag:s8] =	dma.local @!p0 [hbm:s6], $0xF7A  }
0x23: {  	s9 =	sor.u32 $0xD0000000, s2;
	s6 =	simm.s32 $0x108;
	_ =	swait.ge @!p0 [sflag:s8], $0x0  }
0x24: {  	s3 =	sadd.s32 $0x88, s3;
	s6 =	simm.s32 @!p1 $0x1082;
	[sflag:s4] =	ssyncset.s32 $0xFFFFF086  }
0x25: {  	[simem:s6], [sflag:s4] =	dma.local [hbm:s3], $0xF7A  }
0x26: {  	[smem:$0x3F94] =	sst s1;
	(tag) =	ssettag s2;
	_ =	strace s9  }
0x27: {  	s1 =	sld [smem:$0x3FA4]  }
0x28: {  	s2 =	sld [smem:$0x3FA5]  }
0x29: {  	s4 =	sld [smem:$0x3FA7]  }
0x2a: {  	p0 =	seq.s32 s5, $0x0;
	s5 =	sld [smem:$0x3FA8]  }
0x2b: {  	s6 =	sld [smem:$0x3FA9]  }
0x2c: {  	s7 =	sld [smem:$0x3FAA]  }
0x2d: {  	s3 =	simm.s32 $0x108;
	s8 =	sld [smem:$0x3FAB]  }
0x2e: {  	s3 =	simm.s32 @!p0 $0x1082;
	s9 =	sld [smem:$0x3FAC]  }
0x2f: {  	lr =	sadd.s32 s0, s3;
	s0 =	sld [smem:$0x3FA3]  }
0x30: {  	s3 =	sld [smem:$0x3FA6]  }
0x31: {  	[smem:$0x3FAF] =	sst s10  }
0x32: {  	s10 =	sld [smem:$0x3FAD];
	_ =	sdelay $0x3  }
0x33: {  	p0 =	seq.s32 s10, $0x1;
	s10 =	sld [smem:$0x3FAF];
	_ =	sdelay $0x3  }
0x34: {  	[smem:$0x3FAF] =	sst s10  }
0x35: {  	s10 =	sld [smem:$0x3FAE];
	_ =	sdelay $0x3  }
0x36: {  	p1 =	seq.s32 s10, $0x1;
	s10 =	sld [smem:$0x3FAF];
	_ =	sdelay $0x3  }
0x37: {  	[smem:$0x3FAF] =	sst s10  }
0x38: {  	s10 =	sld [smem:$0x3FB0]  }
0x39: {  	_ = 	snop;
	(pc) =	sbr.ind lr, $3  }
0x3a: {  	_ = 	snop  }
0x3b: {  	_ = 	snop  }
0x3c: {  	p2 =	seq.s32 s10, $0x1;
	s10 =	sld [smem:$0x3FAF]  }
0x3d: {  	_ =	shalt  }
0x3e: {  	_ =	shalt  }
0x3f: {  	_ =	shalt  }
0x40: {  	_ =	shalt  }
0x41: {  	_ =	shalt  }
0x42: {  	_ =	shalt  }
0x43: {  	_ =	shalt  }
0x44: {  	_ =	shalt  }
0x45: {  	_ =	shalt  }
0x46: {  	_ =	shalt  }
0x47: {  	_ =	shalt  }
0x48: {  	_ =	shalt  }
0x49: {  	_ =	shalt  }
0x4a: {  	_ =	shalt  }
0x4b: {  	_ =	shalt  }
0x4c: {  	_ =	shalt  }
0x4d: {  	_ =	shalt  }
0x4e: {  	_ =	shalt  }
0x4f: {  	_ =	shalt  }
0x50: {  	_ =	shalt  }
0x51: {  	_ =	shalt  }
0x52: {  	_ =	shalt  }
0x53: {  	_ =	shalt  }
0x54: {  	_ =	shalt  }
0x55: {  	_ =	shalt  }
0x56: {  	_ =	shalt  }
0x57: {  	_ =	shalt  }
0x58: {  	_ =	shalt  }
0x59: {  	_ =	shalt  }
0x5a: {  	_ =	shalt  }
0x5b: {  	_ =	shalt  }
0x5c: {  	_ =	shalt  }
0x5d: {  	_ =	shalt  }
0x5e: {  	_ =	shalt  }
0x5f: {  	_ =	shalt  }
0x60: {  	_ =	shalt  }
0x61: {  	_ =	shalt  }
0x62: {  	_ =	shalt  }
0x63: {  	_ =	shalt  }
0x64: {  	_ =	shalt  }
0x65: {  	_ =	shalt  }
0x66: {  	_ =	shalt  }
0x67: {  	_ =	shalt  }
0x68: {  	_ =	shalt  }
0x69: {  	_ =	shalt  }
0x6a: {  	_ =	shalt  }
0x6b: {  	_ =	shalt  }
0x6c: {  	_ =	shalt  }
0x6d: {  	_ =	shalt  }
0x6e: {  	_ =	shalt  }
0x6f: {  	_ =	shalt  }
0x70: {  	_ =	shalt  }
0x71: {  	_ =	shalt  }
0x72: {  	_ =	shalt  }
0x73: {  	_ =	shalt  }
0x74: {  	_ =	shalt  }
0x75: {  	_ =	shalt  }
0x76: {  	_ =	shalt  }
0x77: {  	_ =	shalt  }
0x78: {  	_ =	shalt  }
0x79: {  	_ =	shalt  }
0x7a: {  	_ =	shalt  }
0x7b: {  	_ =	shalt  }
0x7c: {  	_ =	shalt  }
0x7d: {  	_ =	shalt  }
0x7e: {  	_ =	shalt  }
0x7f: {  	_ =	shalt  }
0x80: {  	_ =	shalt  }
0x81: {  	_ =	shalt  }
0x82: {  	_ =	shalt  }
0x83: {  	_ =	shalt  }
0x84: {  	_ =	shalt  }
0x85: {  	_ =	shalt  }
0x86: {  	_ =	shalt  }
0x87: {  	_ =	shalt  }
.Lfunc_end0:
.L_simem_size_0:
called_computation_lowered:
.L_overlay_start_0:
0x88: {  	s2 =	sld [smem:$0x3FD9]  }
0x89: {  	s3 =	sld [smem:$0x3FFE];
	_ =	sdelay $0x1  }
0x8a: {  	s1 =	srdreg.scid  }
0x8b: {  	s0 =	sand.u32 $0x1, s1  }
0x8c: {  	s17 =	sshll.u32 s0, $0xA;
	s2 =	sadd.s32 s3, s2  }
0x8d: {  	s2 =	sadd.s32 s2, s17  }
0x8e: {  	[smem:$0x3FBB] =	sst s2  }
0x8f: {  	_ = 	snop  }
0x90: {  	s2 =	sld [smem:$0x3FD0];
	(tm) =	ssettm $0x1  }
0x91: {  	s18 =	sld [smem:$0x3FFB];
	_ =	sdelay $0x3  }
0x92: {  	_ =	strace s18  }
0x93: {  	s3 =	sld [smem:$0x3FFC];
	_ =	sdelay $0x3  }
0x94: {  	_ =	strace s3  }
0x95: {  	s3 =	sld [smem:$0x3FFD];
	_ =	sdelay $0x3  }
0x96: {  	_ =	strace s3  }
0x97: {  	_ =	strace $0x8FFFFFFF  }
0x98: {  	s19 =	sld [smem:$0x3FDB];
	_ =	sdelay $0x1  }
0x99: {  	s4 =	simm.s32 $_scs_section_size  }
0x9a: {  	s5 =	simm.s32 $_size__tile_overlayer_lowered;
	s6 =	simm.s32 $_tile_overlayer_lowered  }
0x9b: {  	s22 =	simm.s32 $0x1BFF;
	s21 =	sshll.u32 s6, $0x1;
	s3 =	sadd.s32 s4, s19  }
0x9c: {  	s7 =	simm.s32 $0x0;
	s20 =	sshll.u32 s5, $0x1;
	s5 =	sadd.s32 s21, s3  }
0x9d: {  	[timem:s7], [sflag:s22] =	dma.local [hbm:s5], s20  }
0x9e: {  	_ =	swait.ge [sflag:s22], s20  }
0x9f: {  	s4 =	ssub.s32 $0x0, s20;
	[sflag:s22] =	ssyncset.done $0x0  }
0xa0: {  	[sflag:s22] =	ssyncadd.s32 s4;
	_ =	sdelay $0x1  }
0xa1: {  	s23 =	simm.s32 $0x1B8B  }
0xa2: {  	_ =	swait.ge [sflag:s23], $0x1  }
0xa3: {  	[sflag:s23] =	ssyncset.done $0x0  }
0xa4: {  	s25 =	simm.s32 $0x1B8E;
	s24 =	sld [smem:$0x3FFE];
	[sflag:s23] =	ssyncadd.s32 $0xFFFFFFFF  }
0xa5: {  	s26 =	simm.s32 $execute0_lowered;
	[smem:$0x3FD2] =	sst s25  }
0xa6: {  	s5 =	sshll.u32 s26, $0x1;
	_ =	strace $0x80000046;
	[dreg:$0x1] =	wrdreg $0xFFFFFFFF  }
0xa7: {  	s28 =	simm.s32 $_size_execute0_lowered;
	s3 =	sadd.s32 s3, s5;
	[dreg:$0x0] =	wrdreg $0x0  }
0xa8: {  	s5 =	sshll.u32 s28, $0x1;
	[dreg:$0x2] =	wrdreg s3  }
0xa9: {  	[dreg:$0x3] =	wrdreg s5  }
0xaa: {  	[dreg:$0x4] =	wrdreg $0xC0  }
0xab: {  	_ =	task [dreg:s7], $0x5FFFF  }
0xac: {  	[dreg:$0x1] =	wrdreg $0xFFFFFFFF  }
0xad: {  	[dreg:$0x0] =	wrdreg $0x60  }
0xae: {  	[dreg:$0x2] =	wrdreg s24  }
0xaf: {  	[dreg:$0x3] =	wrdreg s2  }
0xb0: {  	[dreg:$0x4] =	wrdreg $0x69000  }
0xb1: {  	[dreg:$0x5] =	wrdreg $0x9  }
0xb2: {  	_ =	task.clear_ibuf [dreg:s7], $0x6FFFF;
	_ =	strace $0x90000046  }
0xb3: {  	s29 =	simm.s32 $0x9;
	_ =	strace $0x80000048  }
0xb4: {  	_ =	swait.ge [sflag:s29], $0x1  }
0xb5: {  	[sflag:s29] =	ssyncadd.s32 $0xFFFFFFFF  }
0xb6: {  	_ =	strace $0x90000048  }
0xb7: {  	_ =	sfence  }
0xb8: {  	s30 =	sld [smem:$0x0];
	_ =	sdelay $0x2  }
0xb9: {  	s31 =	sshll.u32 s1, $0xD;
	s1 =	sshrl.u32 s1, $0x2  }
0xba: {  	s3 =	sand.u32 $0x4000, s31;
	s1 =	sadd.s32 s1, s30  }
0xbb: {  	s0 =	sor.u32 s3, s0;
	s1 =	sshll.u32 s1, $0x11  }
0xbc: {  	s0 =	sor.u32 s1, s0  }
0xbd: {  	s0 =	sadd.s32 $0x8F2B, s0  }
0xbe: {  	[sflag:s0] =	ssyncadd.remote.s32 $0x1  }
0xbf: {  	_ =	sfence.sel $0xFFFF  }
0xc0: {  	[dreg:$0x0] =	wrdreg $0xFFFFFFFF;
	(pc) =	sbr.abs _section_cstart, $3  }
0xc1: {  	[dreg:$0x1] =	wrdreg $0xFFFFFFFF  }
0xc2: {  	_ =	task.clear_ibuf [dreg:s7], $0x2FFFF;
	_ =	strace $0x9FFFFFFF  }
0xc3: {  	(tm) =	ssettm $0x7FFFFFFF  }
tec
execute0_lowered:
.L_overlay_start_1:
0x0: {  	(tag) =	ssettag $0x1  }
0x1: {  	s9 =	rddreg [dreg:$0x0]  }
0x2: {  	s1 =	rddreg [dreg:$0x1]  }
0x3: {  	s2 =	rddreg [dreg:$0x2]  }
0x4: {  	s0 =	rddreg [dreg:$0x3];
	s3 =	simm.s32 $0x0  }
0x5: {  	s8 =	srdreg.scid;
	s12 =	stileid.u32;
	s16 =	simm.s32 $0x40  }
0x6: {  	s17 =	simm.s32 $0x100;
	s18 =	simm.s32 $0x2100;
	s19 =	simm.s32 $0x4500  }
0x7: {  	s20 =	simm.s32 $0x0;
	[smem:$0x7FF] =	sst s3;
	s4 =	sadd.s32 $0x35600, s9  }
0x8: {  	s5 =	sadd.s32 $0x8A600, s9;
	s6 =	sadd.s32 $0x3A600, s9;
	s7 =	sadd.s32 $0x8F600, s9  }
0x9: {  	s10 =	sand.u32 $0x1, s8;
	s14 =	sshll.u32 s12, $0x1;
	s8 =	sadd.s32 $0xB6E00, s9  }
0xa: {  	p0 =	sne.s32 s12, $0x0;
	_ =	strace $0x80000047;
	s11 =	smul.u32 $0x27800, s10  }
0xb: {  	s13 =	ssub.s32 $0x2, s10;
	s10 =	sor.u32 s10, s14;
	s12 =	sshrl.u32 @!p0 s2, $0x3  }
0xc: {  	s14 =	simm.s32 $0x1;
	s15 =	sshrl.u32 s13, $0x1;
	s11 =	sadd.s32 s11, s9  }
0xd: {  	s13 =	ssub.s32 s13, s15;
	s9 =	smul.u32 $0x50, s10;
	s15 =	simm.s32 $0x80  }
0xe: {  	s10 =	sadd.s32 $0x106E00, s11;
	s11 =	smax.u32 s13, $0x1;
	s13 =	simm.s32 $0x4900  }
.LBB2_1:
0xf: {  	s21 =	simm.s32 @!p0 $0x1C01  }
0x10: {  	[spmem:s12], [sflag:s21] =	dma.local @!p0 [hbm:s7], $0x27800  }
0x11: {  	s21 =	simm.s32 @!p0 $0x1  }
0x12: {  	_ =	swait.ge @!p0 [sflag:s21], $0x27800  }
0x13: {  	[sflag:s21] =	ssyncset.done @!p0 $0x0  }
0x14: {  	[sflag:s21] =	ssyncadd.s32 @!p0 $0xFFFD8800  }
0x15: {  	[tilespmem:s13], [sflag:$0x1] =	stream.linear.gather [hbm4b:s7+s3], $0x2000, $0x38;
	[tilespmem:$0x1A500] =	vst v63  }
0x16: {  	_ =	swait.ge [sflag:s14], $0x2000  }
0x17: {  	[sflag:s14] =	ssyncset.done $0x0  }
0x18: {  	[sflag:s14] =	ssyncadd.s32 $0xFFFFE000  }
0x19: {  	s21 =	simm.s32 $0x0;
	[bflag:$0x0] =	sbarrier.arrive $0xFFFF  }
.LBB2_2:
0x1a: {  	s22 =	sadd.s32 s9, s21  }
0x1b: {  	s23 =	sshll.u32 s22, $0x3  }
0x1c: {  	s25 =	simm.s32 $0x0;
	s24 =	sadd.s32 s4, s23  }
0x1d: {  	[tilespmem:s25], [sflag:$0x1] =	stream.linear.gather [hbm4b:s24+s25], $0x40, $0x38;
	[tilespmem:$0x1A500] =	vst v63  }
0x1e: {  	_ =	swait.ge [sflag:s14], $0x40  }
0x1f: {  	[sflag:s14] =	ssyncset.done $0x0  }
0x20: {  	s23 =	sadd.s32 s5, s23;
	[sflag:s14] =	ssyncadd.s32 $0xFFFFFFC0  }
0x21: {  	[tilespmem:s15], [sflag:$0x1] =	stream.linear.gather [hbm4b:s23+s25], $0x40, $0x38;
	[tilespmem:$0x1A500] =	vst v63  }
0x22: {  	_ =	swait.ge [sflag:s14], $0x40  }
0x23: {  	s22 =	sshll.u32 s22, $0x7;
	[sflag:s14] =	ssyncset.done $0x0  }
0x24: {  	s31 =	sadd.s32 s6, s22;
	s23 =	simm.s32 $0x4100;
	[sflag:s14] =	ssyncadd.s32 $0xFFFFFFC0  }
0x25: {  	[tilespmem:s23], [sflag:$0x1] =	stream.linear.gather [hbm4b:s31+s25], $0x400, $0x38;
	[tilespmem:$0x1A500] =	vst v63  }
0x26: {  	_ =	swait.ge [sflag:s14], $0x400  }
0x27: {  	[sflag:s14] =	ssyncset.done $0x0  }
0x28: {  	[sflag:s14] =	ssyncadd.s32 $0xFFFFFC00  }
0x29: {  	[tilespmem:s17], [sflag:$0x1] =	stream.indirect.gather [hbm4b:s1+s16], $0x80, s25, s16, $0xb8;
	[tilespmem:$0x1A500] =	vst v63  }
0x2a: {  	_ =	swait.ge [sflag:s14], $0x2000  }
0x2b: {  	[sflag:s14] =	ssyncset.done $0x0  }
0x2c: {  	[sflag:s14] =	ssyncadd.s32 $0xFFFFE000  }
0x2d: {  	[tilespmem:s18], [sflag:$0x1] =	stream.indirect.gather [hbm4b:s1+s16], $0x80, s15, s16, $0xb8;
	[tilespmem:$0x1A500] =	vst v63  }
0x2e: {  	_ =	swait.ge [sflag:s14], $0x2000  }
0x2f: {  	[sflag:s14] =	ssyncset.done $0x0  }
0x30: {  	s28 =	simm.s32 $0x0;
	[sflag:s14] =	ssyncadd.s32 $0xFFFFE000  }
0x31: {  	v0 =	vld [tilespmem:s28+$0x2110]  }
0x32: {  	v1 =	vld [tilespmem:s28+$0x100];
	_ =	sdelay $0x1  }
0x33: {  	v2 =	vld [tilespmem:s23+$0x0];
	_ =	sdelay $0x2  }
0x34: {  	v0 =	vadd.f32 v0, v1;
	_ =	sdelay $0x1  }
0x35: {  	v0 =	vadd.f32 v0, v2;
	_ =	sdelay $0x1  }
0x36: {  	v1 =	vmul.f32 $2.000000030e-01, v0  }
0x37: {  	vm0 =	vgt.f32 v0, $0.0e+00  }
0x38: {  	v0 =	vsel vm0, v0, v1  }
0x39: {  	v0 =	vmul.f32 $1.442695020e+00, v0;
	_ =	sdelay $0x1  }
0x3a: {  	(erf) = vpow2.f32 v0;
	_ =	sdelay $0x8  }
0x3b: {  	s25 =	simm.s32 $0x4500;
	v1 =	vpop (erf)  }
0x3c: {  	s24 =	simm.s32 $0x80;
	[tilespmem:s25+$0x0] =	vst v1  }
0x3d: {  	v0 =	vld [tilespmem:s24+$0x2110];
	[tilespmem:s28+$0x4900] =	vst v1  }
0x3e: {  	s26 =	simm.s32 $0x400;
	v1 =	vld [tilespmem:s24+$0x100];
	[tilespmem:s28+$0x4910] =	vst v2  }
.LBB2_3:
0x3f: {  	p1 =	sne.s32 s26, $0x7E00;
	s23 =	sadd.s32 $0x10, s23  }
0x40: {  	v2 =	vld [tilespmem:s23+$0x0];
	_ =	sdelay $0x2  }
0x41: {  	v0 =	vadd.f32 v0, v1;
	_ =	sdelay $0x1  }
0x42: {  	v0 =	vadd.f32 v0, v2;
	_ =	sdelay $0x1  }
0x43: {  	v1 =	vmul.f32 $2.000000030e-01, v0  }
0x44: {  	vm0 =	vgt.f32 v0, $0.0e+00  }
0x45: {  	v0 =	vsel vm0, v0, v1  }
0x46: {  	v0 =	vmul.f32 $1.442695020e+00, v0;
	_ =	sdelay $0x1  }
0x47: {  	(erf) = vpow2.f32 v0;
	_ =	sdelay $0x7  }
.Ltmp0:
0x48: {  	(pc) =	sbr.rel @p1 .LBB2_3-.Ltmp0, $4  }
0x49: {  	s25 =	sadd.s32 $0x10, s25;
	v1 =	vpop (erf)  }
0x4a: {  	s28 =	sshra.s32 s26, $0x2;
	[tilespmem:s25+$0x0] =	vst v1  }
0x4b: {  	v0 =	vld [tilespmem:s28+$0x2110];
	[tilespmem:s24+$0x4900] =	vst v1  }
0x4c: {  	s26 =	sadd.s32 $0x200, s26;
	v1 =	vld [tilespmem:s28+$0x100];
	[tilespmem:s24+$0x4910] =	vst v2;
	s24 =	smov.u32 s28  }
0x4d: {  	s23 =	sadd.s32 $0x10, s23  }
0x4e: {  	v2 =	vld [tilespmem:s23+$0x0];
	_ =	sdelay $0x2  }
0x4f: {  	v0 =	vadd.f32 v0, v1;
	_ =	sdelay $0x1  }
0x50: {  	v0 =	vadd.f32 v0, v2;
	_ =	sdelay $0x1  }
0x51: {  	v63 =	vmul.f32 $2.000000030e-01, v0  }
0x52: {  	vm0 =	vgt.f32 v0, $0.0e+00  }
0x53: {  	v0 =	vsel vm0, v0, v63  }
0x54: {  	v0 =	vmul.f32 $1.442695020e+00, v0;
	_ =	sdelay $0x1  }
0x55: {  	(erf) = vpow2.f32 v0;
	_ =	sdelay $0x8  }
0x56: {  	s31 =	sadd.s32 $0x10, s25;
	v0 =	vpop (erf)  }
0x57: {  	[tilespmem:s31+$0x0] =	vst v0  }
0x58: {  	[tilespmem:s24+$0x4900] =	vst v0  }
0x59: {  	[tilespmem:s24+$0x4910] =	vst v2  }
0x5a: {  	[spmem:s2] =	stream.indirect.scatter.add.f32 [tilespmem:s13], [sflag:$0x1], $0x80, s15, s16, $0xb8;
	[tilespmem:$0x1A500] =	vst v63  }
0x5b: {  	s21 =	sadd.s32 $0x1, s21;
	_ =	swait.ge [sflag:s14], $0x2000  }
0x5c: {  	p1 =	sne.s32 s21, $0x50;
	[sflag:s14] =	ssyncset.done $0x0  }
.Ltmp1:
0x5d: {  	s22 =	sadd.s32 s8, s22;
	[sflag:s14] =	ssyncadd.s32 $0xFFFFE000;
	(pc) =	sbr.rel @p1 .LBB2_2-.Ltmp1, $4  }
0x5e: {  	[hbm4b:s22+s3] =	stream.linear.scatter [tilespmem:s19], [sflag:$0x1], $0x400, $0x38;
	[tilespmem:$0x1A500] =	vst v63  }
0x5f: {  	_ =	swait.ge [sflag:s14], $0x400  }
0x60: {  	[sflag:s14] =	ssyncset.done $0x0  }
0x61: {  	[sflag:s14] =	ssyncadd.s32 $0xFFFFFC00  }
0x62: {  	[bflag:$0x0] =	sbarrier.arrive $0xFFFF;
	s21 =	simm.s32 @!p0 $0x1C01;
	s20 =	sadd.s32 $0x1, s20  }
0x63: {  	[hbm:s10], [sflag:s21] =	dma.local @!p0 [spmem:s12], $0x27800  }
0x64: {  	p1 =	sne.s32 s20, s11  }
.Ltmp2:
0x65: {  	_ = 	snop;
	(pc) =	sbr.rel @p1 .LBB2_1-.Ltmp2, $4  }
0x66: {  	s21 =	simm.s32 @!p0 $0x1  }
0x67: {  	_ =	swait.ge @!p0 [sflag:s21], $0x27800  }
0x68: {  	[sflag:s21] =	ssyncset.done @!p0 $0x0  }
0x69: {  	[sflag:s21] =	ssyncadd.s32 @!p0 $0xFFFD8800  }
0x6a: {  	_ =	sfence.sel $0x180000  }
0x6b: {  	[bflag:$0x0] =	sbarrier.arrive $0xFFFF  }
0x6c: {  	_ =	strace $0x90000047  }
0x6d: {  	s0 =	sadd.s32 @!p0 $0x100000, s0;
	[bflag:$0x2] =	sbarrier.arrive $0xFFFF  }
0x6e: {  	[sflag:s0] =	ssyncadd.tile.s32 @!p0 $0x1;
	_ =	shalt  }
.Lfunc_end2:
_tile_overlayer_lowered:
.L_overlay_start_2:
0x6f: {  	(tag) =	ssettag $0x2  }
0x70: {  	s0 =	rddreg [dreg:$0x0];
	s2 =	stileid.u32  }
0x71: {  	s1 =	rddreg [dreg:$0x1];
	p0 =	sne.s32 s2, $0x0  }
0x72: {  	s3 =	rddreg [dreg:$0x2];
	[bflag:$0x3] =	sbarrier.arrive $0xFFFF;
	s2 =	simm.s32 @!p0 $0x1C01  }
0x73: {  	[timem:s3], [sflag:s2] =	dma.local @!p0 [hbm:s0], s1  }
0x74: {  	s0 =	simm.s32 @!p0 $0x1  }
0x75: {  	_ =	swait.ge @!p0 [sflag:s0], s1  }
0x76: {  	s1 =	ssub.s32 @!p0 $0x0, s1;
	[sflag:s0] =	ssyncset.done @!p0 $0x0  }
0x77: {  	[sflag:s0] =	ssyncadd.s32 @!p0 s1  }
0x78: {  	[bflag:$0x3] =	sbarrier.arrive $0xFFFF  }
0x79: {  	_ =	shalt  }

</sc_bundles>
